<compile_context>
chip_gen: v7x
topology: tpu7x:2x2x1
jax: 0.10.2.dev20260603
libtpu: 0.0.44.dev20260713+nightly
codegen_flags: <defaults>
</compile_context>

<pallas_src>
import functools

import jax
import jax.numpy as jnp
from jax import lax
from jax.experimental import pallas as pl
from jax.experimental.pallas import tpu as pltpu
from jax.experimental.pallas import tpu_sc as plsc

N = 50000
E = 800000
B = 512
T = 10
H = 64
O = 15

NC = 2
NS = 16
NW = NC * NS

REAL_HALF = 25000
HALF = 25088
NPAD = 2 * HALF
PAD = HALF - REAL_HALF
TRASH = 25040
RPT = NPAD // NS

EPAD = 819200
EPT = EPAD // NS
EPC = EPAD // NC
EPW = EPC // NS
CHUNK = 512
ACH = 256
DCOL = 16

GACC = 640
GTRASH = 520
GRPT = GACC // NS
PCHUNK = 112
NPT = NPAD // NW

ROW_BLK = 512
GRID = NPAD // ROW_BLK


def _sc_mesh():
    return plsc.VectorSubcoreMesh(
        core_axis_name="c", subcore_axis_name="s", num_cores=NC, num_subcores=NS
    )




@functools.lru_cache(maxsize=None)
def _build_agg():

    @functools.partial(
        pl.kernel,
        out_type=jax.ShapeDtypeStruct((NC, NPAD, 32), jnp.float32),
        mesh=_sc_mesh(),
        compiler_params=pltpu.CompilerParams(use_tc_tiling_on_sc=False),
        scratch_types=[
            pltpu.VMEM((ACH,), jnp.int32),
            pltpu.VMEM((ACH,), jnp.int32),
            pltpu.VMEM((ACH,), jnp.int32),
            pltpu.VMEM((ACH,), jnp.int32),
            pltpu.VMEM((ACH, 32), jnp.float32),
            pltpu.VMEM((ACH, 32), jnp.float32),
            pltpu.VMEM_SHARED((NPAD, 32), jnp.float32),
            pltpu.SemaphoreType.DMA,
            pltpu.SemaphoreType.DMA,
        ],
    )
    def agg(g_hbm, src_hbm, dst_hbm, ztile_hbm, out_hbm,
            sa_v, sb_v, da_v, db_v, rowsa_v, rowsb_v, acc, sema, semb):
        c = lax.axis_index("c")
        s = lax.axis_index("s")
        pltpu.sync_copy(ztile_hbm, acc.at[pl.ds(s * RPT, RPT)])
        plsc.subcore_barrier()
        ebase = s * EPT
        gc = g_hbm.at[c]

        def eiter(i, carry):
            off = ebase + i * (2 * ACH)
            pltpu.sync_copy(src_hbm.at[pl.ds(off, ACH)], sa_v)
            ha = pltpu.async_copy(gc.at[sa_v], rowsa_v, sema)
            pltpu.sync_copy(src_hbm.at[pl.ds(off + ACH, ACH)], sb_v)
            hb = pltpu.async_copy(gc.at[sb_v], rowsb_v, semb)
            pltpu.sync_copy(dst_hbm.at[pl.ds(off, ACH)], da_v)
            pltpu.sync_copy(dst_hbm.at[pl.ds(off + ACH, ACH)], db_v)
            ha.wait()
            pltpu.sync_copy(rowsa_v, acc.at[da_v], add=True)
            hb.wait()
            pltpu.sync_copy(rowsb_v, acc.at[db_v], add=True)
            return carry

        lax.fori_loop(0, EPT // (2 * ACH), eiter, 0)
        plsc.subcore_barrier()
        pltpu.sync_copy(
            acc.at[pl.ds(s * RPT, RPT)],
            out_hbm.at[c, pl.ds(s * RPT, RPT)],
        )

    return agg


@functools.lru_cache(maxsize=None)
def _build_deg():

    @functools.partial(
        pl.kernel,
        out_type=jax.ShapeDtypeStruct((NC, NPAD, DCOL), jnp.float32),
        mesh=_sc_mesh(),
        compiler_params=pltpu.CompilerParams(use_tc_tiling_on_sc=False),
        scratch_types=[
            pltpu.VMEM((CHUNK,), jnp.int32),
            pltpu.VMEM((CHUNK, DCOL), jnp.float32),
            pltpu.VMEM_SHARED((NPAD, DCOL), jnp.float32),
        ],
    )
    def deg(dst_hbm, ztile_hbm, ones_hbm, out_hbm, d_v, ones_v, acc):
        c = lax.axis_index("c")
        s = lax.axis_index("s")
        pltpu.sync_copy(ztile_hbm, acc.at[pl.ds(s * RPT, RPT)])
        pltpu.sync_copy(ones_hbm, ones_v)
        plsc.subcore_barrier()
        ebase = c * EPC + s * EPW

        def eiter(i, carry):
            off = ebase + i * CHUNK
            pltpu.sync_copy(dst_hbm.at[pl.ds(off, CHUNK)], d_v)
            pltpu.sync_copy(ones_v, acc.at[d_v], add=True)
            return carry

        lax.fori_loop(0, EPW // CHUNK, eiter, 0)
        plsc.subcore_barrier()
        pltpu.sync_copy(
            acc.at[pl.ds(s * RPT, RPT)],
            out_hbm.at[c, pl.ds(s * RPT, RPT)],
        )

    return deg




def _l1_body(x_ref, deg_ref, embp_ref, w1_ref, g_ref, dinv_ref):
    pid = pl.program_id(0)
    x = x_ref[...]
    tt = lax.broadcasted_iota(jnp.int32, (1, 16), 1).astype(jnp.float32)
    oh = (x == tt).astype(jnp.float32)
    table = jnp.dot(embp_ref[...], w1_ref[...],
                    preferred_element_type=jnp.float32,
                    precision=lax.Precision.HIGHEST)
    cnt = deg_ref[0, :, 0:1] + deg_ref[1, :, 0:1]
    rid = pid * ROW_BLK + lax.broadcasted_iota(jnp.int32, (ROW_BLK, 1), 0)
    valid = (rid % HALF) < REAL_HALF
    dinv = jnp.where(valid, lax.rsqrt(1.0 + cnt), 0.0)
    g = jnp.dot(oh, table, preferred_element_type=jnp.float32,
                precision=lax.Precision.HIGHEST) * dinv
    g_ref[0] = g[:, :32]
    g_ref[1] = g[:, 32:]
    dinv_ref[...] = dinv


@functools.lru_cache(maxsize=None)
def _build_l1():
    return pl.pallas_call(
        _l1_body,
        grid=(GRID,),
        in_specs=[
            pl.BlockSpec((ROW_BLK, 1), lambda i: (i, 0)),
            pl.BlockSpec((NC, ROW_BLK, DCOL), lambda i: (0, i, 0)),
            pl.BlockSpec((16, H), lambda i: (0, 0)),
            pl.BlockSpec((H, H), lambda i: (0, 0)),
        ],
        out_specs=[
            pl.BlockSpec((NC, ROW_BLK, 32), lambda i: (0, i, 0)),
            pl.BlockSpec((ROW_BLK, 1), lambda i: (i, 0)),
        ],
        out_shape=[
            jax.ShapeDtypeStruct((NC, NPAD, 32), jnp.float32),
            jax.ShapeDtypeStruct((NPAD, 1), jnp.float32),
        ],
    )


def _l23_body(s_ref, g_ref, dinv_ref, b_ref, w_ref, gout_ref):
    dinv = dinv_ref[...]
    sg = jnp.concatenate([s_ref[0] + g_ref[0], s_ref[1] + g_ref[1]], axis=1)
    h = jnp.maximum(dinv * sg + b_ref[...], 0.0)
    g = jnp.dot(h, w_ref[...], preferred_element_type=jnp.float32,
                precision=lax.Precision.HIGHEST) * dinv
    gout_ref[0] = g[:, :32]
    gout_ref[1] = g[:, 32:]


@functools.lru_cache(maxsize=None)
def _build_l23():
    return pl.pallas_call(
        _l23_body,
        grid=(GRID,),
        in_specs=[
            pl.BlockSpec((NC, ROW_BLK, 32), lambda i: (0, i, 0)),
            pl.BlockSpec((NC, ROW_BLK, 32), lambda i: (0, i, 0)),
            pl.BlockSpec((ROW_BLK, 1), lambda i: (i, 0)),
            pl.BlockSpec((1, H), lambda i: (0, 0)),
            pl.BlockSpec((H, H), lambda i: (0, 0)),
        ],
        out_specs=pl.BlockSpec((NC, ROW_BLK, 32), lambda i: (0, i, 0)),
        out_shape=jax.ShapeDtypeStruct((NC, NPAD, 32), jnp.float32),
    )


def _comb_body(s_ref, g_ref, dinv_ref, b_ref, h_ref):
    sg = jnp.concatenate([s_ref[0] + g_ref[0], s_ref[1] + g_ref[1]], axis=1)
    h_ref[...] = jnp.maximum(dinv_ref[...] * sg + b_ref[...], 0.0)


@functools.lru_cache(maxsize=None)
def _build_comb():
    return pl.pallas_call(
        _comb_body,
        grid=(GRID,),
        in_specs=[
            pl.BlockSpec((NC, ROW_BLK, 32), lambda i: (0, i, 0)),
            pl.BlockSpec((NC, ROW_BLK, 32), lambda i: (0, i, 0)),
            pl.BlockSpec((ROW_BLK, 1), lambda i: (i, 0)),
            pl.BlockSpec((1, H), lambda i: (0, 0)),
        ],
        out_specs=pl.BlockSpec((ROW_BLK, H), lambda i: (i, 0)),
        out_shape=jax.ShapeDtypeStruct((NPAD, H), jnp.float32),
    )


@functools.lru_cache(maxsize=None)
def _build_pool():

    @functools.partial(
        pl.kernel,
        out_type=(
            jax.ShapeDtypeStruct((NC, GACC, H), jnp.float32),
            jax.ShapeDtypeStruct((NC, GACC, H), jnp.float32),
        ),
        mesh=_sc_mesh(),
        compiler_params=pltpu.CompilerParams(use_tc_tiling_on_sc=False),
        scratch_types=[
            pltpu.VMEM((PCHUNK,), jnp.int32),
            pltpu.VMEM((PCHUNK, H), jnp.float32),
            pltpu.VMEM((PCHUNK, H), jnp.float32),
            pltpu.VMEM_SHARED((GACC, H), jnp.float32),
            pltpu.VMEM_SHARED((GACC, H), jnp.float32),
        ],
    )
    def pool(h_hbm, b_hbm, zg_hbm, onesp_hbm, outp_hbm, outc_hbm,
             b_v, rows_v, ones_v, accp, accc):
        c = lax.axis_index("c")
        s = lax.axis_index("s")
        wid = s * NC + c
        pltpu.sync_copy(zg_hbm, accp.at[pl.ds(s * GRPT, GRPT)])
        pltpu.sync_copy(zg_hbm, accc.at[pl.ds(s * GRPT, GRPT)])
        pltpu.sync_copy(onesp_hbm, ones_v)
        plsc.subcore_barrier()
        nbase = wid * NPT

        def piter(i, carry):
            off = nbase + i * PCHUNK
            pltpu.sync_copy(b_hbm.at[pl.ds(off, PCHUNK)], b_v)
            pltpu.sync_copy(h_hbm.at[pl.ds(off, PCHUNK)], rows_v)
            pltpu.sync_copy(rows_v, accp.at[b_v], add=True)
            pltpu.sync_copy(ones_v, accc.at[b_v], add=True)
            return carry

        lax.fori_loop(0, NPT // PCHUNK, piter, 0)
        plsc.subcore_barrier()
        pltpu.sync_copy(accp.at[pl.ds(s * GRPT, GRPT)],
                        outp_hbm.at[c, pl.ds(s * GRPT, GRPT)])
        pltpu.sync_copy(accc.at[pl.ds(s * GRPT, GRPT)],
                        outc_hbm.at[c, pl.ds(s * GRPT, GRPT)])

    return pool


def _head_body(p_ref, cnt_ref, conc_ref, wc_ref, bc_ref,
               wf1_ref, bf1_ref, wf2_ref, bf2_ref, o_ref):
    sums = p_ref[0] + p_ref[1]
    cnts = cnt_ref[0, :, 0:1] + cnt_ref[1, :, 0:1]
    ge = sums[:B] / jnp.maximum(cnts[:B], 1.0)
    conc_e = conc_ref[...] * wc_ref[...] + bc_ref[...]
    h2 = jnp.maximum(
        jnp.dot(ge, wf1_ref[:H], preferred_element_type=jnp.float32,
                    precision=lax.Precision.HIGHEST)
        + jnp.dot(conc_e, wf1_ref[H:], preferred_element_type=jnp.float32,
                    precision=lax.Precision.HIGHEST)
        + bf1_ref[...], 0.0)
    o_ref[...] = jnp.dot(h2, wf2_ref[...],
                         preferred_element_type=jnp.float32,
                    precision=lax.Precision.HIGHEST) + bf2_ref[...]


@functools.lru_cache(maxsize=None)
def _build_head():
    return pl.pallas_call(
        _head_body,
        out_shape=jax.ShapeDtypeStruct((B, 128), jnp.float32),
    )




def kernel(x, edge_index, batch, concentration, emb,
           W1, b1, W2, b2, W3, b3, Wc, bc, Wf1, bf1, Wf2, bf2):
    f32 = jnp.float32
    src = edge_index[0]
    dst = edge_index[1]
    srcp = src + PAD * (src >= REAL_HALF).astype(jnp.int32)
    dstp = dst + PAD * (dst >= REAL_HALF).astype(jnp.int32)
    srcp = jnp.concatenate([srcp, jnp.zeros((EPAD - E,), jnp.int32)])
    dstp = jnp.concatenate([dstp, jnp.full((EPAD - E,), TRASH, jnp.int32)])

    padi = jnp.zeros((PAD,), jnp.int32)
    xp = jnp.concatenate([x[:REAL_HALF], padi, x[REAL_HALF:], padi])
    xp = xp.astype(f32).reshape(NPAD, 1)
    padb = jnp.full((PAD,), GTRASH, jnp.int32)
    batchp = jnp.concatenate([batch[:REAL_HALF], padb, batch[REAL_HALF:], padb])

    ztile32 = jnp.zeros((RPT, 32), f32)
    ztile16 = jnp.zeros((RPT, DCOL), f32)
    zg = jnp.zeros((GRPT, H), f32)
    ones16 = jnp.ones((CHUNK, DCOL), f32)
    ones_p = jnp.ones((PCHUNK, H), f32)
    embp = jnp.pad(emb, ((0, 16 - T), (0, 0)))
    wf2p = jnp.pad(Wf2, ((0, 0), (0, 128 - O)))
    bf2p = jnp.pad(bf2, (0, 128 - O)).reshape(1, 128)

    degr = _build_deg()(dstp, ztile16, ones16)
    g1, dinv = _build_l1()(xp, degr, embp, W1)
    s1 = _build_agg()(g1, srcp, dstp, ztile32)
    g2 = _build_l23()(s1, g1, dinv, b1.reshape(1, H), W2)
    s2 = _build_agg()(g2, srcp, dstp, ztile32)
    g3 = _build_l23()(s2, g2, dinv, b2.reshape(1, H), W3)
    s3 = _build_agg()(g3, srcp, dstp, ztile32)
    h3 = _build_comb()(s3, g3, dinv, b3.reshape(1, H))
    p, cnt = _build_pool()(h3, batchp, zg, ones_p)
    outp = _build_head()(p, cnt, concentration.reshape(B, 1), Wc,
                         bc.reshape(1, H), Wf1, bf1.reshape(1, H), wf2p, bf2p)
    return outp[:, :O]

# --- scband reference (transcript-rebuilt; emitter-appended) ---
"""Pipeline reference for scband-molecular-gnn-41532333752537 (READ-ONLY COPY).

The authoritative reference and input builder live on the scoring server;
editing this copy changes nothing except your own understanding.
"""

import jax, jax.numpy as jnp
import numpy as np

N = 50000
E = 800000
B = 512
T = 10
H = 64
O = 15


def _glorot(key, shape):
    limit = np.sqrt(6.0 / (shape[0] + shape[1]))
    return jax.random.uniform(key, shape, minval=-limit, maxval=limit, dtype=jnp.float32)


def setup_inputs(seed: int = 0) -> dict:
    key = jax.random.key(seed)
    ks = jax.random.split(key, 16)
    inp = {}
    inp['x'] = jax.random.randint(ks[0], (N,), 0, T, dtype=jnp.int32)
    inp['edge_index'] = jax.random.randint(ks[1], (2, E), 0, N, dtype=jnp.int32)
    inp['batch'] = jnp.sort(jax.random.randint(ks[2], (N,), 0, B, dtype=jnp.int32))
    inp['concentration'] = jax.random.uniform(ks[3], (B,), dtype=jnp.float32)
    # parameters
    inp['emb'] = jax.random.normal(ks[4], (T, H), dtype=jnp.float32)
    inp['W1'] = _glorot(ks[5], (H, H)); inp['b1'] = jnp.zeros((H,), jnp.float32)
    inp['W2'] = _glorot(ks[6], (H, H)); inp['b2'] = jnp.zeros((H,), jnp.float32)
    inp['W3'] = _glorot(ks[7], (H, H)); inp['b3'] = jnp.zeros((H,), jnp.float32)
    inp['Wc'] = _glorot(ks[8], (1, H)); inp['bc'] = jnp.zeros((H,), jnp.float32)
    inp['Wf1'] = _glorot(ks[9], (2 * H, H)); inp['bf1'] = jnp.zeros((H,), jnp.float32)
    inp['Wf2'] = _glorot(ks[10], (H, O)); inp['bf2'] = jnp.zeros((O,), jnp.float32)
    return inp


def _gcn_conv(h, edge_index, W, b):
    # PyG GCNConv: add self-loops, symmetric deg^{-1/2} normalization, linear first
    n = h.shape[0]
    loop = jnp.arange(n, dtype=edge_index.dtype)
    src = jnp.concatenate([edge_index[0], loop])
    dst = jnp.concatenate([edge_index[1], loop])
    deg = jnp.zeros((n,), jnp.float32).at[dst].add(1.0)
    dinv = jax.lax.rsqrt(deg)  # deg >= 1 due to self-loops
    norm = dinv[src] * dinv[dst]
    hw = h @ W
    msg = hw[src] * norm[:, None]
    out = jnp.zeros_like(hw).at[dst].add(msg)
    return out + b


def reference(x, edge_index, batch, concentration, emb, W1, b1, W2, b2, W3, b3, Wc, bc, Wf1, bf1, Wf2, bf2):
    h = jnp.take(emb, x, axis=0)  # node type embedding lookup
    h = jax.nn.relu(_gcn_conv(h, edge_index, W1, b1))
    h = jax.nn.relu(_gcn_conv(h, edge_index, W2, b2))
    h = jax.nn.relu(_gcn_conv(h, edge_index, W3, b3))
    # global_mean_pool over graph ids
    sums = jax.ops.segment_sum(h, batch, num_segments=B)
    cnts = jax.ops.segment_sum(jnp.ones((h.shape[0], 1), jnp.float32), batch, num_segments=B)
    graph_embedding = sums / jnp.maximum(cnts, 1.0)
    conc_embedding = concentration[:, None] @ Wc + bc  # Linear(1, H)
    combined = jnp.concatenate([graph_embedding, conc_embedding], axis=1)
    h2 = jax.nn.relu(combined @ Wf1 + bf1)
    # Dropout(0.2) is identity in eval mode
    out = h2 @ Wf2 + bf2
    return out

if __name__ == "__main__":
    import jax
    _d = setup_inputs()
    print(jax.jit(kernel)(*tuple(_d.values())))

</pallas_src>

<mosaic_0001>
#map = affine_map<(d0, d1) -> (0)>
#map1 = affine_map<(d0, d1) -> (0, 0)>
#map2 = affine_map<(d0, d1) -> (0, 0, 0)>
module attributes {stable_mosaic.version = 14 : i64} {
  func.func @deg(%arg0: i32, %arg1: i32, %arg2: memref<819200xi32, #tpu.memory_space<hbm>>, %arg3: memref<3136x16xf32, #tpu.memory_space<hbm>>, %arg4: memref<512x16xf32, #tpu.memory_space<hbm>>, %arg5: memref<2x50176x16xf32, #tpu.memory_space<hbm>>, %arg6: memref<512xi32, #tpu.memory_space<vmem>>, %arg7: memref<512x16xf32, #tpu.memory_space<vmem>>, %arg8: memref<50176x16xf32, #tpu.memory_space<vmem_shared>>) attributes {dimension_semantics = [#tpu.dimension_semantics<core_parallel>, #tpu.dimension_semantics<subcore_parallel>], iteration_bounds = array<i64: 2, 16>, scalar_prefetch = 0 : i64, scratch_operands = 3 : i64, tpu.core_type = #tpu.core_type<sc_vector_subcore>, window_params = [{transform_indices = #map}, {transform_indices = #map1}, {transform_indices = #map1}, {transform_indices = #map2}]} {
    %mul3A = arith.constant 3136 : i32
    %mul3A_0 = arith.muli %arg1, %mul3A : i32
    "tpu.region"() ({
      %run_scoped3A = tpu.sem_alloc : memref<!tpu.dma_semaphore, #tpu.memory_space<semaphore_mem>>
      %dma_start3A = arith.constant 0 : i32
      %dma_start3A_15 = tpu.memref_slice %arg8[%mul3A_0, %dma_start3A] : memref<50176x16xf32, #tpu.memory_space<vmem_shared>> -> memref<3136x16xf32, #tpu.memory_space<vmem_shared>>
      tpu.enqueue_dma source(%arg3 : memref<3136x16xf32, #tpu.memory_space<hbm>>) target(%dma_start3A_15 : memref<3136x16xf32, #tpu.memory_space<vmem_shared>>) target_semaphore(%run_scoped3A : memref<!tpu.dma_semaphore, #tpu.memory_space<semaphore_mem>>)
      %dma_wait3A = arith.constant 0 : i32
      %dma_wait3A_16 = tpu.memref_slice %arg8[%mul3A_0, %dma_wait3A] : memref<50176x16xf32, #tpu.memory_space<vmem_shared>> -> memref<3136x16xf32, #tpu.memory_space<vmem_shared>>
      tpu.wait_dma2 semaphore(%run_scoped3A : memref<!tpu.dma_semaphore, #tpu.memory_space<semaphore_mem>>) src(%arg3 : memref<3136x16xf32, #tpu.memory_space<hbm>>) dst(%dma_wait3A_16 : memref<3136x16xf32, #tpu.memory_space<vmem_shared>>)
      tpu.yield
    }) : () -> ()
    "tpu.region"() ({
      %run_scoped3A = tpu.sem_alloc : memref<!tpu.dma_semaphore, #tpu.memory_space<semaphore_mem>>
      tpu.enqueue_dma source(%arg4 : memref<512x16xf32, #tpu.memory_space<hbm>>) target(%arg7 : memref<512x16xf32, #tpu.memory_space<vmem>>) target_semaphore(%run_scoped3A : memref<!tpu.dma_semaphore, #tpu.memory_space<semaphore_mem>>)
      tpu.wait_dma2 semaphore(%run_scoped3A : memref<!tpu.dma_semaphore, #tpu.memory_space<semaphore_mem>>) src(%arg4 : memref<512x16xf32, #tpu.memory_space<hbm>>) dst(%arg7 : memref<512x16xf32, #tpu.memory_space<vmem>>)
      tpu.yield
    }) : () -> ()
    %barrier3A = arith.constant 0 : index
    tpu.barrier barrier_id(%barrier3A)
    %mul3A_1 = arith.constant 409600 : i32
    %mul3A_2 = arith.muli %arg0, %mul3A_1 : i32
    %mul3A_3 = arith.constant 25600 : i32
    %mul3A_4 = arith.muli %arg1, %mul3A_3 : i32
    %add3A = arith.addi %mul3A_2, %mul3A_4 : i32
    %scan3A = arith.constant 0 : i32
    %scan3A_5 = arith.constant 0 : i32
    %scan3A_6 = arith.constant 50 : i32
    %scan3A_7 = arith.addi %scan3A_5, %scan3A_6 : i32
    %scan3A_8 = arith.constant 1 : i32
    scf.for %scan3A_15 = %scan3A_5 to %scan3A_7 step %scan3A_8  : i32 {
      %mul3A_16 = arith.constant 512 : i32
      %mul3A_17 = arith.muli %scan3A_15, %mul3A_16 : i32
      %add3A_18 = arith.addi %add3A, %mul3A_17 : i32
      "tpu.region"() ({
        %run_scoped3A = tpu.sem_alloc : memref<!tpu.dma_semaphore, #tpu.memory_space<semaphore_mem>>
        %dma_start3A = tpu.memref_slice %arg2[%add3A_18] : memref<819200xi32, #tpu.memory_space<hbm>> -> memref<512xi32, #tpu.memory_space<hbm>>
        %dma_start3A_19 = tpu.memref_slice %arg2[%add3A_18] : memref<819200xi32, #tpu.memory_space<hbm>> -> memref<512xi32, #tpu.memory_space<hbm>>
        tpu.enqueue_dma source(%dma_start3A_19 : memref<512xi32, #tpu.memory_space<hbm>>) target(%arg6 : memref<512xi32, #tpu.memory_space<vmem>>) target_semaphore(%run_scoped3A : memref<!tpu.dma_semaphore, #tpu.memory_space<semaphore_mem>>)
        %dma_wait3A = tpu.memref_slice %arg2[%add3A_18] : memref<819200xi32, #tpu.memory_space<hbm>> -> memref<512xi32, #tpu.memory_space<hbm>>
        %dma_wait3A_20 = tpu.memref_slice %arg2[%add3A_18] : memref<819200xi32, #tpu.memory_space<hbm>> -> memref<512xi32, #tpu.memory_space<hbm>>
        tpu.wait_dma2 semaphore(%run_scoped3A : memref<!tpu.dma_semaphore, #tpu.memory_space<semaphore_mem>>) src(%dma_wait3A_20 : memref<512xi32, #tpu.memory_space<hbm>>) dst(%arg6 : memref<512xi32, #tpu.memory_space<vmem>>)
        tpu.yield
      }) : () -> ()
      "tpu.region"() ({
        %run_scoped3A = tpu.sem_alloc : memref<!tpu.dma_semaphore, #tpu.memory_space<semaphore_mem>>
        %dma_start3A = arith.constant 0 : i32
        %dma_start3A_19 = arith.constant 0 : i32
        %dma_start3A_20 = tpu.memref_slice %arg8[%dma_start3A, %dma_start3A_19] : memref<50176x16xf32, #tpu.memory_space<vmem_shared>> -> memref<50176x16xf32, #tpu.memory_space<vmem_shared>>
        tpu.enqueue_indirect_dma source(%arg7 : memref<512x16xf32, #tpu.memory_space<vmem>>) target(%dma_start3A_20 : memref<50176x16xf32, #tpu.memory_space<vmem_shared>>) offsets(%arg6 : memref<512xi32, #tpu.memory_space<vmem>>) semaphore(%run_scoped3A : memref<!tpu.dma_semaphore, #tpu.memory_space<semaphore_mem>>) {add = true}
        %dma_wait3A = arith.constant 0 : i32
        %dma_wait3A_21 = arith.constant 0 : i32
        %dma_wait3A_22 = tpu.memref_slice %arg8[%dma_wait3A, %dma_wait3A_21] : memref<50176x16xf32, #tpu.memory_space<vmem_shared>> -> memref<50176x16xf32, #tpu.memory_space<vmem_shared>>
        tpu.wait_indirect_dma semaphore(%run_scoped3A : memref<!tpu.dma_semaphore, #tpu.memory_space<semaphore_mem>>) src(%arg7 : memref<512x16xf32, #tpu.memory_space<vmem>>) dst(%dma_wait3A_22 : memref<50176x16xf32, #tpu.memory_space<vmem_shared>>)
        tpu.yield
      }) : () -> ()
    }
    %scan3A_9 = arith.constant 50 : i32
    %barrier3A_10 = arith.constant 0 : index
    tpu.barrier barrier_id(%barrier3A_10)
    %mul3A_11 = arith.constant 3136 : i32
    %mul3A_12 = arith.muli %arg1, %mul3A_11 : i32
    %mul3A_13 = arith.constant 3136 : i32
    %mul3A_14 = arith.muli %arg1, %mul3A_13 : i32
    "tpu.region"() ({
      %run_scoped3A = tpu.sem_alloc : memref<!tpu.dma_semaphore, #tpu.memory_space<semaphore_mem>>
      %dma_start3A = arith.constant 0 : i32
      %dma_start3A_15 = tpu.memref_slice %arg5[%arg0, %mul3A_14, %dma_start3A] : memref<2x50176x16xf32, #tpu.memory_space<hbm>> -> memref<1x3136x16xf32, #tpu.memory_space<hbm>>
      %dma_start3A_16 = tpu.memref_squeeze %dma_start3A_15 : memref<1x3136x16xf32, #tpu.memory_space<hbm>> -> memref<3136x16xf32, #tpu.memory_space<hbm>>
      %dma_start3A_17 = arith.constant 0 : i32
      %dma_start3A_18 = tpu.memref_slice %arg8[%mul3A_12, %dma_start3A_17] : memref<50176x16xf32, #tpu.memory_space<vmem_shared>> -> memref<3136x16xf32, #tpu.memory_space<vmem_shared>>
      tpu.enqueue_dma source(%dma_start3A_18 : memref<3136x16xf32, #tpu.memory_space<vmem_shared>>) target(%dma_start3A_16 : memref<3136x16xf32, #tpu.memory_space<hbm>>) target_semaphore(%run_scoped3A : memref<!tpu.dma_semaphore, #tpu.memory_space<semaphore_mem>>)
      %dma_wait3A = arith.constant 0 : i32
      %dma_wait3A_19 = tpu.memref_slice %arg5[%arg0, %mul3A_14, %dma_wait3A] : memref<2x50176x16xf32, #tpu.memory_space<hbm>> -> memref<1x3136x16xf32, #tpu.memory_space<hbm>>
      %dma_wait3A_20 = tpu.memref_squeeze %dma_wait3A_19 : memref<1x3136x16xf32, #tpu.memory_space<hbm>> -> memref<3136x16xf32, #tpu.memory_space<hbm>>
      %dma_wait3A_21 = arith.constant 0 : i32
      %dma_wait3A_22 = tpu.memref_slice %arg8[%mul3A_12, %dma_wait3A_21] : memref<50176x16xf32, #tpu.memory_space<vmem_shared>> -> memref<3136x16xf32, #tpu.memory_space<vmem_shared>>
      tpu.wait_dma2 semaphore(%run_scoped3A : memref<!tpu.dma_semaphore, #tpu.memory_space<semaphore_mem>>) src(%dma_wait3A_22 : memref<3136x16xf32, #tpu.memory_space<vmem_shared>>) dst(%dma_wait3A_20 : memref<3136x16xf32, #tpu.memory_space<hbm>>)
      tpu.yield
    }) : () -> ()
    return
  }
}

#map = affine_map<(d0, d1) -> (0, 0, 0)>
#map1 = affine_map<(d0, d1) -> (0)>
#map2 = affine_map<(d0, d1) -> (0, 0)>
module attributes {stable_mosaic.version = 14 : i64} {
  func.func @agg(%arg0: i32, %arg1: i32, %arg2: memref<2x50176x32xf32, #tpu.memory_space<hbm>>, %arg3: memref<819200xi32, #tpu.memory_space<hbm>>, %arg4: memref<819200xi32, #tpu.memory_space<hbm>>, %arg5: memref<3136x32xf32, #tpu.memory_space<hbm>>, %arg6: memref<2x50176x32xf32, #tpu.memory_space<hbm>>, %arg7: memref<256xi32, #tpu.memory_space<vmem>>, %arg8: memref<256xi32, #tpu.memory_space<vmem>>, %arg9: memref<256xi32, #tpu.memory_space<vmem>>, %arg10: memref<256xi32, #tpu.memory_space<vmem>>, %arg11: memref<256x32xf32, #tpu.memory_space<vmem>>, %arg12: memref<256x32xf32, #tpu.memory_space<vmem>>, %arg13: memref<50176x32xf32, #tpu.memory_space<vmem_shared>>, %arg14: memref<!tpu.dma_semaphore, #tpu.memory_space<semaphore_mem>>, %arg15: memref<!tpu.dma_semaphore, #tpu.memory_space<semaphore_mem>>) attributes {dimension_semantics = [#tpu.dimension_semantics<core_parallel>, #tpu.dimension_semantics<subcore_parallel>], iteration_bounds = array<i64: 2, 16>, scalar_prefetch = 0 : i64, scratch_operands = 9 : i64, tpu.core_type = #tpu.core_type<sc_vector_subcore>, window_params = [{transform_indices = #map}, {transform_indices = #map1}, {transform_indices = #map1}, {transform_indices = #map2}, {transform_indices = #map}]} {
    %mul3A = arith.constant 3136 : i32
    %mul3A_0 = arith.muli %arg1, %mul3A : i32
    "tpu.region"() ({
      %run_scoped3A = tpu.sem_alloc : memref<!tpu.dma_semaphore, #tpu.memory_space<semaphore_mem>>
      %dma_start3A = arith.constant 0 : i32
      %dma_start3A_13 = tpu.memref_slice %arg13[%mul3A_0, %dma_start3A] : memref<50176x32xf32, #tpu.memory_space<vmem_shared>> -> memref<3136x32xf32, #tpu.memory_space<vmem_shared>>
      tpu.enqueue_dma source(%arg5 : memref<3136x32xf32, #tpu.memory_space<hbm>>) target(%dma_start3A_13 : memref<3136x32xf32, #tpu.memory_space<vmem_shared>>) target_semaphore(%run_scoped3A : memref<!tpu.dma_semaphore, #tpu.memory_space<semaphore_mem>>)
      %dma_wait3A = arith.constant 0 : i32
      %dma_wait3A_14 = tpu.memref_slice %arg13[%mul3A_0, %dma_wait3A] : memref<50176x32xf32, #tpu.memory_space<vmem_shared>> -> memref<3136x32xf32, #tpu.memory_space<vmem_shared>>
      tpu.wait_dma2 semaphore(%run_scoped3A : memref<!tpu.dma_semaphore, #tpu.memory_space<semaphore_mem>>) src(%arg5 : memref<3136x32xf32, #tpu.memory_space<hbm>>) dst(%dma_wait3A_14 : memref<3136x32xf32, #tpu.memory_space<vmem_shared>>)
      tpu.yield
    }) : () -> ()
    %barrier3A = arith.constant 0 : index
    tpu.barrier barrier_id(%barrier3A)
    %mul3A_1 = arith.constant 51200 : i32
    %mul3A_2 = arith.muli %arg1, %mul3A_1 : i32
    %scan3A = arith.constant 0 : i32
    %scan3A_3 = arith.constant 0 : i32
    %scan3A_4 = arith.constant 100 : i32
    %scan3A_5 = arith.addi %scan3A_3, %scan3A_4 : i32
    %scan3A_6 = arith.constant 1 : i32
    scf.for %scan3A_13 = %scan3A_3 to %scan3A_5 step %scan3A_6  : i32 {
      %mul3A_14 = arith.constant 512 : i32
      %mul3A_15 = arith.muli %scan3A_13, %mul3A_14 : i32
      %add3A = arith.addi %mul3A_2, %mul3A_15 : i32
      "tpu.region"() ({
        %run_scoped3A = tpu.sem_alloc : memref<!tpu.dma_semaphore, #tpu.memory_space<semaphore_mem>>
        %dma_start3A_46 = tpu.memref_slice %arg3[%add3A] : memref<819200xi32, #tpu.memory_space<hbm>> -> memref<256xi32, #tpu.memory_space<hbm>>
        %dma_start3A_47 = tpu.memref_slice %arg3[%add3A] : memref<819200xi32, #tpu.memory_space<hbm>> -> memref<256xi32, #tpu.memory_space<hbm>>
        tpu.enqueue_dma source(%dma_start3A_47 : memref<256xi32, #tpu.memory_space<hbm>>) target(%arg7 : memref<256xi32, #tpu.memory_space<vmem>>) target_semaphore(%run_scoped3A : memref<!tpu.dma_semaphore, #tpu.memory_space<semaphore_mem>>)
        %dma_wait3A_48 = tpu.memref_slice %arg3[%add3A] : memref<819200xi32, #tpu.memory_space<hbm>> -> memref<256xi32, #tpu.memory_space<hbm>>
        %dma_wait3A_49 = tpu.memref_slice %arg3[%add3A] : memref<819200xi32, #tpu.memory_space<hbm>> -> memref<256xi32, #tpu.memory_space<hbm>>
        tpu.wait_dma2 semaphore(%run_scoped3A : memref<!tpu.dma_semaphore, #tpu.memory_space<semaphore_mem>>) src(%dma_wait3A_49 : memref<256xi32, #tpu.memory_space<hbm>>) dst(%arg7 : memref<256xi32, #tpu.memory_space<vmem>>)
        tpu.yield
      }) : () -> ()
      %dma_start3A = arith.constant 0 : i32
      %dma_start3A_16 = arith.constant 0 : i32
      %dma_start3A_17 = tpu.memref_slice %arg2[%arg0, %dma_start3A, %dma_start3A_16] : memref<2x50176x32xf32, #tpu.memory_space<hbm>> -> memref<1x50176x32xf32, #tpu.memory_space<hbm>>
      %dma_start3A_18 = tpu.memref_squeeze %dma_start3A_17 : memref<1x50176x32xf32, #tpu.memory_space<hbm>> -> memref<50176x32xf32, #tpu.memory_space<hbm>>
      %dma_start3A_19 = arith.constant 0 : i32
      %dma_start3A_20 = arith.constant 0 : i32
      %dma_start3A_21 = tpu.memref_slice %dma_start3A_18[%dma_start3A_19, %dma_start3A_20] : memref<50176x32xf32, #tpu.memory_space<hbm>> -> memref<50176x32xf32, #tpu.memory_space<hbm>>
      tpu.enqueue_indirect_dma source(%dma_start3A_21 : memref<50176x32xf32, #tpu.memory_space<hbm>>) target(%arg11 : memref<256x32xf32, #tpu.memory_space<vmem>>) offsets(%arg7 : memref<256xi32, #tpu.memory_space<vmem>>) semaphore(%arg14 : memref<!tpu.dma_semaphore, #tpu.memory_space<semaphore_mem>>)
      %add3A_22 = arith.constant 256 : i32
      %add3A_23 = arith.addi %add3A, %add3A_22 : i32
      "tpu.region"() ({
        %run_scoped3A = tpu.sem_alloc : memref<!tpu.dma_semaphore, #tpu.memory_space<semaphore_mem>>
        %dma_start3A_46 = tpu.memref_slice %arg3[%add3A_23] : memref<819200xi32, #tpu.memory_space<hbm>> -> memref<256xi32, #tpu.memory_space<hbm>>
        %dma_start3A_47 = tpu.memref_slice %arg3[%add3A_23] : memref<819200xi32, #tpu.memory_space<hbm>> -> memref<256xi32, #tpu.memory_space<hbm>>
        tpu.enqueue_dma source(%dma_start3A_47 : memref<256xi32, #tpu.memory_space<hbm>>) target(%arg8 : memref<256xi32, #tpu.memory_space<vmem>>) target_semaphore(%run_scoped3A : memref<!tpu.dma_semaphore, #tpu.memory_space<semaphore_mem>>)
        %dma_wait3A_48 = tpu.memref_slice %arg3[%add3A_23] : memref<819200xi32, #tpu.memory_space<hbm>> -> memref<256xi32, #tpu.memory_space<hbm>>
        %dma_wait3A_49 = tpu.memref_slice %arg3[%add3A_23] : memref<819200xi32, #tpu.memory_space<hbm>> -> memref<256xi32, #tpu.memory_space<hbm>>
        tpu.wait_dma2 semaphore(%run_scoped3A : memref<!tpu.dma_semaphore, #tpu.memory_space<semaphore_mem>>) src(%dma_wait3A_49 : memref<256xi32, #tpu.memory_space<hbm>>) dst(%arg8 : memref<256xi32, #tpu.memory_space<vmem>>)
        tpu.yield
      }) : () -> ()
      %dma_start3A_24 = arith.constant 0 : i32
      %dma_start3A_25 = arith.constant 0 : i32
      %dma_start3A_26 = tpu.memref_slice %arg2[%arg0, %dma_start3A_24, %dma_start3A_25] : memref<2x50176x32xf32, #tpu.memory_space<hbm>> -> memref<1x50176x32xf32, #tpu.memory_space<hbm>>
      %dma_start3A_27 = tpu.memref_squeeze %dma_start3A_26 : memref<1x50176x32xf32, #tpu.memory_space<hbm>> -> memref<50176x32xf32, #tpu.memory_space<hbm>>
      %dma_start3A_28 = arith.constant 0 : i32
      %dma_start3A_29 = arith.constant 0 : i32
      %dma_start3A_30 = tpu.memref_slice %dma_start3A_27[%dma_start3A_28, %dma_start3A_29] : memref<50176x32xf32, #tpu.memory_space<hbm>> -> memref<50176x32xf32, #tpu.memory_space<hbm>>
      tpu.enqueue_indirect_dma source(%dma_start3A_30 : memref<50176x32xf32, #tpu.memory_space<hbm>>) target(%arg12 : memref<256x32xf32, #tpu.memory_space<vmem>>) offsets(%arg8 : memref<256xi32, #tpu.memory_space<vmem>>) semaphore(%arg15 : memref<!tpu.dma_semaphore, #tpu.memory_space<semaphore_mem>>)
      "tpu.region"() ({
        %run_scoped3A = tpu.sem_alloc : memref<!tpu.dma_semaphore, #tpu.memory_space<semaphore_mem>>
        %dma_start3A_46 = tpu.memref_slice %arg4[%add3A] : memref<819200xi32, #tpu.memory_space<hbm>> -> memref<256xi32, #tpu.memory_space<hbm>>
        %dma_start3A_47 = tpu.memref_slice %arg4[%add3A] : memref<819200xi32, #tpu.memory_space<hbm>> -> memref<256xi32, #tpu.memory_space<hbm>>
        tpu.enqueue_dma source(%dma_start3A_47 : memref<256xi32, #tpu.memory_space<hbm>>) target(%arg9 : memref<256xi32, #tpu.memory_space<vmem>>) target_semaphore(%run_scoped3A : memref<!tpu.dma_semaphore, #tpu.memory_space<semaphore_mem>>)
        %dma_wait3A_48 = tpu.memref_slice %arg4[%add3A] : memref<819200xi32, #tpu.memory_space<hbm>> -> memref<256xi32, #tpu.memory_space<hbm>>
        %dma_wait3A_49 = tpu.memref_slice %arg4[%add3A] : memref<819200xi32, #tpu.memory_space<hbm>> -> memref<256xi32, #tpu.memory_space<hbm>>
        tpu.wait_dma2 semaphore(%run_scoped3A : memref<!tpu.dma_semaphore, #tpu.memory_space<semaphore_mem>>) src(%dma_wait3A_49 : memref<256xi32, #tpu.memory_space<hbm>>) dst(%arg9 : memref<256xi32, #tpu.memory_space<vmem>>)
        tpu.yield
      }) : () -> ()
      %add3A_31 = arith.constant 256 : i32
      %add3A_32 = arith.addi %add3A, %add3A_31 : i32
      "tpu.region"() ({
        %run_scoped3A = tpu.sem_alloc : memref<!tpu.dma_semaphore, #tpu.memory_space<semaphore_mem>>
        %dma_start3A_46 = tpu.memref_slice %arg4[%add3A_32] : memref<819200xi32, #tpu.memory_space<hbm>> -> memref<256xi32, #tpu.memory_space<hbm>>
        %dma_start3A_47 = tpu.memref_slice %arg4[%add3A_32] : memref<819200xi32, #tpu.memory_space<hbm>> -> memref<256xi32, #tpu.memory_space<hbm>>
        tpu.enqueue_dma source(%dma_start3A_47 : memref<256xi32, #tpu.memory_space<hbm>>) target(%arg10 : memref<256xi32, #tpu.memory_space<vmem>>) target_semaphore(%run_scoped3A : memref<!tpu.dma_semaphore, #tpu.memory_space<semaphore_mem>>)
        %dma_wait3A_48 = tpu.memref_slice %arg4[%add3A_32] : memref<819200xi32, #tpu.memory_space<hbm>> -> memref<256xi32, #tpu.memory_space<hbm>>
        %dma_wait3A_49 = tpu.memref_slice %arg4[%add3A_32] : memref<819200xi32, #tpu.memory_space<hbm>> -> memref<256xi32, #tpu.memory_space<hbm>>
        tpu.wait_dma2 semaphore(%run_scoped3A : memref<!tpu.dma_semaphore, #tpu.memory_space<semaphore_mem>>) src(%dma_wait3A_49 : memref<256xi32, #tpu.memory_space<hbm>>) dst(%arg10 : memref<256xi32, #tpu.memory_space<vmem>>)
        tpu.yield
      }) : () -> ()
      %dma_wait3A = arith.constant 0 : i32
      %dma_wait3A_33 = arith.constant 0 : i32
      %dma_wait3A_34 = tpu.memref_slice %arg2[%arg0, %dma_wait3A, %dma_wait3A_33] : memref<2x50176x32xf32, #tpu.memory_space<hbm>> -> memref<1x50176x32xf32, #tpu.memory_space<hbm>>
      %dma_wait3A_35 = tpu.memref_squeeze %dma_wait3A_34 : memref<1x50176x32xf32, #tpu.memory_space<hbm>> -> memref<50176x32xf32, #tpu.memory_space<hbm>>
      %dma_wait3A_36 = arith.constant 0 : i32
      %dma_wait3A_37 = arith.constant 0 : i32
      %dma_wait3A_38 = tpu.memref_slice %dma_wait3A_35[%dma_wait3A_36, %dma_wait3A_37] : memref<50176x32xf32, #tpu.memory_space<hbm>> -> memref<50176x32xf32, #tpu.memory_space<hbm>>
      tpu.wait_indirect_dma semaphore(%arg14 : memref<!tpu.dma_semaphore, #tpu.memory_space<semaphore_mem>>) src(%dma_wait3A_38 : memref<50176x32xf32, #tpu.memory_space<hbm>>) dst(%arg11 : memref<256x32xf32, #tpu.memory_space<vmem>>)
      "tpu.region"() ({
        %run_scoped3A = tpu.sem_alloc : memref<!tpu.dma_semaphore, #tpu.memory_space<semaphore_mem>>
        %dma_start3A_46 = arith.constant 0 : i32
        %dma_start3A_47 = arith.constant 0 : i32
        %dma_start3A_48 = tpu.memref_slice %arg13[%dma_start3A_46, %dma_start3A_47] : memref<50176x32xf32, #tpu.memory_space<vmem_shared>> -> memref<50176x32xf32, #tpu.memory_space<vmem_shared>>
        tpu.enqueue_indirect_dma source(%arg11 : memref<256x32xf32, #tpu.memory_space<vmem>>) target(%dma_start3A_48 : memref<50176x32xf32, #tpu.memory_space<vmem_shared>>) offsets(%arg9 : memref<256xi32, #tpu.memory_space<vmem>>) semaphore(%run_scoped3A : memref<!tpu.dma_semaphore, #tpu.memory_space<semaphore_mem>>) {add = true}
        %dma_wait3A_49 = arith.constant 0 : i32
        %dma_wait3A_50 = arith.constant 0 : i32
        %dma_wait3A_51 = tpu.memref_slice %arg13[%dma_wait3A_49, %dma_wait3A_50] : memref<50176x32xf32, #tpu.memory_space<vmem_shared>> -> memref<50176x32xf32, #tpu.memory_space<vmem_shared>>
        tpu.wait_indirect_dma semaphore(%run_scoped3A : memref<!tpu.dma_semaphore, #tpu.memory_space<semaphore_mem>>) src(%arg11 : memref<256x32xf32, #tpu.memory_space<vmem>>) dst(%dma_wait3A_51 : memref<50176x32xf32, #tpu.memory_space<vmem_shared>>)
        tpu.yield
      }) : () -> ()
      %dma_wait3A_39 = arith.constant 0 : i32
      %dma_wait3A_40 = arith.constant 0 : i32
      %dma_wait3A_41 = tpu.memref_slice %arg2[%arg0, %dma_wait3A_39, %dma_wait3A_40] : memref<2x50176x32xf32, #tpu.memory_space<hbm>> -> memref<1x50176x32xf32, #tpu.memory_space<hbm>>
      %dma_wait3A_42 = tpu.memref_squeeze %dma_wait3A_41 : memref<1x50176x32xf32, #tpu.memory_space<hbm>> -> memref<50176x32xf32, #tpu.memory_space<hbm>>
      %dma_wait3A_43 = arith.constant 0 : i32
      %dma_wait3A_44 = arith.constant 0 : i32
      %dma_wait3A_45 = tpu.memref_slice %dma_wait3A_42[%dma_wait3A_43, %dma_wait3A_44] : memref<50176x32xf32, #tpu.memory_space<hbm>> -> memref<50176x32xf32, #tpu.memory_space<hbm>>
      tpu.wait_indirect_dma semaphore(%arg15 : memref<!tpu.dma_semaphore, #tpu.memory_space<semaphore_mem>>) src(%dma_wait3A_45 : memref<50176x32xf32, #tpu.memory_space<hbm>>) dst(%arg12 : memref<256x32xf32, #tpu.memory_space<vmem>>)
      "tpu.region"() ({
        %run_scoped3A = tpu.sem_alloc : memref<!tpu.dma_semaphore, #tpu.memory_space<semaphore_mem>>
        %dma_start3A_46 = arith.constant 0 : i32
        %dma_start3A_47 = arith.constant 0 : i32
        %dma_start3A_48 = tpu.memref_slice %arg13[%dma_start3A_46, %dma_start3A_47] : memref<50176x32xf32, #tpu.memory_space<vmem_shared>> -> memref<50176x32xf32, #tpu.memory_space<vmem_shared>>
        tpu.enqueue_indirect_dma source(%arg12 : memref<256x32xf32, #tpu.memory_space<vmem>>) target(%dma_start3A_48 : memref<50176x32xf32, #tpu.memory_space<vmem_shared>>) offsets(%arg10 : memref<256xi32, #tpu.memory_space<vmem>>) semaphore(%run_scoped3A : memref<!tpu.dma_semaphore, #tpu.memory_space<semaphore_mem>>) {add = true}
        %dma_wait3A_49 = arith.constant 0 : i32
        %dma_wait3A_50 = arith.constant 0 : i32
        %dma_wait3A_51 = tpu.memref_slice %arg13[%dma_wait3A_49, %dma_wait3A_50] : memref<50176x32xf32, #tpu.memory_space<vmem_shared>> -> memref<50176x32xf32, #tpu.memory_space<vmem_shared>>
        tpu.wait_indirect_dma semaphore(%run_scoped3A : memref<!tpu.dma_semaphore, #tpu.memory_space<semaphore_mem>>) src(%arg12 : memref<256x32xf32, #tpu.memory_space<vmem>>) dst(%dma_wait3A_51 : memref<50176x32xf32, #tpu.memory_space<vmem_shared>>)
        tpu.yield
      }) : () -> ()
    }
    %scan3A_7 = arith.constant 100 : i32
    %barrier3A_8 = arith.constant 0 : index
    tpu.barrier barrier_id(%barrier3A_8)
    %mul3A_9 = arith.constant 3136 : i32
    %mul3A_10 = arith.muli %arg1, %mul3A_9 : i32
    %mul3A_11 = arith.constant 3136 : i32
    %mul3A_12 = arith.muli %arg1, %mul3A_11 : i32
    "tpu.region"() ({
      %run_scoped3A = tpu.sem_alloc : memref<!tpu.dma_semaphore, #tpu.memory_space<semaphore_mem>>
      %dma_start3A = arith.constant 0 : i32
      %dma_start3A_13 = tpu.memref_slice %arg6[%arg0, %mul3A_12, %dma_start3A] : memref<2x50176x32xf32, #tpu.memory_space<hbm>> -> memref<1x3136x32xf32, #tpu.memory_space<hbm>>
      %dma_start3A_14 = tpu.memref_squeeze %dma_start3A_13 : memref<1x3136x32xf32, #tpu.memory_space<hbm>> -> memref<3136x32xf32, #tpu.memory_space<hbm>>
      %dma_start3A_15 = arith.constant 0 : i32
      %dma_start3A_16 = tpu.memref_slice %arg13[%mul3A_10, %dma_start3A_15] : memref<50176x32xf32, #tpu.memory_space<vmem_shared>> -> memref<3136x32xf32, #tpu.memory_space<vmem_shared>>
      tpu.enqueue_dma source(%dma_start3A_16 : memref<3136x32xf32, #tpu.memory_space<vmem_shared>>) target(%dma_start3A_14 : memref<3136x32xf32, #tpu.memory_space<hbm>>) target_semaphore(%run_scoped3A : memref<!tpu.dma_semaphore, #tpu.memory_space<semaphore_mem>>)
      %dma_wait3A = arith.constant 0 : i32
      %dma_wait3A_17 = tpu.memref_slice %arg6[%arg0, %mul3A_12, %dma_wait3A] : memref<2x50176x32xf32, #tpu.memory_space<hbm>> -> memref<1x3136x32xf32, #tpu.memory_space<hbm>>
      %dma_wait3A_18 = tpu.memref_squeeze %dma_wait3A_17 : memref<1x3136x32xf32, #tpu.memory_space<hbm>> -> memref<3136x32xf32, #tpu.memory_space<hbm>>
      %dma_wait3A_19 = arith.constant 0 : i32
      %dma_wait3A_20 = tpu.memref_slice %arg13[%mul3A_10, %dma_wait3A_19] : memref<50176x32xf32, #tpu.memory_space<vmem_shared>> -> memref<3136x32xf32, #tpu.memory_space<vmem_shared>>
      tpu.wait_dma2 semaphore(%run_scoped3A : memref<!tpu.dma_semaphore, #tpu.memory_space<semaphore_mem>>) src(%dma_wait3A_20 : memref<3136x32xf32, #tpu.memory_space<vmem_shared>>) dst(%dma_wait3A_18 : memref<3136x32xf32, #tpu.memory_space<hbm>>)
      tpu.yield
    }) : () -> ()
    return
  }
}

#map = affine_map<(d0, d1) -> (0, 0, 0)>
#map1 = affine_map<(d0, d1) -> (0)>
#map2 = affine_map<(d0, d1) -> (0, 0)>
module attributes {stable_mosaic.version = 14 : i64} {
  func.func @agg(%arg0: i32, %arg1: i32, %arg2: memref<2x50176x32xf32, #tpu.memory_space<hbm>>, %arg3: memref<819200xi32, #tpu.memory_space<hbm>>, %arg4: memref<819200xi32, #tpu.memory_space<hbm>>, %arg5: memref<3136x32xf32, #tpu.memory_space<hbm>>, %arg6: memref<2x50176x32xf32, #tpu.memory_space<hbm>>, %arg7: memref<256xi32, #tpu.memory_space<vmem>>, %arg8: memref<256xi32, #tpu.memory_space<vmem>>, %arg9: memref<256xi32, #tpu.memory_space<vmem>>, %arg10: memref<256xi32, #tpu.memory_space<vmem>>, %arg11: memref<256x32xf32, #tpu.memory_space<vmem>>, %arg12: memref<256x32xf32, #tpu.memory_space<vmem>>, %arg13: memref<50176x32xf32, #tpu.memory_space<vmem_shared>>, %arg14: memref<!tpu.dma_semaphore, #tpu.memory_space<semaphore_mem>>, %arg15: memref<!tpu.dma_semaphore, #tpu.memory_space<semaphore_mem>>) attributes {dimension_semantics = [#tpu.dimension_semantics<core_parallel>, #tpu.dimension_semantics<subcore_parallel>], iteration_bounds = array<i64: 2, 16>, scalar_prefetch = 0 : i64, scratch_operands = 9 : i64, tpu.core_type = #tpu.core_type<sc_vector_subcore>, window_params = [{transform_indices = #map}, {transform_indices = #map1}, {transform_indices = #map1}, {transform_indices = #map2}, {transform_indices = #map}]} {
    %mul3A = arith.constant 3136 : i32
    %mul3A_0 = arith.muli %arg1, %mul3A : i32
    "tpu.region"() ({
      %run_scoped3A = tpu.sem_alloc : memref<!tpu.dma_semaphore, #tpu.memory_space<semaphore_mem>>
      %dma_start3A = arith.constant 0 : i32
      %dma_start3A_13 = tpu.memref_slice %arg13[%mul3A_0, %dma_start3A] : memref<50176x32xf32, #tpu.memory_space<vmem_shared>> -> memref<3136x32xf32, #tpu.memory_space<vmem_shared>>
      tpu.enqueue_dma source(%arg5 : memref<3136x32xf32, #tpu.memory_space<hbm>>) target(%dma_start3A_13 : memref<3136x32xf32, #tpu.memory_space<vmem_shared>>) target_semaphore(%run_scoped3A : memref<!tpu.dma_semaphore, #tpu.memory_space<semaphore_mem>>)
      %dma_wait3A = arith.constant 0 : i32
      %dma_wait3A_14 = tpu.memref_slice %arg13[%mul3A_0, %dma_wait3A] : memref<50176x32xf32, #tpu.memory_space<vmem_shared>> -> memref<3136x32xf32, #tpu.memory_space<vmem_shared>>
      tpu.wait_dma2 semaphore(%run_scoped3A : memref<!tpu.dma_semaphore, #tpu.memory_space<semaphore_mem>>) src(%arg5 : memref<3136x32xf32, #tpu.memory_space<hbm>>) dst(%dma_wait3A_14 : memref<3136x32xf32, #tpu.memory_space<vmem_shared>>)
      tpu.yield
    }) : () -> ()
    %barrier3A = arith.constant 0 : index
    tpu.barrier barrier_id(%barrier3A)
    %mul3A_1 = arith.constant 51200 : i32
    %mul3A_2 = arith.muli %arg1, %mul3A_1 : i32
    %scan3A = arith.constant 0 : i32
    %scan3A_3 = arith.constant 0 : i32
    %scan3A_4 = arith.constant 100 : i32
    %scan3A_5 = arith.addi %scan3A_3, %scan3A_4 : i32
    %scan3A_6 = arith.constant 1 : i32
    scf.for %scan3A_13 = %scan3A_3 to %scan3A_5 step %scan3A_6  : i32 {
      %mul3A_14 = arith.constant 512 : i32
      %mul3A_15 = arith.muli %scan3A_13, %mul3A_14 : i32
      %add3A = arith.addi %mul3A_2, %mul3A_15 : i32
      "tpu.region"() ({
        %run_scoped3A = tpu.sem_alloc : memref<!tpu.dma_semaphore, #tpu.memory_space<semaphore_mem>>
        %dma_start3A_46 = tpu.memref_slice %arg3[%add3A] : memref<819200xi32, #tpu.memory_space<hbm>> -> memref<256xi32, #tpu.memory_space<hbm>>
        %dma_start3A_47 = tpu.memref_slice %arg3[%add3A] : memref<819200xi32, #tpu.memory_space<hbm>> -> memref<256xi32, #tpu.memory_space<hbm>>
        tpu.enqueue_dma source(%dma_start3A_47 : memref<256xi32, #tpu.memory_space<hbm>>) target(%arg7 : memref<256xi32, #tpu.memory_space<vmem>>) target_semaphore(%run_scoped3A : memref<!tpu.dma_semaphore, #tpu.memory_space<semaphore_mem>>)
        %dma_wait3A_48 = tpu.memref_slice %arg3[%add3A] : memref<819200xi32, #tpu.memory_space<hbm>> -> memref<256xi32, #tpu.memory_space<hbm>>
        %dma_wait3A_49 = tpu.memref_slice %arg3[%add3A] : memref<819200xi32, #tpu.memory_space<hbm>> -> memref<256xi32, #tpu.memory_space<hbm>>
        tpu.wait_dma2 semaphore(%run_scoped3A : memref<!tpu.dma_semaphore, #tpu.memory_space<semaphore_mem>>) src(%dma_wait3A_49 : memref<256xi32, #tpu.memory_space<hbm>>) dst(%arg7 : memref<256xi32, #tpu.memory_space<vmem>>)
        tpu.yield
      }) : () -> ()
      %dma_start3A = arith.constant 0 : i32
      %dma_start3A_16 = arith.constant 0 : i32
      %dma_start3A_17 = tpu.memref_slice %arg2[%arg0, %dma_start3A, %dma_start3A_16] : memref<2x50176x32xf32, #tpu.memory_space<hbm>> -> memref<1x50176x32xf32, #tpu.memory_space<hbm>>
      %dma_start3A_18 = tpu.memref_squeeze %dma_start3A_17 : memref<1x50176x32xf32, #tpu.memory_space<hbm>> -> memref<50176x32xf32, #tpu.memory_space<hbm>>
      %dma_start3A_19 = arith.constant 0 : i32
      %dma_start3A_20 = arith.constant 0 : i32
      %dma_start3A_21 = tpu.memref_slice %dma_start3A_18[%dma_start3A_19, %dma_start3A_20] : memref<50176x32xf32, #tpu.memory_space<hbm>> -> memref<50176x32xf32, #tpu.memory_space<hbm>>
      tpu.enqueue_indirect_dma source(%dma_start3A_21 : memref<50176x32xf32, #tpu.memory_space<hbm>>) target(%arg11 : memref<256x32xf32, #tpu.memory_space<vmem>>) offsets(%arg7 : memref<256xi32, #tpu.memory_space<vmem>>) semaphore(%arg14 : memref<!tpu.dma_semaphore, #tpu.memory_space<semaphore_mem>>)
      %add3A_22 = arith.constant 256 : i32
      %add3A_23 = arith.addi %add3A, %add3A_22 : i32
      "tpu.region"() ({
        %run_scoped3A = tpu.sem_alloc : memref<!tpu.dma_semaphore, #tpu.memory_space<semaphore_mem>>
        %dma_start3A_46 = tpu.memref_slice %arg3[%add3A_23] : memref<819200xi32, #tpu.memory_space<hbm>> -> memref<256xi32, #tpu.memory_space<hbm>>
        %dma_start3A_47 = tpu.memref_slice %arg3[%add3A_23] : memref<819200xi32, #tpu.memory_space<hbm>> -> memref<256xi32, #tpu.memory_space<hbm>>
        tpu.enqueue_dma source(%dma_start3A_47 : memref<256xi32, #tpu.memory_space<hbm>>) target(%arg8 : memref<256xi32, #tpu.memory_space<vmem>>) target_semaphore(%run_scoped3A : memref<!tpu.dma_semaphore, #tpu.memory_space<semaphore_mem>>)
        %dma_wait3A_48 = tpu.memref_slice %arg3[%add3A_23] : memref<819200xi32, #tpu.memory_space<hbm>> -> memref<256xi32, #tpu.memory_space<hbm>>
        %dma_wait3A_49 = tpu.memref_slice %arg3[%add3A_23] : memref<819200xi32, #tpu.memory_space<hbm>> -> memref<256xi32, #tpu.memory_space<hbm>>
        tpu.wait_dma2 semaphore(%run_scoped3A : memref<!tpu.dma_semaphore, #tpu.memory_space<semaphore_mem>>) src(%dma_wait3A_49 : memref<256xi32, #tpu.memory_space<hbm>>) dst(%arg8 : memref<256xi32, #tpu.memory_space<vmem>>)
        tpu.yield
      }) : () -> ()
      %dma_start3A_24 = arith.constant 0 : i32
      %dma_start3A_25 = arith.constant 0 : i32
      %dma_start3A_26 = tpu.memref_slice %arg2[%arg0, %dma_start3A_24, %dma_start3A_25] : memref<2x50176x32xf32, #tpu.memory_space<hbm>> -> memref<1x50176x32xf32, #tpu.memory_space<hbm>>
      %dma_start3A_27 = tpu.memref_squeeze %dma_start3A_26 : memref<1x50176x32xf32, #tpu.memory_space<hbm>> -> memref<50176x32xf32, #tpu.memory_space<hbm>>
      %dma_start3A_28 = arith.constant 0 : i32
      %dma_start3A_29 = arith.constant 0 : i32
      %dma_start3A_30 = tpu.memref_slice %dma_start3A_27[%dma_start3A_28, %dma_start3A_29] : memref<50176x32xf32, #tpu.memory_space<hbm>> -> memref<50176x32xf32, #tpu.memory_space<hbm>>
      tpu.enqueue_indirect_dma source(%dma_start3A_30 : memref<50176x32xf32, #tpu.memory_space<hbm>>) target(%arg12 : memref<256x32xf32, #tpu.memory_space<vmem>>) offsets(%arg8 : memref<256xi32, #tpu.memory_space<vmem>>) semaphore(%arg15 : memref<!tpu.dma_semaphore, #tpu.memory_space<semaphore_mem>>)
      "tpu.region"() ({
        %run_scoped3A = tpu.sem_alloc : memref<!tpu.dma_semaphore, #tpu.memory_space<semaphore_mem>>
        %dma_start3A_46 = tpu.memref_slice %arg4[%add3A] : memref<819200xi32, #tpu.memory_space<hbm>> -> memref<256xi32, #tpu.memory_space<hbm>>
        %dma_start3A_47 = tpu.memref_slice %arg4[%add3A] : memref<819200xi32, #tpu.memory_space<hbm>> -> memref<256xi32, #tpu.memory_space<hbm>>
        tpu.enqueue_dma source(%dma_start3A_47 : memref<256xi32, #tpu.memory_space<hbm>>) target(%arg9 : memref<256xi32, #tpu.memory_space<vmem>>) target_semaphore(%run_scoped3A : memref<!tpu.dma_semaphore, #tpu.memory_space<semaphore_mem>>)
        %dma_wait3A_48 = tpu.memref_slice %arg4[%add3A] : memref<819200xi32, #tpu.memory_space<hbm>> -> memref<256xi32, #tpu.memory_space<hbm>>
        %dma_wait3A_49 = tpu.memref_slice %arg4[%add3A] : memref<819200xi32, #tpu.memory_space<hbm>> -> memref<256xi32, #tpu.memory_space<hbm>>
        tpu.wait_dma2 semaphore(%run_scoped3A : memref<!tpu.dma_semaphore, #tpu.memory_space<semaphore_mem>>) src(%dma_wait3A_49 : memref<256xi32, #tpu.memory_space<hbm>>) dst(%arg9 : memref<256xi32, #tpu.memory_space<vmem>>)
        tpu.yield
      }) : () -> ()
      %add3A_31 = arith.constant 256 : i32
      %add3A_32 = arith.addi %add3A, %add3A_31 : i32
      "tpu.region"() ({
        %run_scoped3A = tpu.sem_alloc : memref<!tpu.dma_semaphore, #tpu.memory_space<semaphore_mem>>
        %dma_start3A_46 = tpu.memref_slice %arg4[%add3A_32] : memref<819200xi32, #tpu.memory_space<hbm>> -> memref<256xi32, #tpu.memory_space<hbm>>
        %dma_start3A_47 = tpu.memref_slice %arg4[%add3A_32] : memref<819200xi32, #tpu.memory_space<hbm>> -> memref<256xi32, #tpu.memory_space<hbm>>
        tpu.enqueue_dma source(%dma_start3A_47 : memref<256xi32, #tpu.memory_space<hbm>>) target(%arg10 : memref<256xi32, #tpu.memory_space<vmem>>) target_semaphore(%run_scoped3A : memref<!tpu.dma_semaphore, #tpu.memory_space<semaphore_mem>>)
        %dma_wait3A_48 = tpu.memref_slice %arg4[%add3A_32] : memref<819200xi32, #tpu.memory_space<hbm>> -> memref<256xi32, #tpu.memory_space<hbm>>
        %dma_wait3A_49 = tpu.memref_slice %arg4[%add3A_32] : memref<819200xi32, #tpu.memory_space<hbm>> -> memref<256xi32, #tpu.memory_space<hbm>>
        tpu.wait_dma2 semaphore(%run_scoped3A : memref<!tpu.dma_semaphore, #tpu.memory_space<semaphore_mem>>) src(%dma_wait3A_49 : memref<256xi32, #tpu.memory_space<hbm>>) dst(%arg10 : memref<256xi32, #tpu.memory_space<vmem>>)
        tpu.yield
      }) : () -> ()
      %dma_wait3A = arith.constant 0 : i32
      %dma_wait3A_33 = arith.constant 0 : i32
      %dma_wait3A_34 = tpu.memref_slice %arg2[%arg0, %dma_wait3A, %dma_wait3A_33] : memref<2x50176x32xf32, #tpu.memory_space<hbm>> -> memref<1x50176x32xf32, #tpu.memory_space<hbm>>
      %dma_wait3A_35 = tpu.memref_squeeze %dma_wait3A_34 : memref<1x50176x32xf32, #tpu.memory_space<hbm>> -> memref<50176x32xf32, #tpu.memory_space<hbm>>
      %dma_wait3A_36 = arith.constant 0 : i32
      %dma_wait3A_37 = arith.constant 0 : i32
      %dma_wait3A_38 = tpu.memref_slice %dma_wait3A_35[%dma_wait3A_36, %dma_wait3A_37] : memref<50176x32xf32, #tpu.memory_space<hbm>> -> memref<50176x32xf32, #tpu.memory_space<hbm>>
      tpu.wait_indirect_dma semaphore(%arg14 : memref<!tpu.dma_semaphore, #tpu.memory_space<semaphore_mem>>) src(%dma_wait3A_38 : memref<50176x32xf32, #tpu.memory_space<hbm>>) dst(%arg11 : memref<256x32xf32, #tpu.memory_space<vmem>>)
      "tpu.region"() ({
        %run_scoped3A = tpu.sem_alloc : memref<!tpu.dma_semaphore, #tpu.memory_space<semaphore_mem>>
        %dma_start3A_46 = arith.constant 0 : i32
        %dma_start3A_47 = arith.constant 0 : i32
        %dma_start3A_48 = tpu.memref_slice %arg13[%dma_start3A_46, %dma_start3A_47] : memref<50176x32xf32, #tpu.memory_space<vmem_shared>> -> memref<50176x32xf32, #tpu.memory_space<vmem_shared>>
        tpu.enqueue_indirect_dma source(%arg11 : memref<256x32xf32, #tpu.memory_space<vmem>>) target(%dma_start3A_48 : memref<50176x32xf32, #tpu.memory_space<vmem_shared>>) offsets(%arg9 : memref<256xi32, #tpu.memory_space<vmem>>) semaphore(%run_scoped3A : memref<!tpu.dma_semaphore, #tpu.memory_space<semaphore_mem>>) {add = true}
        %dma_wait3A_49 = arith.constant 0 : i32
        %dma_wait3A_50 = arith.constant 0 : i32
        %dma_wait3A_51 = tpu.memref_slice %arg13[%dma_wait3A_49, %dma_wait3A_50] : memref<50176x32xf32, #tpu.memory_space<vmem_shared>> -> memref<50176x32xf32, #tpu.memory_space<vmem_shared>>
        tpu.wait_indirect_dma semaphore(%run_scoped3A : memref<!tpu.dma_semaphore, #tpu.memory_space<semaphore_mem>>) src(%arg11 : memref<256x32xf32, #tpu.memory_space<vmem>>) dst(%dma_wait3A_51 : memref<50176x32xf32, #tpu.memory_space<vmem_shared>>)
        tpu.yield
      }) : () -> ()
      %dma_wait3A_39 = arith.constant 0 : i32
      %dma_wait3A_40 = arith.constant 0 : i32
      %dma_wait3A_41 = tpu.memref_slice %arg2[%arg0, %dma_wait3A_39, %dma_wait3A_40] : memref<2x50176x32xf32, #tpu.memory_space<hbm>> -> memref<1x50176x32xf32, #tpu.memory_space<hbm>>
      %dma_wait3A_42 = tpu.memref_squeeze %dma_wait3A_41 : memref<1x50176x32xf32, #tpu.memory_space<hbm>> -> memref<50176x32xf32, #tpu.memory_space<hbm>>
      %dma_wait3A_43 = arith.constant 0 : i32
      %dma_wait3A_44 = arith.constant 0 : i32
      %dma_wait3A_45 = tpu.memref_slice %dma_wait3A_42[%dma_wait3A_43, %dma_wait3A_44] : memref<50176x32xf32, #tpu.memory_space<hbm>> -> memref<50176x32xf32, #tpu.memory_space<hbm>>
      tpu.wait_indirect_dma semaphore(%arg15 : memref<!tpu.dma_semaphore, #tpu.memory_space<semaphore_mem>>) src(%dma_wait3A_45 : memref<50176x32xf32, #tpu.memory_space<hbm>>) dst(%arg12 : memref<256x32xf32, #tpu.memory_space<vmem>>)
      "tpu.region"() ({
        %run_scoped3A = tpu.sem_alloc : memref<!tpu.dma_semaphore, #tpu.memory_space<semaphore_mem>>
        %dma_start3A_46 = arith.constant 0 : i32
        %dma_start3A_47 = arith.constant 0 : i32
        %dma_start3A_48 = tpu.memref_slice %arg13[%dma_start3A_46, %dma_start3A_47] : memref<50176x32xf32, #tpu.memory_space<vmem_shared>> -> memref<50176x32xf32, #tpu.memory_space<vmem_shared>>
        tpu.enqueue_indirect_dma source(%arg12 : memref<256x32xf32, #tpu.memory_space<vmem>>) target(%dma_start3A_48 : memref<50176x32xf32, #tpu.memory_space<vmem_shared>>) offsets(%arg10 : memref<256xi32, #tpu.memory_space<vmem>>) semaphore(%run_scoped3A : memref<!tpu.dma_semaphore, #tpu.memory_space<semaphore_mem>>) {add = true}
        %dma_wait3A_49 = arith.constant 0 : i32
        %dma_wait3A_50 = arith.constant 0 : i32
        %dma_wait3A_51 = tpu.memref_slice %arg13[%dma_wait3A_49, %dma_wait3A_50] : memref<50176x32xf32, #tpu.memory_space<vmem_shared>> -> memref<50176x32xf32, #tpu.memory_space<vmem_shared>>
        tpu.wait_indirect_dma semaphore(%run_scoped3A : memref<!tpu.dma_semaphore, #tpu.memory_space<semaphore_mem>>) src(%arg12 : memref<256x32xf32, #tpu.memory_space<vmem>>) dst(%dma_wait3A_51 : memref<50176x32xf32, #tpu.memory_space<vmem_shared>>)
        tpu.yield
      }) : () -> ()
    }
    %scan3A_7 = arith.constant 100 : i32
    %barrier3A_8 = arith.constant 0 : index
    tpu.barrier barrier_id(%barrier3A_8)
    %mul3A_9 = arith.constant 3136 : i32
    %mul3A_10 = arith.muli %arg1, %mul3A_9 : i32
    %mul3A_11 = arith.constant 3136 : i32
    %mul3A_12 = arith.muli %arg1, %mul3A_11 : i32
    "tpu.region"() ({
      %run_scoped3A = tpu.sem_alloc : memref<!tpu.dma_semaphore, #tpu.memory_space<semaphore_mem>>
      %dma_start3A = arith.constant 0 : i32
      %dma_start3A_13 = tpu.memref_slice %arg6[%arg0, %mul3A_12, %dma_start3A] : memref<2x50176x32xf32, #tpu.memory_space<hbm>> -> memref<1x3136x32xf32, #tpu.memory_space<hbm>>
      %dma_start3A_14 = tpu.memref_squeeze %dma_start3A_13 : memref<1x3136x32xf32, #tpu.memory_space<hbm>> -> memref<3136x32xf32, #tpu.memory_space<hbm>>
      %dma_start3A_15 = arith.constant 0 : i32
      %dma_start3A_16 = tpu.memref_slice %arg13[%mul3A_10, %dma_start3A_15] : memref<50176x32xf32, #tpu.memory_space<vmem_shared>> -> memref<3136x32xf32, #tpu.memory_space<vmem_shared>>
      tpu.enqueue_dma source(%dma_start3A_16 : memref<3136x32xf32, #tpu.memory_space<vmem_shared>>) target(%dma_start3A_14 : memref<3136x32xf32, #tpu.memory_space<hbm>>) target_semaphore(%run_scoped3A : memref<!tpu.dma_semaphore, #tpu.memory_space<semaphore_mem>>)
      %dma_wait3A = arith.constant 0 : i32
      %dma_wait3A_17 = tpu.memref_slice %arg6[%arg0, %mul3A_12, %dma_wait3A] : memref<2x50176x32xf32, #tpu.memory_space<hbm>> -> memref<1x3136x32xf32, #tpu.memory_space<hbm>>
      %dma_wait3A_18 = tpu.memref_squeeze %dma_wait3A_17 : memref<1x3136x32xf32, #tpu.memory_space<hbm>> -> memref<3136x32xf32, #tpu.memory_space<hbm>>
      %dma_wait3A_19 = arith.constant 0 : i32
      %dma_wait3A_20 = tpu.memref_slice %arg13[%mul3A_10, %dma_wait3A_19] : memref<50176x32xf32, #tpu.memory_space<vmem_shared>> -> memref<3136x32xf32, #tpu.memory_space<vmem_shared>>
      tpu.wait_dma2 semaphore(%run_scoped3A : memref<!tpu.dma_semaphore, #tpu.memory_space<semaphore_mem>>) src(%dma_wait3A_20 : memref<3136x32xf32, #tpu.memory_space<vmem_shared>>) dst(%dma_wait3A_18 : memref<3136x32xf32, #tpu.memory_space<hbm>>)
      tpu.yield
    }) : () -> ()
    return
  }
}

#map = affine_map<(d0, d1) -> (0, 0, 0)>
#map1 = affine_map<(d0, d1) -> (0)>
#map2 = affine_map<(d0, d1) -> (0, 0)>
module attributes {stable_mosaic.version = 14 : i64} {
  func.func @agg(%arg0: i32, %arg1: i32, %arg2: memref<2x50176x32xf32, #tpu.memory_space<hbm>>, %arg3: memref<819200xi32, #tpu.memory_space<hbm>>, %arg4: memref<819200xi32, #tpu.memory_space<hbm>>, %arg5: memref<3136x32xf32, #tpu.memory_space<hbm>>, %arg6: memref<2x50176x32xf32, #tpu.memory_space<hbm>>, %arg7: memref<256xi32, #tpu.memory_space<vmem>>, %arg8: memref<256xi32, #tpu.memory_space<vmem>>, %arg9: memref<256xi32, #tpu.memory_space<vmem>>, %arg10: memref<256xi32, #tpu.memory_space<vmem>>, %arg11: memref<256x32xf32, #tpu.memory_space<vmem>>, %arg12: memref<256x32xf32, #tpu.memory_space<vmem>>, %arg13: memref<50176x32xf32, #tpu.memory_space<vmem_shared>>, %arg14: memref<!tpu.dma_semaphore, #tpu.memory_space<semaphore_mem>>, %arg15: memref<!tpu.dma_semaphore, #tpu.memory_space<semaphore_mem>>) attributes {dimension_semantics = [#tpu.dimension_semantics<core_parallel>, #tpu.dimension_semantics<subcore_parallel>], iteration_bounds = array<i64: 2, 16>, scalar_prefetch = 0 : i64, scratch_operands = 9 : i64, tpu.core_type = #tpu.core_type<sc_vector_subcore>, window_params = [{transform_indices = #map}, {transform_indices = #map1}, {transform_indices = #map1}, {transform_indices = #map2}, {transform_indices = #map}]} {
    %mul3A = arith.constant 3136 : i32
    %mul3A_0 = arith.muli %arg1, %mul3A : i32
    "tpu.region"() ({
      %run_scoped3A = tpu.sem_alloc : memref<!tpu.dma_semaphore, #tpu.memory_space<semaphore_mem>>
      %dma_start3A = arith.constant 0 : i32
      %dma_start3A_13 = tpu.memref_slice %arg13[%mul3A_0, %dma_start3A] : memref<50176x32xf32, #tpu.memory_space<vmem_shared>> -> memref<3136x32xf32, #tpu.memory_space<vmem_shared>>
      tpu.enqueue_dma source(%arg5 : memref<3136x32xf32, #tpu.memory_space<hbm>>) target(%dma_start3A_13 : memref<3136x32xf32, #tpu.memory_space<vmem_shared>>) target_semaphore(%run_scoped3A : memref<!tpu.dma_semaphore, #tpu.memory_space<semaphore_mem>>)
      %dma_wait3A = arith.constant 0 : i32
      %dma_wait3A_14 = tpu.memref_slice %arg13[%mul3A_0, %dma_wait3A] : memref<50176x32xf32, #tpu.memory_space<vmem_shared>> -> memref<3136x32xf32, #tpu.memory_space<vmem_shared>>
      tpu.wait_dma2 semaphore(%run_scoped3A : memref<!tpu.dma_semaphore, #tpu.memory_space<semaphore_mem>>) src(%arg5 : memref<3136x32xf32, #tpu.memory_space<hbm>>) dst(%dma_wait3A_14 : memref<3136x32xf32, #tpu.memory_space<vmem_shared>>)
      tpu.yield
    }) : () -> ()
    %barrier3A = arith.constant 0 : index
    tpu.barrier barrier_id(%barrier3A)
    %mul3A_1 = arith.constant 51200 : i32
    %mul3A_2 = arith.muli %arg1, %mul3A_1 : i32
    %scan3A = arith.constant 0 : i32
    %scan3A_3 = arith.constant 0 : i32
    %scan3A_4 = arith.constant 100 : i32
    %scan3A_5 = arith.addi %scan3A_3, %scan3A_4 : i32
    %scan3A_6 = arith.constant 1 : i32
    scf.for %scan3A_13 = %scan3A_3 to %scan3A_5 step %scan3A_6  : i32 {
      %mul3A_14 = arith.constant 512 : i32
      %mul3A_15 = arith.muli %scan3A_13, %mul3A_14 : i32
      %add3A = arith.addi %mul3A_2, %mul3A_15 : i32
      "tpu.region"() ({
        %run_scoped3A = tpu.sem_alloc : memref<!tpu.dma_semaphore, #tpu.memory_space<semaphore_mem>>
        %dma_start3A_46 = tpu.memref_slice %arg3[%add3A] : memref<819200xi32, #tpu.memory_space<hbm>> -> memref<256xi32, #tpu.memory_space<hbm>>
        %dma_start3A_47 = tpu.memref_slice %arg3[%add3A] : memref<819200xi32, #tpu.memory_space<hbm>> -> memref<256xi32, #tpu.memory_space<hbm>>
        tpu.enqueue_dma source(%dma_start3A_47 : memref<256xi32, #tpu.memory_space<hbm>>) target(%arg7 : memref<256xi32, #tpu.memory_space<vmem>>) target_semaphore(%run_scoped3A : memref<!tpu.dma_semaphore, #tpu.memory_space<semaphore_mem>>)
        %dma_wait3A_48 = tpu.memref_slice %arg3[%add3A] : memref<819200xi32, #tpu.memory_space<hbm>> -> memref<256xi32, #tpu.memory_space<hbm>>
        %dma_wait3A_49 = tpu.memref_slice %arg3[%add3A] : memref<819200xi32, #tpu.memory_space<hbm>> -> memref<256xi32, #tpu.memory_space<hbm>>
        tpu.wait_dma2 semaphore(%run_scoped3A : memref<!tpu.dma_semaphore, #tpu.memory_space<semaphore_mem>>) src(%dma_wait3A_49 : memref<256xi32, #tpu.memory_space<hbm>>) dst(%arg7 : memref<256xi32, #tpu.memory_space<vmem>>)
        tpu.yield
      }) : () -> ()
      %dma_start3A = arith.constant 0 : i32
      %dma_start3A_16 = arith.constant 0 : i32
      %dma_start3A_17 = tpu.memref_slice %arg2[%arg0, %dma_start3A, %dma_start3A_16] : memref<2x50176x32xf32, #tpu.memory_space<hbm>> -> memref<1x50176x32xf32, #tpu.memory_space<hbm>>
      %dma_start3A_18 = tpu.memref_squeeze %dma_start3A_17 : memref<1x50176x32xf32, #tpu.memory_space<hbm>> -> memref<50176x32xf32, #tpu.memory_space<hbm>>
      %dma_start3A_19 = arith.constant 0 : i32
      %dma_start3A_20 = arith.constant 0 : i32
      %dma_start3A_21 = tpu.memref_slice %dma_start3A_18[%dma_start3A_19, %dma_start3A_20] : memref<50176x32xf32, #tpu.memory_space<hbm>> -> memref<50176x32xf32, #tpu.memory_space<hbm>>
      tpu.enqueue_indirect_dma source(%dma_start3A_21 : memref<50176x32xf32, #tpu.memory_space<hbm>>) target(%arg11 : memref<256x32xf32, #tpu.memory_space<vmem>>) offsets(%arg7 : memref<256xi32, #tpu.memory_space<vmem>>) semaphore(%arg14 : memref<!tpu.dma_semaphore, #tpu.memory_space<semaphore_mem>>)
      %add3A_22 = arith.constant 256 : i32
      %add3A_23 = arith.addi %add3A, %add3A_22 : i32
      "tpu.region"() ({
        %run_scoped3A = tpu.sem_alloc : memref<!tpu.dma_semaphore, #tpu.memory_space<semaphore_mem>>
        %dma_start3A_46 = tpu.memref_slice %arg3[%add3A_23] : memref<819200xi32, #tpu.memory_space<hbm>> -> memref<256xi32, #tpu.memory_space<hbm>>
        %dma_start3A_47 = tpu.memref_slice %arg3[%add3A_23] : memref<819200xi32, #tpu.memory_space<hbm>> -> memref<256xi32, #tpu.memory_space<hbm>>
        tpu.enqueue_dma source(%dma_start3A_47 : memref<256xi32, #tpu.memory_space<hbm>>) target(%arg8 : memref<256xi32, #tpu.memory_space<vmem>>) target_semaphore(%run_scoped3A : memref<!tpu.dma_semaphore, #tpu.memory_space<semaphore_mem>>)
        %dma_wait3A_48 = tpu.memref_slice %arg3[%add3A_23] : memref<819200xi32, #tpu.memory_space<hbm>> -> memref<256xi32, #tpu.memory_space<hbm>>
        %dma_wait3A_49 = tpu.memref_slice %arg3[%add3A_23] : memref<819200xi32, #tpu.memory_space<hbm>> -> memref<256xi32, #tpu.memory_space<hbm>>
        tpu.wait_dma2 semaphore(%run_scoped3A : memref<!tpu.dma_semaphore, #tpu.memory_space<semaphore_mem>>) src(%dma_wait3A_49 : memref<256xi32, #tpu.memory_space<hbm>>) dst(%arg8 : memref<256xi32, #tpu.memory_space<vmem>>)
        tpu.yield
      }) : () -> ()
      %dma_start3A_24 = arith.constant 0 : i32
      %dma_start3A_25 = arith.constant 0 : i32
      %dma_start3A_26 = tpu.memref_slice %arg2[%arg0, %dma_start3A_24, %dma_start3A_25] : memref<2x50176x32xf32, #tpu.memory_space<hbm>> -> memref<1x50176x32xf32, #tpu.memory_space<hbm>>
      %dma_start3A_27 = tpu.memref_squeeze %dma_start3A_26 : memref<1x50176x32xf32, #tpu.memory_space<hbm>> -> memref<50176x32xf32, #tpu.memory_space<hbm>>
      %dma_start3A_28 = arith.constant 0 : i32
      %dma_start3A_29 = arith.constant 0 : i32
      %dma_start3A_30 = tpu.memref_slice %dma_start3A_27[%dma_start3A_28, %dma_start3A_29] : memref<50176x32xf32, #tpu.memory_space<hbm>> -> memref<50176x32xf32, #tpu.memory_space<hbm>>
      tpu.enqueue_indirect_dma source(%dma_start3A_30 : memref<50176x32xf32, #tpu.memory_space<hbm>>) target(%arg12 : memref<256x32xf32, #tpu.memory_space<vmem>>) offsets(%arg8 : memref<256xi32, #tpu.memory_space<vmem>>) semaphore(%arg15 : memref<!tpu.dma_semaphore, #tpu.memory_space<semaphore_mem>>)
      "tpu.region"() ({
        %run_scoped3A = tpu.sem_alloc : memref<!tpu.dma_semaphore, #tpu.memory_space<semaphore_mem>>
        %dma_start3A_46 = tpu.memref_slice %arg4[%add3A] : memref<819200xi32, #tpu.memory_space<hbm>> -> memref<256xi32, #tpu.memory_space<hbm>>
        %dma_start3A_47 = tpu.memref_slice %arg4[%add3A] : memref<819200xi32, #tpu.memory_space<hbm>> -> memref<256xi32, #tpu.memory_space<hbm>>
        tpu.enqueue_dma source(%dma_start3A_47 : memref<256xi32, #tpu.memory_space<hbm>>) target(%arg9 : memref<256xi32, #tpu.memory_space<vmem>>) target_semaphore(%run_scoped3A : memref<!tpu.dma_semaphore, #tpu.memory_space<semaphore_mem>>)
        %dma_wait3A_48 = tpu.memref_slice %arg4[%add3A] : memref<819200xi32, #tpu.memory_space<hbm>> -> memref<256xi32, #tpu.memory_space<hbm>>
        %dma_wait3A_49 = tpu.memref_slice %arg4[%add3A] : memref<819200xi32, #tpu.memory_space<hbm>> -> memref<256xi32, #tpu.memory_space<hbm>>
        tpu.wait_dma2 semaphore(%run_scoped3A : memref<!tpu.dma_semaphore, #tpu.memory_space<semaphore_mem>>) src(%dma_wait3A_49 : memref<256xi32, #tpu.memory_space<hbm>>) dst(%arg9 : memref<256xi32, #tpu.memory_space<vmem>>)
        tpu.yield
      }) : () -> ()
      %add3A_31 = arith.constant 256 : i32
      %add3A_32 = arith.addi %add3A, %add3A_31 : i32
      "tpu.region"() ({
        %run_scoped3A = tpu.sem_alloc : memref<!tpu.dma_semaphore, #tpu.memory_space<semaphore_mem>>
        %dma_start3A_46 = tpu.memref_slice %arg4[%add3A_32] : memref<819200xi32, #tpu.memory_space<hbm>> -> memref<256xi32, #tpu.memory_space<hbm>>
        %dma_start3A_47 = tpu.memref_slice %arg4[%add3A_32] : memref<819200xi32, #tpu.memory_space<hbm>> -> memref<256xi32, #tpu.memory_space<hbm>>
        tpu.enqueue_dma source(%dma_start3A_47 : memref<256xi32, #tpu.memory_space<hbm>>) target(%arg10 : memref<256xi32, #tpu.memory_space<vmem>>) target_semaphore(%run_scoped3A : memref<!tpu.dma_semaphore, #tpu.memory_space<semaphore_mem>>)
        %dma_wait3A_48 = tpu.memref_slice %arg4[%add3A_32] : memref<819200xi32, #tpu.memory_space<hbm>> -> memref<256xi32, #tpu.memory_space<hbm>>
        %dma_wait3A_49 = tpu.memref_slice %arg4[%add3A_32] : memref<819200xi32, #tpu.memory_space<hbm>> -> memref<256xi32, #tpu.memory_space<hbm>>
        tpu.wait_dma2 semaphore(%run_scoped3A : memref<!tpu.dma_semaphore, #tpu.memory_space<semaphore_mem>>) src(%dma_wait3A_49 : memref<256xi32, #tpu.memory_space<hbm>>) dst(%arg10 : memref<256xi32, #tpu.memory_space<vmem>>)
        tpu.yield
      }) : () -> ()
      %dma_wait3A = arith.constant 0 : i32
      %dma_wait3A_33 = arith.constant 0 : i32
      %dma_wait3A_34 = tpu.memref_slice %arg2[%arg0, %dma_wait3A, %dma_wait3A_33] : memref<2x50176x32xf32, #tpu.memory_space<hbm>> -> memref<1x50176x32xf32, #tpu.memory_space<hbm>>
      %dma_wait3A_35 = tpu.memref_squeeze %dma_wait3A_34 : memref<1x50176x32xf32, #tpu.memory_space<hbm>> -> memref<50176x32xf32, #tpu.memory_space<hbm>>
      %dma_wait3A_36 = arith.constant 0 : i32
      %dma_wait3A_37 = arith.constant 0 : i32
      %dma_wait3A_38 = tpu.memref_slice %dma_wait3A_35[%dma_wait3A_36, %dma_wait3A_37] : memref<50176x32xf32, #tpu.memory_space<hbm>> -> memref<50176x32xf32, #tpu.memory_space<hbm>>
      tpu.wait_indirect_dma semaphore(%arg14 : memref<!tpu.dma_semaphore, #tpu.memory_space<semaphore_mem>>) src(%dma_wait3A_38 : memref<50176x32xf32, #tpu.memory_space<hbm>>) dst(%arg11 : memref<256x32xf32, #tpu.memory_space<vmem>>)
      "tpu.region"() ({
        %run_scoped3A = tpu.sem_alloc : memref<!tpu.dma_semaphore, #tpu.memory_space<semaphore_mem>>
        %dma_start3A_46 = arith.constant 0 : i32
        %dma_start3A_47 = arith.constant 0 : i32
        %dma_start3A_48 = tpu.memref_slice %arg13[%dma_start3A_46, %dma_start3A_47] : memref<50176x32xf32, #tpu.memory_space<vmem_shared>> -> memref<50176x32xf32, #tpu.memory_space<vmem_shared>>
        tpu.enqueue_indirect_dma source(%arg11 : memref<256x32xf32, #tpu.memory_space<vmem>>) target(%dma_start3A_48 : memref<50176x32xf32, #tpu.memory_space<vmem_shared>>) offsets(%arg9 : memref<256xi32, #tpu.memory_space<vmem>>) semaphore(%run_scoped3A : memref<!tpu.dma_semaphore, #tpu.memory_space<semaphore_mem>>) {add = true}
        %dma_wait3A_49 = arith.constant 0 : i32
        %dma_wait3A_50 = arith.constant 0 : i32
        %dma_wait3A_51 = tpu.memref_slice %arg13[%dma_wait3A_49, %dma_wait3A_50] : memref<50176x32xf32, #tpu.memory_space<vmem_shared>> -> memref<50176x32xf32, #tpu.memory_space<vmem_shared>>
        tpu.wait_indirect_dma semaphore(%run_scoped3A : memref<!tpu.dma_semaphore, #tpu.memory_space<semaphore_mem>>) src(%arg11 : memref<256x32xf32, #tpu.memory_space<vmem>>) dst(%dma_wait3A_51 : memref<50176x32xf32, #tpu.memory_space<vmem_shared>>)
        tpu.yield
      }) : () -> ()
      %dma_wait3A_39 = arith.constant 0 : i32
      %dma_wait3A_40 = arith.constant 0 : i32
      %dma_wait3A_41 = tpu.memref_slice %arg2[%arg0, %dma_wait3A_39, %dma_wait3A_40] : memref<2x50176x32xf32, #tpu.memory_space<hbm>> -> memref<1x50176x32xf32, #tpu.memory_space<hbm>>
      %dma_wait3A_42 = tpu.memref_squeeze %dma_wait3A_41 : memref<1x50176x32xf32, #tpu.memory_space<hbm>> -> memref<50176x32xf32, #tpu.memory_space<hbm>>
      %dma_wait3A_43 = arith.constant 0 : i32
      %dma_wait3A_44 = arith.constant 0 : i32
      %dma_wait3A_45 = tpu.memref_slice %dma_wait3A_42[%dma_wait3A_43, %dma_wait3A_44] : memref<50176x32xf32, #tpu.memory_space<hbm>> -> memref<50176x32xf32, #tpu.memory_space<hbm>>
      tpu.wait_indirect_dma semaphore(%arg15 : memref<!tpu.dma_semaphore, #tpu.memory_space<semaphore_mem>>) src(%dma_wait3A_45 : memref<50176x32xf32, #tpu.memory_space<hbm>>) dst(%arg12 : memref<256x32xf32, #tpu.memory_space<vmem>>)
      "tpu.region"() ({
        %run_scoped3A = tpu.sem_alloc : memref<!tpu.dma_semaphore, #tpu.memory_space<semaphore_mem>>
        %dma_start3A_46 = arith.constant 0 : i32
        %dma_start3A_47 = arith.constant 0 : i32
        %dma_start3A_48 = tpu.memref_slice %arg13[%dma_start3A_46, %dma_start3A_47] : memref<50176x32xf32, #tpu.memory_space<vmem_shared>> -> memref<50176x32xf32, #tpu.memory_space<vmem_shared>>
        tpu.enqueue_indirect_dma source(%arg12 : memref<256x32xf32, #tpu.memory_space<vmem>>) target(%dma_start3A_48 : memref<50176x32xf32, #tpu.memory_space<vmem_shared>>) offsets(%arg10 : memref<256xi32, #tpu.memory_space<vmem>>) semaphore(%run_scoped3A : memref<!tpu.dma_semaphore, #tpu.memory_space<semaphore_mem>>) {add = true}
        %dma_wait3A_49 = arith.constant 0 : i32
        %dma_wait3A_50 = arith.constant 0 : i32
        %dma_wait3A_51 = tpu.memref_slice %arg13[%dma_wait3A_49, %dma_wait3A_50] : memref<50176x32xf32, #tpu.memory_space<vmem_shared>> -> memref<50176x32xf32, #tpu.memory_space<vmem_shared>>
        tpu.wait_indirect_dma semaphore(%run_scoped3A : memref<!tpu.dma_semaphore, #tpu.memory_space<semaphore_mem>>) src(%arg12 : memref<256x32xf32, #tpu.memory_space<vmem>>) dst(%dma_wait3A_51 : memref<50176x32xf32, #tpu.memory_space<vmem_shared>>)
        tpu.yield
      }) : () -> ()
    }
    %scan3A_7 = arith.constant 100 : i32
    %barrier3A_8 = arith.constant 0 : index
    tpu.barrier barrier_id(%barrier3A_8)
    %mul3A_9 = arith.constant 3136 : i32
    %mul3A_10 = arith.muli %arg1, %mul3A_9 : i32
    %mul3A_11 = arith.constant 3136 : i32
    %mul3A_12 = arith.muli %arg1, %mul3A_11 : i32
    "tpu.region"() ({
      %run_scoped3A = tpu.sem_alloc : memref<!tpu.dma_semaphore, #tpu.memory_space<semaphore_mem>>
      %dma_start3A = arith.constant 0 : i32
      %dma_start3A_13 = tpu.memref_slice %arg6[%arg0, %mul3A_12, %dma_start3A] : memref<2x50176x32xf32, #tpu.memory_space<hbm>> -> memref<1x3136x32xf32, #tpu.memory_space<hbm>>
      %dma_start3A_14 = tpu.memref_squeeze %dma_start3A_13 : memref<1x3136x32xf32, #tpu.memory_space<hbm>> -> memref<3136x32xf32, #tpu.memory_space<hbm>>
      %dma_start3A_15 = arith.constant 0 : i32
      %dma_start3A_16 = tpu.memref_slice %arg13[%mul3A_10, %dma_start3A_15] : memref<50176x32xf32, #tpu.memory_space<vmem_shared>> -> memref<3136x32xf32, #tpu.memory_space<vmem_shared>>
      tpu.enqueue_dma source(%dma_start3A_16 : memref<3136x32xf32, #tpu.memory_space<vmem_shared>>) target(%dma_start3A_14 : memref<3136x32xf32, #tpu.memory_space<hbm>>) target_semaphore(%run_scoped3A : memref<!tpu.dma_semaphore, #tpu.memory_space<semaphore_mem>>)
      %dma_wait3A = arith.constant 0 : i32
      %dma_wait3A_17 = tpu.memref_slice %arg6[%arg0, %mul3A_12, %dma_wait3A] : memref<2x50176x32xf32, #tpu.memory_space<hbm>> -> memref<1x3136x32xf32, #tpu.memory_space<hbm>>
      %dma_wait3A_18 = tpu.memref_squeeze %dma_wait3A_17 : memref<1x3136x32xf32, #tpu.memory_space<hbm>> -> memref<3136x32xf32, #tpu.memory_space<hbm>>
      %dma_wait3A_19 = arith.constant 0 : i32
      %dma_wait3A_20 = tpu.memref_slice %arg13[%mul3A_10, %dma_wait3A_19] : memref<50176x32xf32, #tpu.memory_space<vmem_shared>> -> memref<3136x32xf32, #tpu.memory_space<vmem_shared>>
      tpu.wait_dma2 semaphore(%run_scoped3A : memref<!tpu.dma_semaphore, #tpu.memory_space<semaphore_mem>>) src(%dma_wait3A_20 : memref<3136x32xf32, #tpu.memory_space<vmem_shared>>) dst(%dma_wait3A_18 : memref<3136x32xf32, #tpu.memory_space<hbm>>)
      tpu.yield
    }) : () -> ()
    return
  }
}

#map = affine_map<(d0, d1) -> (0, 0)>
#map1 = affine_map<(d0, d1) -> (0)>
#map2 = affine_map<(d0, d1) -> (0, 0, 0)>
module attributes {stable_mosaic.version = 14 : i64} {
  func.func @pool(%arg0: i32, %arg1: i32, %arg2: memref<50176x64xf32, #tpu.memory_space<hbm>>, %arg3: memref<50176xi32, #tpu.memory_space<hbm>>, %arg4: memref<40x64xf32, #tpu.memory_space<hbm>>, %arg5: memref<112x64xf32, #tpu.memory_space<hbm>>, %arg6: memref<2x640x64xf32, #tpu.memory_space<hbm>>, %arg7: memref<2x640x64xf32, #tpu.memory_space<hbm>>, %arg8: memref<112xi32, #tpu.memory_space<vmem>>, %arg9: memref<112x64xf32, #tpu.memory_space<vmem>>, %arg10: memref<112x64xf32, #tpu.memory_space<vmem>>, %arg11: memref<640x64xf32, #tpu.memory_space<vmem_shared>>, %arg12: memref<640x64xf32, #tpu.memory_space<vmem_shared>>) attributes {dimension_semantics = [#tpu.dimension_semantics<core_parallel>, #tpu.dimension_semantics<subcore_parallel>], iteration_bounds = array<i64: 2, 16>, scalar_prefetch = 0 : i64, scratch_operands = 5 : i64, tpu.core_type = #tpu.core_type<sc_vector_subcore>, window_params = [{transform_indices = #map}, {transform_indices = #map1}, {transform_indices = #map}, {transform_indices = #map}, {transform_indices = #map2}, {transform_indices = #map2}]} {
    %mul3A = arith.constant 2 : i32
    %mul3A_0 = arith.muli %arg1, %mul3A : i32
    %add3A = arith.addi %mul3A_0, %arg0 : i32
    %mul3A_1 = arith.constant 40 : i32
    %mul3A_2 = arith.muli %arg1, %mul3A_1 : i32
    "tpu.region"() ({
      %run_scoped3A = tpu.sem_alloc : memref<!tpu.dma_semaphore, #tpu.memory_space<semaphore_mem>>
      %dma_start3A = arith.constant 0 : i32
      %dma_start3A_21 = tpu.memref_slice %arg11[%mul3A_2, %dma_start3A] : memref<640x64xf32, #tpu.memory_space<vmem_shared>> -> memref<40x64xf32, #tpu.memory_space<vmem_shared>>
      tpu.enqueue_dma source(%arg4 : memref<40x64xf32, #tpu.memory_space<hbm>>) target(%dma_start3A_21 : memref<40x64xf32, #tpu.memory_space<vmem_shared>>) target_semaphore(%run_scoped3A : memref<!tpu.dma_semaphore, #tpu.memory_space<semaphore_mem>>)
      %dma_wait3A = arith.constant 0 : i32
      %dma_wait3A_22 = tpu.memref_slice %arg11[%mul3A_2, %dma_wait3A] : memref<640x64xf32, #tpu.memory_space<vmem_shared>> -> memref<40x64xf32, #tpu.memory_space<vmem_shared>>
      tpu.wait_dma2 semaphore(%run_scoped3A : memref<!tpu.dma_semaphore, #tpu.memory_space<semaphore_mem>>) src(%arg4 : memref<40x64xf32, #tpu.memory_space<hbm>>) dst(%dma_wait3A_22 : memref<40x64xf32, #tpu.memory_space<vmem_shared>>)
      tpu.yield
    }) : () -> ()
    %mul3A_3 = arith.constant 40 : i32
    %mul3A_4 = arith.muli %arg1, %mul3A_3 : i32
    "tpu.region"() ({
      %run_scoped3A = tpu.sem_alloc : memref<!tpu.dma_semaphore, #tpu.memory_space<semaphore_mem>>
      %dma_start3A = arith.constant 0 : i32
      %dma_start3A_21 = tpu.memref_slice %arg12[%mul3A_4, %dma_start3A] : memref<640x64xf32, #tpu.memory_space<vmem_shared>> -> memref<40x64xf32, #tpu.memory_space<vmem_shared>>
      tpu.enqueue_dma source(%arg4 : memref<40x64xf32, #tpu.memory_space<hbm>>) target(%dma_start3A_21 : memref<40x64xf32, #tpu.memory_space<vmem_shared>>) target_semaphore(%run_scoped3A : memref<!tpu.dma_semaphore, #tpu.memory_space<semaphore_mem>>)
      %dma_wait3A = arith.constant 0 : i32
      %dma_wait3A_22 = tpu.memref_slice %arg12[%mul3A_4, %dma_wait3A] : memref<640x64xf32, #tpu.memory_space<vmem_shared>> -> memref<40x64xf32, #tpu.memory_space<vmem_shared>>
      tpu.wait_dma2 semaphore(%run_scoped3A : memref<!tpu.dma_semaphore, #tpu.memory_space<semaphore_mem>>) src(%arg4 : memref<40x64xf32, #tpu.memory_space<hbm>>) dst(%dma_wait3A_22 : memref<40x64xf32, #tpu.memory_space<vmem_shared>>)
      tpu.yield
    }) : () -> ()
    "tpu.region"() ({
      %run_scoped3A = tpu.sem_alloc : memref<!tpu.dma_semaphore, #tpu.memory_space<semaphore_mem>>
      tpu.enqueue_dma source(%arg5 : memref<112x64xf32, #tpu.memory_space<hbm>>) target(%arg10 : memref<112x64xf32, #tpu.memory_space<vmem>>) target_semaphore(%run_scoped3A : memref<!tpu.dma_semaphore, #tpu.memory_space<semaphore_mem>>)
      tpu.wait_dma2 semaphore(%run_scoped3A : memref<!tpu.dma_semaphore, #tpu.memory_space<semaphore_mem>>) src(%arg5 : memref<112x64xf32, #tpu.memory_space<hbm>>) dst(%arg10 : memref<112x64xf32, #tpu.memory_space<vmem>>)
      tpu.yield
    }) : () -> ()
    %barrier3A = arith.constant 0 : index
    tpu.barrier barrier_id(%barrier3A)
    %mul3A_5 = arith.constant 1568 : i32
    %mul3A_6 = arith.muli %add3A, %mul3A_5 : i32
    %scan3A = arith.constant 0 : i32
    %scan3A_7 = arith.constant 0 : i32
    %scan3A_8 = arith.constant 14 : i32
    %scan3A_9 = arith.addi %scan3A_7, %scan3A_8 : i32
    %scan3A_10 = arith.constant 1 : i32
    scf.for %scan3A_21 = %scan3A_7 to %scan3A_9 step %scan3A_10  : i32 {
      %mul3A_22 = arith.constant 112 : i32
      %mul3A_23 = arith.muli %scan3A_21, %mul3A_22 : i32
      %add3A_24 = arith.addi %mul3A_6, %mul3A_23 : i32
      "tpu.region"() ({
        %run_scoped3A = tpu.sem_alloc : memref<!tpu.dma_semaphore, #tpu.memory_space<semaphore_mem>>
        %dma_start3A = tpu.memref_slice %arg3[%add3A_24] : memref<50176xi32, #tpu.memory_space<hbm>> -> memref<112xi32, #tpu.memory_space<hbm>>
        %dma_start3A_25 = tpu.memref_slice %arg3[%add3A_24] : memref<50176xi32, #tpu.memory_space<hbm>> -> memref<112xi32, #tpu.memory_space<hbm>>
        tpu.enqueue_dma source(%dma_start3A_25 : memref<112xi32, #tpu.memory_space<hbm>>) target(%arg8 : memref<112xi32, #tpu.memory_space<vmem>>) target_semaphore(%run_scoped3A : memref<!tpu.dma_semaphore, #tpu.memory_space<semaphore_mem>>)
        %dma_wait3A = tpu.memref_slice %arg3[%add3A_24] : memref<50176xi32, #tpu.memory_space<hbm>> -> memref<112xi32, #tpu.memory_space<hbm>>
        %dma_wait3A_26 = tpu.memref_slice %arg3[%add3A_24] : memref<50176xi32, #tpu.memory_space<hbm>> -> memref<112xi32, #tpu.memory_space<hbm>>
        tpu.wait_dma2 semaphore(%run_scoped3A : memref<!tpu.dma_semaphore, #tpu.memory_space<semaphore_mem>>) src(%dma_wait3A_26 : memref<112xi32, #tpu.memory_space<hbm>>) dst(%arg8 : memref<112xi32, #tpu.memory_space<vmem>>)
        tpu.yield
      }) : () -> ()
      "tpu.region"() ({
        %run_scoped3A = tpu.sem_alloc : memref<!tpu.dma_semaphore, #tpu.memory_space<semaphore_mem>>
        %dma_start3A = arith.constant 0 : i32
        %dma_start3A_25 = tpu.memref_slice %arg2[%add3A_24, %dma_start3A] : memref<50176x64xf32, #tpu.memory_space<hbm>> -> memref<112x64xf32, #tpu.memory_space<hbm>>
        %dma_start3A_26 = arith.constant 0 : i32
        %dma_start3A_27 = tpu.memref_slice %arg2[%add3A_24, %dma_start3A_26] : memref<50176x64xf32, #tpu.memory_space<hbm>> -> memref<112x64xf32, #tpu.memory_space<hbm>>
        tpu.enqueue_dma source(%dma_start3A_27 : memref<112x64xf32, #tpu.memory_space<hbm>>) target(%arg9 : memref<112x64xf32, #tpu.memory_space<vmem>>) target_semaphore(%run_scoped3A : memref<!tpu.dma_semaphore, #tpu.memory_space<semaphore_mem>>)
        %dma_wait3A = arith.constant 0 : i32
        %dma_wait3A_28 = tpu.memref_slice %arg2[%add3A_24, %dma_wait3A] : memref<50176x64xf32, #tpu.memory_space<hbm>> -> memref<112x64xf32, #tpu.memory_space<hbm>>
        %dma_wait3A_29 = arith.constant 0 : i32
        %dma_wait3A_30 = tpu.memref_slice %arg2[%add3A_24, %dma_wait3A_29] : memref<50176x64xf32, #tpu.memory_space<hbm>> -> memref<112x64xf32, #tpu.memory_space<hbm>>
        tpu.wait_dma2 semaphore(%run_scoped3A : memref<!tpu.dma_semaphore, #tpu.memory_space<semaphore_mem>>) src(%dma_wait3A_30 : memref<112x64xf32, #tpu.memory_space<hbm>>) dst(%arg9 : memref<112x64xf32, #tpu.memory_space<vmem>>)
        tpu.yield
      }) : () -> ()
      "tpu.region"() ({
        %run_scoped3A = tpu.sem_alloc : memref<!tpu.dma_semaphore, #tpu.memory_space<semaphore_mem>>
        %dma_start3A = arith.constant 0 : i32
        %dma_start3A_25 = arith.constant 0 : i32
        %dma_start3A_26 = tpu.memref_slice %arg11[%dma_start3A, %dma_start3A_25] : memref<640x64xf32, #tpu.memory_space<vmem_shared>> -> memref<640x64xf32, #tpu.memory_space<vmem_shared>>
        tpu.enqueue_indirect_dma source(%arg9 : memref<112x64xf32, #tpu.memory_space<vmem>>) target(%dma_start3A_26 : memref<640x64xf32, #tpu.memory_space<vmem_shared>>) offsets(%arg8 : memref<112xi32, #tpu.memory_space<vmem>>) semaphore(%run_scoped3A : memref<!tpu.dma_semaphore, #tpu.memory_space<semaphore_mem>>) {add = true}
        %dma_wait3A = arith.constant 0 : i32
        %dma_wait3A_27 = arith.constant 0 : i32
        %dma_wait3A_28 = tpu.memref_slice %arg11[%dma_wait3A, %dma_wait3A_27] : memref<640x64xf32, #tpu.memory_space<vmem_shared>> -> memref<640x64xf32, #tpu.memory_space<vmem_shared>>
        tpu.wait_indirect_dma semaphore(%run_scoped3A : memref<!tpu.dma_semaphore, #tpu.memory_space<semaphore_mem>>) src(%arg9 : memref<112x64xf32, #tpu.memory_space<vmem>>) dst(%dma_wait3A_28 : memref<640x64xf32, #tpu.memory_space<vmem_shared>>)
        tpu.yield
      }) : () -> ()
      "tpu.region"() ({
        %run_scoped3A = tpu.sem_alloc : memref<!tpu.dma_semaphore, #tpu.memory_space<semaphore_mem>>
        %dma_start3A = arith.constant 0 : i32
        %dma_start3A_25 = arith.constant 0 : i32
        %dma_start3A_26 = tpu.memref_slice %arg12[%dma_start3A, %dma_start3A_25] : memref<640x64xf32, #tpu.memory_space<vmem_shared>> -> memref<640x64xf32, #tpu.memory_space<vmem_shared>>
        tpu.enqueue_indirect_dma source(%arg10 : memref<112x64xf32, #tpu.memory_space<vmem>>) target(%dma_start3A_26 : memref<640x64xf32, #tpu.memory_space<vmem_shared>>) offsets(%arg8 : memref<112xi32, #tpu.memory_space<vmem>>) semaphore(%run_scoped3A : memref<!tpu.dma_semaphore, #tpu.memory_space<semaphore_mem>>) {add = true}
        %dma_wait3A = arith.constant 0 : i32
        %dma_wait3A_27 = arith.constant 0 : i32
        %dma_wait3A_28 = tpu.memref_slice %arg12[%dma_wait3A, %dma_wait3A_27] : memref<640x64xf32, #tpu.memory_space<vmem_shared>> -> memref<640x64xf32, #tpu.memory_space<vmem_shared>>
        tpu.wait_indirect_dma semaphore(%run_scoped3A : memref<!tpu.dma_semaphore, #tpu.memory_space<semaphore_mem>>) src(%arg10 : memref<112x64xf32, #tpu.memory_space<vmem>>) dst(%dma_wait3A_28 : memref<640x64xf32, #tpu.memory_space<vmem_shared>>)
        tpu.yield
      }) : () -> ()
    }
    %scan3A_11 = arith.constant 14 : i32
    %barrier3A_12 = arith.constant 0 : index
    tpu.barrier barrier_id(%barrier3A_12)
    %mul3A_13 = arith.constant 40 : i32
    %mul3A_14 = arith.muli %arg1, %mul3A_13 : i32
    %mul3A_15 = arith.constant 40 : i32
    %mul3A_16 = arith.muli %arg1, %mul3A_15 : i32
    "tpu.region"() ({
      %run_scoped3A = tpu.sem_alloc : memref<!tpu.dma_semaphore, #tpu.memory_space<semaphore_mem>>
      %dma_start3A = arith.constant 0 : i32
      %dma_start3A_21 = tpu.memref_slice %arg6[%arg0, %mul3A_16, %dma_start3A] : memref<2x640x64xf32, #tpu.memory_space<hbm>> -> memref<1x40x64xf32, #tpu.memory_space<hbm>>
      %dma_start3A_22 = tpu.memref_squeeze %dma_start3A_21 : memref<1x40x64xf32, #tpu.memory_space<hbm>> -> memref<40x64xf32, #tpu.memory_space<hbm>>
      %dma_start3A_23 = arith.constant 0 : i32
      %dma_start3A_24 = tpu.memref_slice %arg11[%mul3A_14, %dma_start3A_23] : memref<640x64xf32, #tpu.memory_space<vmem_shared>> -> memref<40x64xf32, #tpu.memory_space<vmem_shared>>
      tpu.enqueue_dma source(%dma_start3A_24 : memref<40x64xf32, #tpu.memory_space<vmem_shared>>) target(%dma_start3A_22 : memref<40x64xf32, #tpu.memory_space<hbm>>) target_semaphore(%run_scoped3A : memref<!tpu.dma_semaphore, #tpu.memory_space<semaphore_mem>>)
      %dma_wait3A = arith.constant 0 : i32
      %dma_wait3A_25 = tpu.memref_slice %arg6[%arg0, %mul3A_16, %dma_wait3A] : memref<2x640x64xf32, #tpu.memory_space<hbm>> -> memref<1x40x64xf32, #tpu.memory_space<hbm>>
      %dma_wait3A_26 = tpu.memref_squeeze %dma_wait3A_25 : memref<1x40x64xf32, #tpu.memory_space<hbm>> -> memref<40x64xf32, #tpu.memory_space<hbm>>
      %dma_wait3A_27 = arith.constant 0 : i32
      %dma_wait3A_28 = tpu.memref_slice %arg11[%mul3A_14, %dma_wait3A_27] : memref<640x64xf32, #tpu.memory_space<vmem_shared>> -> memref<40x64xf32, #tpu.memory_space<vmem_shared>>
      tpu.wait_dma2 semaphore(%run_scoped3A : memref<!tpu.dma_semaphore, #tpu.memory_space<semaphore_mem>>) src(%dma_wait3A_28 : memref<40x64xf32, #tpu.memory_space<vmem_shared>>) dst(%dma_wait3A_26 : memref<40x64xf32, #tpu.memory_space<hbm>>)
      tpu.yield
    }) : () -> ()
    %mul3A_17 = arith.constant 40 : i32
    %mul3A_18 = arith.muli %arg1, %mul3A_17 : i32
    %mul3A_19 = arith.constant 40 : i32
    %mul3A_20 = arith.muli %arg1, %mul3A_19 : i32
    "tpu.region"() ({
      %run_scoped3A = tpu.sem_alloc : memref<!tpu.dma_semaphore, #tpu.memory_space<semaphore_mem>>
      %dma_start3A = arith.constant 0 : i32
      %dma_start3A_21 = tpu.memref_slice %arg7[%arg0, %mul3A_20, %dma_start3A] : memref<2x640x64xf32, #tpu.memory_space<hbm>> -> memref<1x40x64xf32, #tpu.memory_space<hbm>>
      %dma_start3A_22 = tpu.memref_squeeze %dma_start3A_21 : memref<1x40x64xf32, #tpu.memory_space<hbm>> -> memref<40x64xf32, #tpu.memory_space<hbm>>
      %dma_start3A_23 = arith.constant 0 : i32
      %dma_start3A_24 = tpu.memref_slice %arg12[%mul3A_18, %dma_start3A_23] : memref<640x64xf32, #tpu.memory_space<vmem_shared>> -> memref<40x64xf32, #tpu.memory_space<vmem_shared>>
      tpu.enqueue_dma source(%dma_start3A_24 : memref<40x64xf32, #tpu.memory_space<vmem_shared>>) target(%dma_start3A_22 : memref<40x64xf32, #tpu.memory_space<hbm>>) target_semaphore(%run_scoped3A : memref<!tpu.dma_semaphore, #tpu.memory_space<semaphore_mem>>)
      %dma_wait3A = arith.constant 0 : i32
      %dma_wait3A_25 = tpu.memref_slice %arg7[%arg0, %mul3A_20, %dma_wait3A] : memref<2x640x64xf32, #tpu.memory_space<hbm>> -> memref<1x40x64xf32, #tpu.memory_space<hbm>>
      %dma_wait3A_26 = tpu.memref_squeeze %dma_wait3A_25 : memref<1x40x64xf32, #tpu.memory_space<hbm>> -> memref<40x64xf32, #tpu.memory_space<hbm>>
      %dma_wait3A_27 = arith.constant 0 : i32
      %dma_wait3A_28 = tpu.memref_slice %arg12[%mul3A_18, %dma_wait3A_27] : memref<640x64xf32, #tpu.memory_space<vmem_shared>> -> memref<40x64xf32, #tpu.memory_space<vmem_shared>>
      tpu.wait_dma2 semaphore(%run_scoped3A : memref<!tpu.dma_semaphore, #tpu.memory_space<semaphore_mem>>) src(%dma_wait3A_28 : memref<40x64xf32, #tpu.memory_space<vmem_shared>>) dst(%dma_wait3A_26 : memref<40x64xf32, #tpu.memory_space<hbm>>)
      tpu.yield
    }) : () -> ()
    return
  }
}

module attributes {stable_mosaic.version = 14 : i64} {
  func.func @_l1_body(%arg0: i32, %arg1: memref<512x1xf32, #tpu.memory_space<vmem>>, %arg2: memref<2x512x16xf32, #tpu.memory_space<vmem>>, %arg3: memref<16x64xf32, #tpu.memory_space<vmem>>, %arg4: memref<64x64xf32, #tpu.memory_space<vmem>>, %arg5: memref<2x512x32xf32, #tpu.memory_space<vmem>>, %arg6: memref<512x1xf32, #tpu.memory_space<vmem>>) attributes {dimension_semantics = [#tpu.dimension_semantics<arbitrary>], iteration_bounds = array<i64: 98>, scalar_prefetch = 0 : i64, scratch_operands = 0 : i64, tpu.core_type = #tpu.core_type<tc>, window_params = [{transform_indices = @transform_0, window_bounds = array<i64: 512, 1>}, {transform_indices = @transform_1, window_bounds = array<i64: 2, 512, 16>}, {pipeline_mode = #tpu.pipeline_mode<synchronous>, transform_indices = @transform_2, window_bounds = array<i64: 16, 64>}, {pipeline_mode = #tpu.pipeline_mode<synchronous>, transform_indices = @transform_3, window_bounds = array<i64: 64, 64>}, {transform_indices = @transform_4, window_bounds = array<i64: 2, 512, 32>}, {transform_indices = @transform_5, window_bounds = array<i64: 512, 1>}]} {
    %get3A = arith.constant 0 : index
    %get3A_0 = arith.constant 0 : index
    %get3A_1 = vector.load %arg1[%get3A, %get3A_0] : memref<512x1xf32, #tpu.memory_space<vmem>>, vector<512x1xf32>
    %iota3A = tpu.iota {dimensions = array<i32: 1>} : vector<1x16xi32>
    %convert_element_type3A = arith.sitofp %iota3A : vector<1x16xi32> to vector<1x16xf32>
    %eq3A = vector.broadcast %get3A_1 : vector<512x1xf32> to vector<512x16xf32>
    %eq3A_2 = vector.broadcast %convert_element_type3A : vector<1x16xf32> to vector<512x16xf32>
    %eq3A_3 = arith.cmpf oeq, %eq3A, %eq3A_2 : vector<512x16xf32>
    %convert_element_type3A_4 = arith.extui %eq3A_3 : vector<512x16xi1> to vector<512x16xi32>
    %convert_element_type3A_5 = arith.sitofp %convert_element_type3A_4 : vector<512x16xi32> to vector<512x16xf32>
    %get3A_6 = arith.constant 0 : index
    %get3A_7 = arith.constant 0 : index
    %get3A_8 = vector.load %arg3[%get3A_6, %get3A_7] : memref<16x64xf32, #tpu.memory_space<vmem>>, vector<16x64xf32>
    %get3A_9 = arith.constant 0 : index
    %get3A_10 = arith.constant 0 : index
    %get3A_11 = vector.load %arg4[%get3A_9, %get3A_10] : memref<64x64xf32, #tpu.memory_space<vmem>>, vector<64x64xf32>
    %dot_general3A = arith.constant dense<0.000000e+00> : vector<16x64xf32>
    %dot_general3A_12 = tpu.matmul %get3A_8, %get3A_11, %dot_general3A {dimension_numbers = #tpu.dot_dimension_numbers<[1], [0], [0], [1], [0, 0, 1, 1], [], []>, precision = #tpu.contract_precision<fp32>, transpose_lhs_hint = false} : vector<16x64xf32>, vector<64x64xf32>, vector<16x64xf32> -> vector<16x64xf32>
    %get3A_13 = arith.constant 0 : index
    %get3A_14 = arith.constant 0 : index
    %get3A_15 = arith.constant 0 : index
    %get3A_16 = vector.load %arg2[%get3A_13, %get3A_14, %get3A_15] : memref<2x512x16xf32, #tpu.memory_space<vmem>>, vector<1x512x1xf32>
    %get3A_17 = vector.shape_cast %get3A_16 : vector<1x512x1xf32> to vector<512x1xf32>
    %get3A_18 = arith.constant 1 : index
    %get3A_19 = arith.constant 0 : index
    %get3A_20 = arith.constant 0 : index
    %get3A_21 = vector.load %arg2[%get3A_18, %get3A_19, %get3A_20] : memref<2x512x16xf32, #tpu.memory_space<vmem>>, vector<1x512x1xf32>
    %get3A_22 = vector.shape_cast %get3A_21 : vector<1x512x1xf32> to vector<512x1xf32>
    %add3A = arith.addf %get3A_17, %get3A_22 : vector<512x1xf32>
    %mul3A = arith.constant 512 : i32
    %mul3A_23 = arith.muli %arg0, %mul3A : i32
    %iota3A_24 = tpu.iota {dimensions = array<i32: 0>} : vector<512x1xi32>
    %add3A_25 = vector.broadcast %mul3A_23 : i32 to vector<512x1xi32>
    %add3A_26 = arith.addi %add3A_25, %iota3A_24 : vector<512x1xi32>
    %jit3A = arith.constant 25088 : i32
    %eq3A_27 = arith.constant 0 : i32
    %eq3A_28 = arith.cmpi eq, %jit3A, %eq3A_27 : i32
    %jit3A_29 = arith.constant 1 : i32
    %select_n3A = arith.select %eq3A_28, %jit3A_29, %jit3A : i32
    %rem3A = vector.broadcast %select_n3A : i32 to vector<512x1xi32>
    %rem3A_30 = arith.remsi %add3A_26, %rem3A : vector<512x1xi32>
    %ne3A = arith.constant 0 : i32
    %ne3A_31 = vector.broadcast %ne3A : i32 to vector<512x1xi32>
    %ne3A_32 = arith.cmpi ne, %rem3A_30, %ne3A_31 : vector<512x1xi32>
    %lt3A = arith.constant 0 : i32
    %lt3A_33 = vector.broadcast %lt3A : i32 to vector<512x1xi32>
    %lt3A_34 = arith.cmpi slt, %rem3A_30, %lt3A_33 : vector<512x1xi32>
    %lt3A_35 = arith.constant 0 : i32
    %lt3A_36 = arith.cmpi slt, %select_n3A, %lt3A_35 : i32
    %ne3A_37 = vector.broadcast %lt3A_36 : i1 to vector<512x1xi1>
    %ne3A_38 = vector.broadcast %ne3A_37 : vector<512x1xi1> to vector<512x1xi1>
    %ne3A_39 = arith.xori %lt3A_34, %ne3A_38 : vector<512x1xi1>
    %and3A = arith.andi %ne3A_39, %ne3A_32 : vector<512x1xi1>
    %add3A_40 = vector.broadcast %select_n3A : i32 to vector<512x1xi32>
    %add3A_41 = arith.addi %rem3A_30, %add3A_40 : vector<512x1xi32>
    %select_n3A_42 = arith.select %and3A, %add3A_41, %rem3A_30 : vector<512x1xi1>, vector<512x1xi32>
    %lt3A_43 = arith.constant 25000 : i32
    %lt3A_44 = vector.broadcast %lt3A_43 : i32 to vector<512x1xi32>
    %lt3A_45 = arith.cmpi slt, %select_n3A_42, %lt3A_44 : vector<512x1xi32>
    %add3A_46 = arith.constant 1.000000e+00 : f32
    %add3A_47 = vector.broadcast %add3A_46 : f32 to vector<512x1xf32>
    %add3A_48 = arith.addf %add3A_47, %add3A : vector<512x1xf32>
    %rsqrt3A = math.rsqrt %add3A_48 : vector<512x1xf32>
    %jit3A_49 = arith.constant 0.000000e+00 : f32
    %broadcast_in_dim3A = vector.broadcast %jit3A_49 : f32 to vector<512x1xf32>
    %select_n3A_50 = arith.select %lt3A_45, %rsqrt3A, %broadcast_in_dim3A : vector<512x1xi1>, vector<512x1xf32>
    %dot_general3A_51 = arith.constant dense<0.000000e+00> : vector<512x64xf32>
    %dot_general3A_52 = tpu.matmul %convert_element_type3A_5, %dot_general3A_12, %dot_general3A_51 {dimension_numbers = #tpu.dot_dimension_numbers<[1], [0], [0], [1], [0, 0, 1, 1], [], []>, precision = #tpu.contract_precision<fp32>, transpose_lhs_hint = false} : vector<512x16xf32>, vector<16x64xf32>, vector<512x64xf32> -> vector<512x64xf32>
    %mul3A_53 = vector.broadcast %select_n3A_50 : vector<512x1xf32> to vector<512x64xf32>
    %mul3A_54 = arith.mulf %dot_general3A_52, %mul3A_53 : vector<512x64xf32>
    %slice3A = vector.extract_strided_slice %mul3A_54 {offsets = [0, 0], sizes = [512, 32], strides = [1, 1]} : vector<512x64xf32> to vector<512x32xf32>
    %swap3A = arith.constant 0 : index
    %swap3A_55 = arith.constant 0 : index
    %swap3A_56 = arith.constant 0 : index
    %swap3A_57 = vector.load %arg5[%swap3A, %swap3A_55, %swap3A_56] : memref<2x512x32xf32, #tpu.memory_space<vmem>>, vector<1x512x32xf32>
    %swap3A_58 = vector.shape_cast %swap3A_57 : vector<1x512x32xf32> to vector<512x32xf32>
    %swap3A_59 = vector.shape_cast %slice3A : vector<512x32xf32> to vector<1x512x32xf32>
    tpu.vector_store %arg5[%swap3A, %swap3A_55, %swap3A_56], %swap3A_59 {strides = array<i32>} : memref<2x512x32xf32, #tpu.memory_space<vmem>>, vector<1x512x32xf32>,
    %slice3A_60 = vector.extract_strided_slice %mul3A_54 {offsets = [0, 32], sizes = [512, 32], strides = [1, 1]} : vector<512x64xf32> to vector<512x32xf32>
    %swap3A_61 = arith.constant 1 : index
    %swap3A_62 = arith.constant 0 : index
    %swap3A_63 = arith.constant 0 : index
    %swap3A_64 = vector.load %arg5[%swap3A_61, %swap3A_62, %swap3A_63] : memref<2x512x32xf32, #tpu.memory_space<vmem>>, vector<1x512x32xf32>
    %swap3A_65 = vector.shape_cast %swap3A_64 : vector<1x512x32xf32> to vector<512x32xf32>
    %swap3A_66 = vector.shape_cast %slice3A_60 : vector<512x32xf32> to vector<1x512x32xf32>
    tpu.vector_store %arg5[%swap3A_61, %swap3A_62, %swap3A_63], %swap3A_66 {strides = array<i32>} : memref<2x512x32xf32, #tpu.memory_space<vmem>>, vector<1x512x32xf32>,
    %swap3A_67 = arith.constant 0 : index
    %swap3A_68 = arith.constant 0 : index
    %swap3A_69 = vector.load %arg6[%swap3A_67, %swap3A_68] : memref<512x1xf32, #tpu.memory_space<vmem>>, vector<512x1xf32>
    tpu.vector_store %arg6[%swap3A_67, %swap3A_68], %select_n3A_50 {strides = array<i32>} : memref<512x1xf32, #tpu.memory_space<vmem>>, vector<512x1xf32>,
    return
  }
  func.func @transform_0(%arg0: i32) -> (i32, i32) {
    %c0_i32 = arith.constant 0 : i32
    %c0_i32_0 = arith.constant 0 : i32
    return %arg0, %c0_i32 : i32, i32
  }
  func.func @transform_1(%arg0: i32) -> (i32, i32, i32) {
    %c0_i32 = arith.constant 0 : i32
    %c0_i32_0 = arith.constant 0 : i32
    %c0_i32_1 = arith.constant 0 : i32
    return %c0_i32, %arg0, %c0_i32_0 : i32, i32, i32
  }
  func.func @transform_2(%arg0: i32) -> (i32, i32) {
    %c0_i32 = arith.constant 0 : i32
    %c0_i32_0 = arith.constant 0 : i32
    %c0_i32_1 = arith.constant 0 : i32
    return %c0_i32, %c0_i32_0 : i32, i32
  }
  func.func @transform_3(%arg0: i32) -> (i32, i32) {
    %c0_i32 = arith.constant 0 : i32
    %c0_i32_0 = arith.constant 0 : i32
    %c0_i32_1 = arith.constant 0 : i32
    return %c0_i32, %c0_i32_0 : i32, i32
  }
  func.func @transform_4(%arg0: i32) -> (i32, i32, i32) {
    %c0_i32 = arith.constant 0 : i32
    %c0_i32_0 = arith.constant 0 : i32
    %c0_i32_1 = arith.constant 0 : i32
    return %c0_i32, %arg0, %c0_i32_0 : i32, i32, i32
  }
  func.func @transform_5(%arg0: i32) -> (i32, i32) {
    %c0_i32 = arith.constant 0 : i32
    %c0_i32_0 = arith.constant 0 : i32
    return %arg0, %c0_i32 : i32, i32
  }
}

module attributes {stable_mosaic.version = 14 : i64} {
  func.func @_l23_body(%arg0: i32, %arg1: memref<2x512x32xf32, #tpu.memory_space<vmem>>, %arg2: memref<2x512x32xf32, #tpu.memory_space<vmem>>, %arg3: memref<512x1xf32, #tpu.memory_space<vmem>>, %arg4: memref<1x64xf32, #tpu.memory_space<vmem>>, %arg5: memref<64x64xf32, #tpu.memory_space<vmem>>, %arg6: memref<2x512x32xf32, #tpu.memory_space<vmem>>) attributes {dimension_semantics = [#tpu.dimension_semantics<arbitrary>], iteration_bounds = array<i64: 98>, scalar_prefetch = 0 : i64, scratch_operands = 0 : i64, tpu.core_type = #tpu.core_type<tc>, window_params = [{transform_indices = @transform_0, window_bounds = array<i64: 2, 512, 32>}, {transform_indices = @transform_1, window_bounds = array<i64: 2, 512, 32>}, {transform_indices = @transform_2, window_bounds = array<i64: 512, 1>}, {pipeline_mode = #tpu.pipeline_mode<synchronous>, transform_indices = @transform_3, window_bounds = array<i64: 1, 64>}, {pipeline_mode = #tpu.pipeline_mode<synchronous>, transform_indices = @transform_4, window_bounds = array<i64: 64, 64>}, {transform_indices = @transform_5, window_bounds = array<i64: 2, 512, 32>}]} {
    %get3A = arith.constant 0 : index
    %get3A_0 = arith.constant 0 : index
    %get3A_1 = vector.load %arg3[%get3A, %get3A_0] : memref<512x1xf32, #tpu.memory_space<vmem>>, vector<512x1xf32>
    %get3A_2 = arith.constant 0 : index
    %get3A_3 = arith.constant 0 : index
    %get3A_4 = arith.constant 0 : index
    %get3A_5 = vector.load %arg1[%get3A_2, %get3A_3, %get3A_4] : memref<2x512x32xf32, #tpu.memory_space<vmem>>, vector<1x512x32xf32>
    %get3A_6 = vector.shape_cast %get3A_5 : vector<1x512x32xf32> to vector<512x32xf32>
    %get3A_7 = arith.constant 0 : index
    %get3A_8 = arith.constant 0 : index
    %get3A_9 = arith.constant 0 : index
    %get3A_10 = vector.load %arg2[%get3A_7, %get3A_8, %get3A_9] : memref<2x512x32xf32, #tpu.memory_space<vmem>>, vector<1x512x32xf32>
    %get3A_11 = vector.shape_cast %get3A_10 : vector<1x512x32xf32> to vector<512x32xf32>
    %add3A = arith.addf %get3A_6, %get3A_11 : vector<512x32xf32>
    %get3A_12 = arith.constant 1 : index
    %get3A_13 = arith.constant 0 : index
    %get3A_14 = arith.constant 0 : index
    %get3A_15 = vector.load %arg1[%get3A_12, %get3A_13, %get3A_14] : memref<2x512x32xf32, #tpu.memory_space<vmem>>, vector<1x512x32xf32>
    %get3A_16 = vector.shape_cast %get3A_15 : vector<1x512x32xf32> to vector<512x32xf32>
    %get3A_17 = arith.constant 1 : index
    %get3A_18 = arith.constant 0 : index
    %get3A_19 = arith.constant 0 : index
    %get3A_20 = vector.load %arg2[%get3A_17, %get3A_18, %get3A_19] : memref<2x512x32xf32, #tpu.memory_space<vmem>>, vector<1x512x32xf32>
    %get3A_21 = vector.shape_cast %get3A_20 : vector<1x512x32xf32> to vector<512x32xf32>
    %add3A_22 = arith.addf %get3A_16, %get3A_21 : vector<512x32xf32>
    %concatenate3A = tpu.concatenate %add3A, %add3A_22 in 1 : vector<512x32xf32>, vector<512x32xf32> -> vector<512x64xf32>
    %mul3A = vector.broadcast %get3A_1 : vector<512x1xf32> to vector<512x64xf32>
    %mul3A_23 = arith.mulf %mul3A, %concatenate3A : vector<512x64xf32>
    %get3A_24 = arith.constant 0 : index
    %get3A_25 = arith.constant 0 : index
    %get3A_26 = vector.load %arg4[%get3A_24, %get3A_25] : memref<1x64xf32, #tpu.memory_space<vmem>>, vector<1x64xf32>
    %add3A_27 = vector.broadcast %get3A_26 : vector<1x64xf32> to vector<512x64xf32>
    %add3A_28 = arith.addf %mul3A_23, %add3A_27 : vector<512x64xf32>
    %max3A = arith.constant 0.000000e+00 : f32
    %max3A_29 = vector.broadcast %max3A : f32 to vector<512x64xf32>
    %max3A_30 = arith.maximumf %add3A_28, %max3A_29 : vector<512x64xf32>
    %get3A_31 = arith.constant 0 : index
    %get3A_32 = arith.constant 0 : index
    %get3A_33 = vector.load %arg5[%get3A_31, %get3A_32] : memref<64x64xf32, #tpu.memory_space<vmem>>, vector<64x64xf32>
    %dot_general3A = arith.constant dense<0.000000e+00> : vector<512x64xf32>
    %dot_general3A_34 = tpu.matmul %max3A_30, %get3A_33, %dot_general3A {dimension_numbers = #tpu.dot_dimension_numbers<[1], [0], [0], [1], [0, 0, 1, 1], [], []>, precision = #tpu.contract_precision<fp32>, transpose_lhs_hint = false} : vector<512x64xf32>, vector<64x64xf32>, vector<512x64xf32> -> vector<512x64xf32>
    %mul3A_35 = vector.broadcast %get3A_1 : vector<512x1xf32> to vector<512x64xf32>
    %mul3A_36 = arith.mulf %dot_general3A_34, %mul3A_35 : vector<512x64xf32>
    %slice3A = vector.extract_strided_slice %mul3A_36 {offsets = [0, 0], sizes = [512, 32], strides = [1, 1]} : vector<512x64xf32> to vector<512x32xf32>
    %swap3A = arith.constant 0 : index
    %swap3A_37 = arith.constant 0 : index
    %swap3A_38 = arith.constant 0 : index
    %swap3A_39 = vector.load %arg6[%swap3A, %swap3A_37, %swap3A_38] : memref<2x512x32xf32, #tpu.memory_space<vmem>>, vector<1x512x32xf32>
    %swap3A_40 = vector.shape_cast %swap3A_39 : vector<1x512x32xf32> to vector<512x32xf32>
    %swap3A_41 = vector.shape_cast %slice3A : vector<512x32xf32> to vector<1x512x32xf32>
    tpu.vector_store %arg6[%swap3A, %swap3A_37, %swap3A_38], %swap3A_41 {strides = array<i32>} : memref<2x512x32xf32, #tpu.memory_space<vmem>>, vector<1x512x32xf32>,
    %slice3A_42 = vector.extract_strided_slice %mul3A_36 {offsets = [0, 32], sizes = [512, 32], strides = [1, 1]} : vector<512x64xf32> to vector<512x32xf32>
    %swap3A_43 = arith.constant 1 : index
    %swap3A_44 = arith.constant 0 : index
    %swap3A_45 = arith.constant 0 : index
    %swap3A_46 = vector.load %arg6[%swap3A_43, %swap3A_44, %swap3A_45] : memref<2x512x32xf32, #tpu.memory_space<vmem>>, vector<1x512x32xf32>
    %swap3A_47 = vector.shape_cast %swap3A_46 : vector<1x512x32xf32> to vector<512x32xf32>
    %swap3A_48 = vector.shape_cast %slice3A_42 : vector<512x32xf32> to vector<1x512x32xf32>
    tpu.vector_store %arg6[%swap3A_43, %swap3A_44, %swap3A_45], %swap3A_48 {strides = array<i32>} : memref<2x512x32xf32, #tpu.memory_space<vmem>>, vector<1x512x32xf32>,
    return
  }
  func.func @transform_0(%arg0: i32) -> (i32, i32, i32) {
    %c0_i32 = arith.constant 0 : i32
    %c0_i32_0 = arith.constant 0 : i32
    %c0_i32_1 = arith.constant 0 : i32
    return %c0_i32, %arg0, %c0_i32_0 : i32, i32, i32
  }
  func.func @transform_1(%arg0: i32) -> (i32, i32, i32) {
    %c0_i32 = arith.constant 0 : i32
    %c0_i32_0 = arith.constant 0 : i32
    %c0_i32_1 = arith.constant 0 : i32
    return %c0_i32, %arg0, %c0_i32_0 : i32, i32, i32
  }
  func.func @transform_2(%arg0: i32) -> (i32, i32) {
    %c0_i32 = arith.constant 0 : i32
    %c0_i32_0 = arith.constant 0 : i32
    return %arg0, %c0_i32 : i32, i32
  }
  func.func @transform_3(%arg0: i32) -> (i32, i32) {
    %c0_i32 = arith.constant 0 : i32
    %c0_i32_0 = arith.constant 0 : i32
    %c0_i32_1 = arith.constant 0 : i32
    return %c0_i32, %c0_i32_0 : i32, i32
  }
  func.func @transform_4(%arg0: i32) -> (i32, i32) {
    %c0_i32 = arith.constant 0 : i32
    %c0_i32_0 = arith.constant 0 : i32
    %c0_i32_1 = arith.constant 0 : i32
    return %c0_i32, %c0_i32_0 : i32, i32
  }
  func.func @transform_5(%arg0: i32) -> (i32, i32, i32) {
    %c0_i32 = arith.constant 0 : i32
    %c0_i32_0 = arith.constant 0 : i32
    %c0_i32_1 = arith.constant 0 : i32
    return %c0_i32, %arg0, %c0_i32_0 : i32, i32, i32
  }
}

module attributes {stable_mosaic.version = 14 : i64} {
  func.func @_comb_body(%arg0: i32, %arg1: memref<2x512x32xf32, #tpu.memory_space<vmem>>, %arg2: memref<2x512x32xf32, #tpu.memory_space<vmem>>, %arg3: memref<512x1xf32, #tpu.memory_space<vmem>>, %arg4: memref<1x64xf32, #tpu.memory_space<vmem>>, %arg5: memref<512x64xf32, #tpu.memory_space<vmem>>) attributes {dimension_semantics = [#tpu.dimension_semantics<arbitrary>], iteration_bounds = array<i64: 98>, scalar_prefetch = 0 : i64, scratch_operands = 0 : i64, tpu.core_type = #tpu.core_type<tc>, window_params = [{transform_indices = @transform_0, window_bounds = array<i64: 2, 512, 32>}, {transform_indices = @transform_1, window_bounds = array<i64: 2, 512, 32>}, {transform_indices = @transform_2, window_bounds = array<i64: 512, 1>}, {pipeline_mode = #tpu.pipeline_mode<synchronous>, transform_indices = @transform_3, window_bounds = array<i64: 1, 64>}, {transform_indices = @transform_4, window_bounds = array<i64: 512, 64>}]} {
    %get3A = arith.constant 0 : index
    %get3A_0 = arith.constant 0 : index
    %get3A_1 = arith.constant 0 : index
    %get3A_2 = vector.load %arg1[%get3A, %get3A_0, %get3A_1] : memref<2x512x32xf32, #tpu.memory_space<vmem>>, vector<1x512x32xf32>
    %get3A_3 = vector.shape_cast %get3A_2 : vector<1x512x32xf32> to vector<512x32xf32>
    %get3A_4 = arith.constant 0 : index
    %get3A_5 = arith.constant 0 : index
    %get3A_6 = arith.constant 0 : index
    %get3A_7 = vector.load %arg2[%get3A_4, %get3A_5, %get3A_6] : memref<2x512x32xf32, #tpu.memory_space<vmem>>, vector<1x512x32xf32>
    %get3A_8 = vector.shape_cast %get3A_7 : vector<1x512x32xf32> to vector<512x32xf32>
    %add3A = arith.addf %get3A_3, %get3A_8 : vector<512x32xf32>
    %get3A_9 = arith.constant 1 : index
    %get3A_10 = arith.constant 0 : index
    %get3A_11 = arith.constant 0 : index
    %get3A_12 = vector.load %arg1[%get3A_9, %get3A_10, %get3A_11] : memref<2x512x32xf32, #tpu.memory_space<vmem>>, vector<1x512x32xf32>
    %get3A_13 = vector.shape_cast %get3A_12 : vector<1x512x32xf32> to vector<512x32xf32>
    %get3A_14 = arith.constant 1 : index
    %get3A_15 = arith.constant 0 : index
    %get3A_16 = arith.constant 0 : index
    %get3A_17 = vector.load %arg2[%get3A_14, %get3A_15, %get3A_16] : memref<2x512x32xf32, #tpu.memory_space<vmem>>, vector<1x512x32xf32>
    %get3A_18 = vector.shape_cast %get3A_17 : vector<1x512x32xf32> to vector<512x32xf32>
    %add3A_19 = arith.addf %get3A_13, %get3A_18 : vector<512x32xf32>
    %concatenate3A = tpu.concatenate %add3A, %add3A_19 in 1 : vector<512x32xf32>, vector<512x32xf32> -> vector<512x64xf32>
    %get3A_20 = arith.constant 0 : index
    %get3A_21 = arith.constant 0 : index
    %get3A_22 = vector.load %arg3[%get3A_20, %get3A_21] : memref<512x1xf32, #tpu.memory_space<vmem>>, vector<512x1xf32>
    %mul3A = vector.broadcast %get3A_22 : vector<512x1xf32> to vector<512x64xf32>
    %mul3A_23 = arith.mulf %mul3A, %concatenate3A : vector<512x64xf32>
    %get3A_24 = arith.constant 0 : index
    %get3A_25 = arith.constant 0 : index
    %get3A_26 = vector.load %arg4[%get3A_24, %get3A_25] : memref<1x64xf32, #tpu.memory_space<vmem>>, vector<1x64xf32>
    %add3A_27 = vector.broadcast %get3A_26 : vector<1x64xf32> to vector<512x64xf32>
    %add3A_28 = arith.addf %mul3A_23, %add3A_27 : vector<512x64xf32>
    %max3A = arith.constant 0.000000e+00 : f32
    %max3A_29 = vector.broadcast %max3A : f32 to vector<512x64xf32>
    %max3A_30 = arith.maximumf %add3A_28, %max3A_29 : vector<512x64xf32>
    %swap3A = arith.constant 0 : index
    %swap3A_31 = arith.constant 0 : index
    %swap3A_32 = vector.load %arg5[%swap3A, %swap3A_31] : memref<512x64xf32, #tpu.memory_space<vmem>>, vector<512x64xf32>
    tpu.vector_store %arg5[%swap3A, %swap3A_31], %max3A_30 {strides = array<i32>} : memref<512x64xf32, #tpu.memory_space<vmem>>, vector<512x64xf32>,
    return
  }
  func.func @transform_0(%arg0: i32) -> (i32, i32, i32) {
    %c0_i32 = arith.constant 0 : i32
    %c0_i32_0 = arith.constant 0 : i32
    %c0_i32_1 = arith.constant 0 : i32
    return %c0_i32, %arg0, %c0_i32_0 : i32, i32, i32
  }
  func.func @transform_1(%arg0: i32) -> (i32, i32, i32) {
    %c0_i32 = arith.constant 0 : i32
    %c0_i32_0 = arith.constant 0 : i32
    %c0_i32_1 = arith.constant 0 : i32
    return %c0_i32, %arg0, %c0_i32_0 : i32, i32, i32
  }
  func.func @transform_2(%arg0: i32) -> (i32, i32) {
    %c0_i32 = arith.constant 0 : i32
    %c0_i32_0 = arith.constant 0 : i32
    return %arg0, %c0_i32 : i32, i32
  }
  func.func @transform_3(%arg0: i32) -> (i32, i32) {
    %c0_i32 = arith.constant 0 : i32
    %c0_i32_0 = arith.constant 0 : i32
    %c0_i32_1 = arith.constant 0 : i32
    return %c0_i32, %c0_i32_0 : i32, i32
  }
  func.func @transform_4(%arg0: i32) -> (i32, i32) {
    %c0_i32 = arith.constant 0 : i32
    %c0_i32_0 = arith.constant 0 : i32
    return %arg0, %c0_i32 : i32, i32
  }
}

module attributes {stable_mosaic.version = 14 : i64} {
  func.func @_head_body(%arg0: memref<2x640x64xf32, #tpu.memory_space<vmem>>, %arg1: memref<2x640x64xf32, #tpu.memory_space<vmem>>, %arg2: memref<512x1xf32, #tpu.memory_space<vmem>>, %arg3: memref<1x64xf32, #tpu.memory_space<vmem>>, %arg4: memref<1x64xf32, #tpu.memory_space<vmem>>, %arg5: memref<128x64xf32, #tpu.memory_space<vmem>>, %arg6: memref<1x64xf32, #tpu.memory_space<vmem>>, %arg7: memref<64x128xf32, #tpu.memory_space<vmem>>, %arg8: memref<1x128xf32, #tpu.memory_space<vmem>>, %arg9: memref<512x128xf32, #tpu.memory_space<vmem>>) attributes {dimension_semantics = [], scalar_prefetch = 0 : i64, scratch_operands = 0 : i64, tpu.core_type = #tpu.core_type<tc>} {
    %get3A = arith.constant 0 : index
    %get3A_0 = arith.constant 0 : index
    %get3A_1 = arith.constant 0 : index
    %get3A_2 = vector.load %arg0[%get3A, %get3A_0, %get3A_1] : memref<2x640x64xf32, #tpu.memory_space<vmem>>, vector<1x640x64xf32>
    %get3A_3 = vector.shape_cast %get3A_2 : vector<1x640x64xf32> to vector<640x64xf32>
    %get3A_4 = arith.constant 1 : index
    %get3A_5 = arith.constant 0 : index
    %get3A_6 = arith.constant 0 : index
    %get3A_7 = vector.load %arg0[%get3A_4, %get3A_5, %get3A_6] : memref<2x640x64xf32, #tpu.memory_space<vmem>>, vector<1x640x64xf32>
    %get3A_8 = vector.shape_cast %get3A_7 : vector<1x640x64xf32> to vector<640x64xf32>
    %add3A = arith.addf %get3A_3, %get3A_8 : vector<640x64xf32>
    %get3A_9 = arith.constant 0 : index
    %get3A_10 = arith.constant 0 : index
    %get3A_11 = arith.constant 0 : index
    %get3A_12 = vector.load %arg1[%get3A_9, %get3A_10, %get3A_11] : memref<2x640x64xf32, #tpu.memory_space<vmem>>, vector<1x640x1xf32>
    %get3A_13 = vector.shape_cast %get3A_12 : vector<1x640x1xf32> to vector<640x1xf32>
    %get3A_14 = arith.constant 1 : index
    %get3A_15 = arith.constant 0 : index
    %get3A_16 = arith.constant 0 : index
    %get3A_17 = vector.load %arg1[%get3A_14, %get3A_15, %get3A_16] : memref<2x640x64xf32, #tpu.memory_space<vmem>>, vector<1x640x1xf32>
    %get3A_18 = vector.shape_cast %get3A_17 : vector<1x640x1xf32> to vector<640x1xf32>
    %add3A_19 = arith.addf %get3A_13, %get3A_18 : vector<640x1xf32>
    %slice3A = vector.extract_strided_slice %add3A {offsets = [0, 0], sizes = [512, 64], strides = [1, 1]} : vector<640x64xf32> to vector<512x64xf32>
    %slice3A_20 = vector.extract_strided_slice %add3A_19 {offsets = [0, 0], sizes = [512, 1], strides = [1, 1]} : vector<640x1xf32> to vector<512x1xf32>
    %max3A = arith.constant 1.000000e+00 : f32
    %max3A_21 = vector.broadcast %max3A : f32 to vector<512x1xf32>
    %max3A_22 = arith.maximumf %slice3A_20, %max3A_21 : vector<512x1xf32>
    %div3A = vector.broadcast %max3A_22 : vector<512x1xf32> to vector<512x64xf32>
    %div3A_23 = arith.divf %slice3A, %div3A : vector<512x64xf32>
    %get3A_24 = arith.constant 0 : index
    %get3A_25 = arith.constant 0 : index
    %get3A_26 = vector.load %arg2[%get3A_24, %get3A_25] : memref<512x1xf32, #tpu.memory_space<vmem>>, vector<512x1xf32>
    %get3A_27 = arith.constant 0 : index
    %get3A_28 = arith.constant 0 : index
    %get3A_29 = vector.load %arg3[%get3A_27, %get3A_28] : memref<1x64xf32, #tpu.memory_space<vmem>>, vector<1x64xf32>
    %mul3A = vector.broadcast %get3A_26 : vector<512x1xf32> to vector<512x64xf32>
    %mul3A_30 = vector.broadcast %get3A_29 : vector<1x64xf32> to vector<512x64xf32>
    %mul3A_31 = arith.mulf %mul3A, %mul3A_30 : vector<512x64xf32>
    %get3A_32 = arith.constant 0 : index
    %get3A_33 = arith.constant 0 : index
    %get3A_34 = vector.load %arg4[%get3A_32, %get3A_33] : memref<1x64xf32, #tpu.memory_space<vmem>>, vector<1x64xf32>
    %add3A_35 = vector.broadcast %get3A_34 : vector<1x64xf32> to vector<512x64xf32>
    %add3A_36 = arith.addf %mul3A_31, %add3A_35 : vector<512x64xf32>
    %get3A_37 = arith.constant 0 : index
    %get3A_38 = arith.constant 0 : index
    %get3A_39 = vector.load %arg5[%get3A_37, %get3A_38] : memref<128x64xf32, #tpu.memory_space<vmem>>, vector<64x64xf32>
    %dot_general3A = arith.constant dense<0.000000e+00> : vector<512x64xf32>
    %dot_general3A_40 = tpu.matmul %div3A_23, %get3A_39, %dot_general3A {dimension_numbers = #tpu.dot_dimension_numbers<[1], [0], [0], [1], [0, 0, 1, 1], [], []>, precision = #tpu.contract_precision<fp32>, transpose_lhs_hint = false} : vector<512x64xf32>, vector<64x64xf32>, vector<512x64xf32> -> vector<512x64xf32>
    %get3A_41 = arith.constant 64 : index
    %get3A_42 = arith.constant 0 : index
    %get3A_43 = vector.load %arg5[%get3A_41, %get3A_42] : memref<128x64xf32, #tpu.memory_space<vmem>>, vector<64x64xf32>
    %dot_general3A_44 = arith.constant dense<0.000000e+00> : vector<512x64xf32>
    %dot_general3A_45 = tpu.matmul %add3A_36, %get3A_43, %dot_general3A_44 {dimension_numbers = #tpu.dot_dimension_numbers<[1], [0], [0], [1], [0, 0, 1, 1], [], []>, precision = #tpu.contract_precision<fp32>, transpose_lhs_hint = false} : vector<512x64xf32>, vector<64x64xf32>, vector<512x64xf32> -> vector<512x64xf32>
    %add3A_46 = arith.addf %dot_general3A_40, %dot_general3A_45 : vector<512x64xf32>
    %get3A_47 = arith.constant 0 : index
    %get3A_48 = arith.constant 0 : index
    %get3A_49 = vector.load %arg6[%get3A_47, %get3A_48] : memref<1x64xf32, #tpu.memory_space<vmem>>, vector<1x64xf32>
    %add3A_50 = vector.broadcast %get3A_49 : vector<1x64xf32> to vector<512x64xf32>
    %add3A_51 = arith.addf %add3A_46, %add3A_50 : vector<512x64xf32>
    %max3A_52 = arith.constant 0.000000e+00 : f32
    %max3A_53 = vector.broadcast %max3A_52 : f32 to vector<512x64xf32>
    %max3A_54 = arith.maximumf %add3A_51, %max3A_53 : vector<512x64xf32>
    %get3A_55 = arith.constant 0 : index
    %get3A_56 = arith.constant 0 : index
    %get3A_57 = vector.load %arg7[%get3A_55, %get3A_56] : memref<64x128xf32, #tpu.memory_space<vmem>>, vector<64x128xf32>
    %dot_general3A_58 = arith.constant dense<0.000000e+00> : vector<512x128xf32>
    %dot_general3A_59 = tpu.matmul %max3A_54, %get3A_57, %dot_general3A_58 {dimension_numbers = #tpu.dot_dimension_numbers<[1], [0], [0], [1], [0, 0, 1, 1], [], []>, precision = #tpu.contract_precision<fp32>, transpose_lhs_hint = false} : vector<512x64xf32>, vector<64x128xf32>, vector<512x128xf32> -> vector<512x128xf32>
    %get3A_60 = arith.constant 0 : index
    %get3A_61 = arith.constant 0 : index
    %get3A_62 = vector.load %arg8[%get3A_60, %get3A_61] : memref<1x128xf32, #tpu.memory_space<vmem>>, vector<1x128xf32>
    %add3A_63 = vector.broadcast %get3A_62 : vector<1x128xf32> to vector<512x128xf32>
    %add3A_64 = arith.addf %dot_general3A_59, %add3A_63 : vector<512x128xf32>
    %swap3A = arith.constant 0 : index
    %swap3A_65 = arith.constant 0 : index
    %swap3A_66 = vector.load %arg9[%swap3A, %swap3A_65] : memref<512x128xf32, #tpu.memory_space<vmem>>, vector<512x128xf32>
    tpu.vector_store %arg9[%swap3A, %swap3A_65], %add3A_64 {strides = array<i32>} : memref<512x128xf32, #tpu.memory_space<vmem>>, vector<512x128xf32>,
    return
  }
}

</mosaic_0001>

<sc_bundles>
// kernel: kernel.12.cloned.1.call-start
scs
__scs_entry_jumppad:
0x0: {  	(pc) =	sbr.rel $0x88, $3  }
0x1: {  	(tag) =	ssettag $0x0;
	lr =	simm.s32 $0x1  }
0x2: {  	[smem:$0x3F90] =	sst lr;
	_ =	strace $0xD0000000  }
0x3: {  	_ = 	snop  }
0x4: {  	_ = 	snop  }
0x5: {  	_ = 	snop  }
0x6: {  	_ = 	snop  }
0x7: {  	_ = 	snop  }
__scs_overlays_trampoline_lowered:
0x8: {  	[smem:$0x3F9F] =	sst s0  }
0x9: {  	[smem:$0x3FA0] =	sst s1  }
0xa: {  	[smem:$0x3FA1] =	sst s2  }
0xb: {  	[smem:$0x3FA2] =	sst s3  }
0xc: {  	[smem:$0x3FA3] =	sst s4  }
0xd: {  	[smem:$0x3FA4] =	sst s5  }
0xe: {  	[smem:$0x3FA5] =	sst s6  }
0xf: {  	[smem:$0x3FA6] =	sst s7  }
0x10: {  	[smem:$0x3FA7] =	sst s8  }
0x11: {  	[smem:$0x3FA8] =	sst s9;
	s0 =	simm.s32 @!p0 $0x0  }
0x12: {  	s1 =	sld [smem:$0x3F8E];
	s0 =	simm.s32 @p0 $0x1  }
0x13: {  	[smem:$0x3FA9] =	sst s0;
	s0 =	simm.s32 @!p1 $0x0  }
0x14: {  	s2 =	sld [smem:$0x3F8D];
	s0 =	simm.s32 @p1 $0x1  }
0x15: {  	[smem:$0x3FAA] =	sst s0;
	s0 =	simm.s32 @!p2 $0x0  }
0x16: {  	s3 =	sld [smem:$0x3FDB];
	s0 =	simm.s32 @p2 $0x1  }
0x17: {  	s4 =	simm.s32 $0x1BF5;
	[smem:$0x3FAC] =	sst s0  }
0x18: {  	s0 =	sld [smem:$0x3F8F];
	_ =	swait.ge [sflag:s4], $0x0  }
0x19: {  	s7 =	sld [smem:$0x3F90]  }
0x1a: {  	s8 =	sadd.s32 $0xFFFFE003, lr  }
0x1b: {  	s9 =	sadd.s32 $0xFFFFFEF7, lr;
	s5 =	simm.s32 $0xFFFFFFFF;
	p2 =	slt.u32 s8, $0xFFFFF086  }
0x1c: {  	p1 =	slt.u32 s9, $0xF7A;
	s5 =	simm.s32 @!p2 $0x0  }
0x1d: {  	s5 =	simm.s32 @p1 $0x1;
	p0 =	seq.s32 s7, s2  }
0x1e: {  	s7 =	smul.u32 @!p0 $0xF7A, s2;
	p2 =	seq.s32 @!p0 s5, $0x0  }
0x1f: {  	s9 =	smul.u32 $0xF7A, s1;
	s8 =	simm.s32 @!p0 $0x1BF5;
	p2 =	por !p2, p0  }
0x20: {  	[sflag:s8] =	ssyncset.s32 @!p0 $0xFFFFF086;
	s6 =	sadd.s32 @!p0 s3, s7;
	s7 =	simm.s32 @!p0 $0x108  }
0x21: {  	s3 =	sadd.s32 s3, s9;
	s6 =	sadd.s32 @!p0 $0x88, s6;
	s7 =	simm.s32 @p2 $0x1082  }
0x22: {  	[simem:s7], [sflag:s8] =	dma.local @!p0 [hbm:s6], $0xF7A  }
0x23: {  	s9 =	sor.u32 $0xD0000000, s2;
	s6 =	simm.s32 $0x108;
	_ =	swait.ge @!p0 [sflag:s8], $0x0  }
0x24: {  	s3 =	sadd.s32 $0x88, s3;
	s6 =	simm.s32 @!p1 $0x1082;
	[sflag:s4] =	ssyncset.s32 $0xFFFFF086  }
0x25: {  	[simem:s6], [sflag:s4] =	dma.local [hbm:s3], $0xF7A  }
0x26: {  	[smem:$0x3F90] =	sst s1;
	(tag) =	ssettag s2;
	_ =	strace s9  }
0x27: {  	s1 =	sld [smem:$0x3FA0]  }
0x28: {  	s2 =	sld [smem:$0x3FA1]  }
0x29: {  	s4 =	sld [smem:$0x3FA3]  }
0x2a: {  	p0 =	seq.s32 s5, $0x0;
	s5 =	sld [smem:$0x3FA4]  }
0x2b: {  	s6 =	sld [smem:$0x3FA5]  }
0x2c: {  	s7 =	sld [smem:$0x3FA6]  }
0x2d: {  	s3 =	simm.s32 $0x108;
	s8 =	sld [smem:$0x3FA7]  }
0x2e: {  	s3 =	simm.s32 @!p0 $0x1082;
	s9 =	sld [smem:$0x3FA8]  }
0x2f: {  	lr =	sadd.s32 s0, s3;
	s0 =	sld [smem:$0x3F9F]  }
0x30: {  	s3 =	sld [smem:$0x3FA2]  }
0x31: {  	[smem:$0x3FAB] =	sst s10  }
0x32: {  	s10 =	sld [smem:$0x3FA9];
	_ =	sdelay $0x3  }
0x33: {  	p0 =	seq.s32 s10, $0x1;
	s10 =	sld [smem:$0x3FAB];
	_ =	sdelay $0x3  }
0x34: {  	[smem:$0x3FAB] =	sst s10  }
0x35: {  	s10 =	sld [smem:$0x3FAA];
	_ =	sdelay $0x3  }
0x36: {  	p1 =	seq.s32 s10, $0x1;
	s10 =	sld [smem:$0x3FAB];
	_ =	sdelay $0x3  }
0x37: {  	[smem:$0x3FAB] =	sst s10  }
0x38: {  	s10 =	sld [smem:$0x3FAC]  }
0x39: {  	_ = 	snop;
	(pc) =	sbr.ind lr, $3  }
0x3a: {  	_ = 	snop  }
0x3b: {  	_ = 	snop  }
0x3c: {  	p2 =	seq.s32 s10, $0x1;
	s10 =	sld [smem:$0x3FAB]  }
0x3d: {  	_ =	shalt  }
0x3e: {  	_ =	shalt  }
0x3f: {  	_ =	shalt  }
0x40: {  	_ =	shalt  }
0x41: {  	_ =	shalt  }
0x42: {  	_ =	shalt  }
0x43: {  	_ =	shalt  }
0x44: {  	_ =	shalt  }
0x45: {  	_ =	shalt  }
0x46: {  	_ =	shalt  }
0x47: {  	_ =	shalt  }
0x48: {  	_ =	shalt  }
0x49: {  	_ =	shalt  }
0x4a: {  	_ =	shalt  }
0x4b: {  	_ =	shalt  }
0x4c: {  	_ =	shalt  }
0x4d: {  	_ =	shalt  }
0x4e: {  	_ =	shalt  }
0x4f: {  	_ =	shalt  }
0x50: {  	_ =	shalt  }
0x51: {  	_ =	shalt  }
0x52: {  	_ =	shalt  }
0x53: {  	_ =	shalt  }
0x54: {  	_ =	shalt  }
0x55: {  	_ =	shalt  }
0x56: {  	_ =	shalt  }
0x57: {  	_ =	shalt  }
0x58: {  	_ =	shalt  }
0x59: {  	_ =	shalt  }
0x5a: {  	_ =	shalt  }
0x5b: {  	_ =	shalt  }
0x5c: {  	_ =	shalt  }
0x5d: {  	_ =	shalt  }
0x5e: {  	_ =	shalt  }
0x5f: {  	_ =	shalt  }
0x60: {  	_ =	shalt  }
0x61: {  	_ =	shalt  }
0x62: {  	_ =	shalt  }
0x63: {  	_ =	shalt  }
0x64: {  	_ =	shalt  }
0x65: {  	_ =	shalt  }
0x66: {  	_ =	shalt  }
0x67: {  	_ =	shalt  }
0x68: {  	_ =	shalt  }
0x69: {  	_ =	shalt  }
0x6a: {  	_ =	shalt  }
0x6b: {  	_ =	shalt  }
0x6c: {  	_ =	shalt  }
0x6d: {  	_ =	shalt  }
0x6e: {  	_ =	shalt  }
0x6f: {  	_ =	shalt  }
0x70: {  	_ =	shalt  }
0x71: {  	_ =	shalt  }
0x72: {  	_ =	shalt  }
0x73: {  	_ =	shalt  }
0x74: {  	_ =	shalt  }
0x75: {  	_ =	shalt  }
0x76: {  	_ =	shalt  }
0x77: {  	_ =	shalt  }
0x78: {  	_ =	shalt  }
0x79: {  	_ =	shalt  }
0x7a: {  	_ =	shalt  }
0x7b: {  	_ =	shalt  }
0x7c: {  	_ =	shalt  }
0x7d: {  	_ =	shalt  }
0x7e: {  	_ =	shalt  }
0x7f: {  	_ =	shalt  }
0x80: {  	_ =	shalt  }
0x81: {  	_ =	shalt  }
0x82: {  	_ =	shalt  }
0x83: {  	_ =	shalt  }
0x84: {  	_ =	shalt  }
0x85: {  	_ =	shalt  }
0x86: {  	_ =	shalt  }
0x87: {  	_ =	shalt  }
.Lfunc_end0:
.L_simem_size_0:
called_computation_lowered:
.L_overlay_start_0:
0x88: {  	s2 =	sld [smem:$0x3FD9]  }
0x89: {  	s3 =	sld [smem:$0x3FFE];
	_ =	sdelay $0x1  }
0x8a: {  	s1 =	srdreg.scid  }
0x8b: {  	s0 =	sand.u32 $0x1, s1  }
0x8c: {  	s17 =	sshll.u32 s0, $0xA;
	s2 =	sadd.s32 s3, s2  }
0x8d: {  	s2 =	sadd.s32 s2, s17  }
0x8e: {  	[smem:$0x3FB7] =	sst s2  }
0x8f: {  	_ = 	snop  }
0x90: {  	s2 =	sld [smem:$0x3FD0];
	(tm) =	ssettm $0x1  }
0x91: {  	s18 =	sld [smem:$0x3FFB];
	_ =	sdelay $0x3  }
0x92: {  	_ =	strace s18  }
0x93: {  	s3 =	sld [smem:$0x3FFC];
	_ =	sdelay $0x3  }
0x94: {  	_ =	strace s3  }
0x95: {  	s3 =	sld [smem:$0x3FFD];
	_ =	sdelay $0x3  }
0x96: {  	_ =	strace s3  }
0x97: {  	_ =	strace $0x8FFFFFFF  }
0x98: {  	s19 =	sld [smem:$0x3FDB];
	_ =	sdelay $0x1  }
0x99: {  	s4 =	simm.s32 $_scs_section_size  }
0x9a: {  	s5 =	simm.s32 $_size__tile_overlayer_lowered;
	s6 =	simm.s32 $_tile_overlayer_lowered  }
0x9b: {  	s22 =	simm.s32 $0x1BFF;
	s21 =	sshll.u32 s6, $0x1;
	s3 =	sadd.s32 s4, s19  }
0x9c: {  	s7 =	simm.s32 $0x0;
	s20 =	sshll.u32 s5, $0x1;
	s5 =	sadd.s32 s21, s3  }
0x9d: {  	[timem:s7], [sflag:s22] =	dma.local [hbm:s5], s20  }
0x9e: {  	_ =	swait.ge [sflag:s22], s20  }
0x9f: {  	s4 =	ssub.s32 $0x0, s20;
	[sflag:s22] =	ssyncset.done $0x0  }
0xa0: {  	[sflag:s22] =	ssyncadd.s32 s4;
	_ =	sdelay $0x1  }
0xa1: {  	s23 =	simm.s32 $0x1B8B  }
0xa2: {  	_ =	swait.ge [sflag:s23], $0x1  }
0xa3: {  	[sflag:s23] =	ssyncset.done $0x0  }
0xa4: {  	s25 =	simm.s32 $0x1B8E;
	s24 =	sld [smem:$0x3FFE];
	[sflag:s23] =	ssyncadd.s32 $0xFFFFFFFF  }
0xa5: {  	s26 =	simm.s32 $execute0_lowered;
	[smem:$0x3FD2] =	sst s25  }
0xa6: {  	s5 =	sshll.u32 s26, $0x1;
	_ =	strace $0x80000046;
	[dreg:$0x1] =	wrdreg $0xFFFFFFFF  }
0xa7: {  	s28 =	simm.s32 $_size_execute0_lowered;
	s3 =	sadd.s32 s3, s5;
	[dreg:$0x0] =	wrdreg $0x0  }
0xa8: {  	s5 =	sshll.u32 s28, $0x1;
	[dreg:$0x2] =	wrdreg s3  }
0xa9: {  	[dreg:$0x3] =	wrdreg s5  }
0xaa: {  	[dreg:$0x4] =	wrdreg $0xC0  }
0xab: {  	_ =	task [dreg:s7], $0x5FFFF  }
0xac: {  	[dreg:$0x1] =	wrdreg $0xFFFFFFFF  }
0xad: {  	[dreg:$0x0] =	wrdreg $0x60  }
0xae: {  	[dreg:$0x2] =	wrdreg s24  }
0xaf: {  	[dreg:$0x3] =	wrdreg s2  }
0xb0: {  	[dreg:$0x4] =	wrdreg $0x22000  }
0xb1: {  	[dreg:$0x5] =	wrdreg $0x9  }
0xb2: {  	_ =	task.clear_ibuf [dreg:s7], $0x6FFFF;
	_ =	strace $0x90000046  }
0xb3: {  	s29 =	simm.s32 $0x9;
	_ =	strace $0x80000048  }
0xb4: {  	_ =	swait.ge [sflag:s29], $0x1  }
0xb5: {  	[sflag:s29] =	ssyncadd.s32 $0xFFFFFFFF  }
0xb6: {  	_ =	strace $0x90000048  }
0xb7: {  	_ =	sfence  }
0xb8: {  	s30 =	sld [smem:$0x0];
	_ =	sdelay $0x2  }
0xb9: {  	s31 =	sshll.u32 s1, $0xD;
	s1 =	sshrl.u32 s1, $0x2  }
0xba: {  	s3 =	sand.u32 $0x4000, s31;
	s1 =	sadd.s32 s1, s30  }
0xbb: {  	s0 =	sor.u32 s3, s0;
	s1 =	sshll.u32 s1, $0x11  }
0xbc: {  	s0 =	sor.u32 s1, s0  }
0xbd: {  	s0 =	sadd.s32 $0x8F2B, s0  }
0xbe: {  	[sflag:s0] =	ssyncadd.remote.s32 $0x1  }
0xbf: {  	_ =	sfence.sel $0xFFFF  }
0xc0: {  	[dreg:$0x0] =	wrdreg $0xFFFFFFFF;
	(pc) =	sbr.abs _section_cstart, $3  }
0xc1: {  	[dreg:$0x1] =	wrdreg $0xFFFFFFFF  }
0xc2: {  	_ =	task.clear_ibuf [dreg:s7], $0x2FFFF;
	_ =	strace $0x9FFFFFFF  }
0xc3: {  	(tm) =	ssettm $0x7FFFFFFF  }
tec
execute0_lowered:
.L_overlay_start_1:
0x0: {  	(tag) =	ssettag $0x1  }
0x1: {  	s6 =	rddreg [dreg:$0x0]  }
0x2: {  	s0 =	srdreg.scid;
	s2 =	rddreg [dreg:$0x1]  }
0x3: {  	s3 =	rddreg [dreg:$0x2];
	s5 =	sand.u32 $0x1, s0  }
0x4: {  	s0 =	stileid.u32;
	s7 =	smul.u32 $0x64000, s5  }
0x5: {  	s1 =	rddreg [dreg:$0x3];
	s4 =	simm.s32 $0x0;
	s8 =	smul.u32 $0x6400, s0  }
0x6: {  	s12 =	simm.s32 $0x200;
	[smem:$0x7FF] =	sst s4;
	s9 =	smul.u32 $0xC400, s0  }
0x7: {  	s13 =	simm.s32 $0x0;
	s26 =	smul.u32 $0xC4000, s5;
	_ =	strace $0x80000047  }
0x8: {  	s29 =	ssub.s32 $0x2, s5;
	s5 =	sadd.s32 $0x1C800, s6;
	s30 =	sshll.u32 s0, $0x6  }
0x9: {  	s11 =	sshrl.u32 s29, $0x1;
	s7 =	sadd.s32 s8, s7;
	s28 =	sadd.s32 s9, s26  }
0xa: {  	s8 =	ssub.s32 s29, s11;
	s31 =	sadd.s32 s9, s3;
	s7 =	sshrl.u32 s7, $0x3  }
0xb: {  	s11 =	simm.s32 $0x1;
	s10 =	sadd.s32 s7, s6;
	s7 =	sshrl.u32 s28, $0x3  }
0xc: {  	s8 =	smax.u32 s8, $0x1;
	s7 =	sadd.s32 s7, s6;
	s6 =	sor.u32 $0x1C01, s30  }
0xd: {  	s9 =	sadd.s32 $0x3800, s10;
	s10 =	sshrl.u32 s31, $0x3;
	s7 =	sadd.s32 $0x1E200, s7  }
.LBB2_1:
0xe: {  	[spmem:s10], [sflag:s6] =	dma.local [hbm:s5], $0x1880  }
0xf: {  	_ =	swait.ge [sflag:s11], $0x1880  }
0x10: {  	[sflag:s11] =	ssyncset.done $0x0  }
0x11: {  	[sflag:s11] =	ssyncadd.s32 $0xFFFFE780  }
0x12: {  	[tilespmem:s12], [sflag:$0x1] =	stream.linear.gather [hbm4b:s2+s4], $0x2000, $0x38;
	[tilespmem:$0xE600] =	vst v63  }
0x13: {  	_ =	swait.ge [sflag:s11], $0x2000  }
0x14: {  	[sflag:s11] =	ssyncset.done $0x0  }
0x15: {  	[sflag:s11] =	ssyncadd.s32 $0xFFFFE000  }
0x16: {  	s14 =	sadd.s32 $0x0, s9;
	[bflag:$0x0] =	sbarrier.arrive $0xFFFF  }
0x17: {  	[tilespmem:s4], [sflag:$0x1] =	stream.linear.gather [hbm4b:s14+s4], $0x200, $0x38;
	[tilespmem:$0xE600] =	vst v63  }
0x18: {  	_ =	swait.ge [sflag:s11], $0x200  }
0x19: {  	[sflag:s11] =	ssyncset.done $0x0  }
0x1a: {  	[sflag:s11] =	ssyncadd.s32 $0xFFFFFE00  }
0x1b: {  	[spmem:s3] =	stream.indirect.scatter.add.f32 [tilespmem:s12], [sflag:$0x1], $0x10, s4, s12, $0xb8;
	[tilespmem:$0xE600] =	vst v63  }
0x1c: {  	_ =	swait.ge [sflag:s11], $0x2000  }
0x1d: {  	s15 =	simm.s32 $0x80;
	s14 =	simm.s32 $0x40;
	[sflag:s11] =	ssyncset.done $0x0  }
.LBB2_2:
0x1e: {  	s16 =	sadd.s32 s14, s9  }
0x1f: {  	[sflag:s11] =	ssyncadd.s32 $0xFFFFE000;
	s14 =	smov.u32 s15;
	s17 =	sadd.s32 $0x40, s15  }
0x20: {  	[tilespmem:s4], [sflag:$0x1] =	stream.linear.gather [hbm4b:s16+s4], $0x200, $0x38;
	[tilespmem:$0xE600] =	vst v63  }
0x21: {  	p0 =	sne.s32 s15, $0xC40;
	_ =	swait.ge [sflag:s11], $0x200  }
.Ltmp0:
0x22: {  	[sflag:s11] =	ssyncset.done $0x0;
	(pc) =	sbr.rel @p0 .LBB2_2-.Ltmp0, $4  }
0x23: {  	[sflag:s11] =	ssyncadd.s32 $0xFFFFFE00  }
0x24: {  	[spmem:s3] =	stream.indirect.scatter.add.f32 [tilespmem:s12], [sflag:$0x1], $0x10, s4, s12, $0xb8;
	[tilespmem:$0xE600] =	vst v63  }
0x25: {  	_ =	swait.ge [sflag:s11], $0x2000  }
0x26: {  	s15 =	smov.u32 s17;
	[sflag:s11] =	ssyncset.done $0x0  }
0x27: {  	s14 =	sadd.s32 s14, s9;
	[sflag:s11] =	ssyncadd.s32 $0xFFFFE000  }
0x28: {  	[tilespmem:s4], [sflag:$0x1] =	stream.linear.gather [hbm4b:s14+s4], $0x200, $0x38;
	[tilespmem:$0xE600] =	vst v63  }
0x29: {  	_ =	swait.ge [sflag:s11], $0x200  }
0x2a: {  	[sflag:s11] =	ssyncset.done $0x0  }
0x2b: {  	[sflag:s11] =	ssyncadd.s32 $0xFFFFFE00  }
0x2c: {  	[spmem:s3] =	stream.indirect.scatter.add.f32 [tilespmem:s12], [sflag:$0x1], $0x10, s4, s12, $0xb8;
	[tilespmem:$0xE600] =	vst v63  }
0x2d: {  	_ =	swait.ge [sflag:s11], $0x2000  }
0x2e: {  	s13 =	sadd.s32 $0x1, s13;
	[sflag:s11] =	ssyncset.done $0x0  }
0x2f: {  	p0 =	sne.s32 s13, s8;
	[sflag:s11] =	ssyncadd.s32 $0xFFFFE000  }
.Ltmp1:
0x30: {  	[bflag:$0x0] =	sbarrier.arrive $0xFFFF;
	(pc) =	sbr.rel @p0 .LBB2_1-.Ltmp1, $4  }
0x31: {  	[hbm:s7], [sflag:s6] =	dma.local [spmem:s10], $0x1880  }
0x32: {  	_ =	swait.ge [sflag:s11], $0x1880  }
0x33: {  	[sflag:s11] =	ssyncset.done $0x0  }
0x34: {  	[sflag:s11] =	ssyncadd.s32 $0xFFFFE780  }
0x35: {  	_ =	sfence.sel $0x180000  }
0x36: {  	[bflag:$0x0] =	sbarrier.arrive $0xFFFF  }
0x37: {  	p0 =	sne.s32 s0, $0x0;
	_ =	strace $0x90000047  }
0x38: {  	s0 =	sadd.s32 @!p0 $0x100000, s1;
	[bflag:$0x2] =	sbarrier.arrive $0xFFFF  }
0x39: {  	[sflag:s0] =	ssyncadd.tile.s32 @!p0 $0x1;
	_ =	shalt  }
.Lfunc_end2:
_tile_overlayer_lowered:
.L_overlay_start_2:
0x3a: {  	(tag) =	ssettag $0x2  }
0x3b: {  	s0 =	rddreg [dreg:$0x0];
	s2 =	stileid.u32  }
0x3c: {  	s1 =	rddreg [dreg:$0x1];
	p0 =	sne.s32 s2, $0x0  }
0x3d: {  	s3 =	rddreg [dreg:$0x2];
	[bflag:$0x3] =	sbarrier.arrive $0xFFFF;
	s2 =	simm.s32 @!p0 $0x1C01  }
0x3e: {  	[timem:s3], [sflag:s2] =	dma.local @!p0 [hbm:s0], s1  }
0x3f: {  	s0 =	simm.s32 @!p0 $0x1  }
0x40: {  	_ =	swait.ge @!p0 [sflag:s0], s1  }
0x41: {  	s1 =	ssub.s32 @!p0 $0x0, s1;
	[sflag:s0] =	ssyncset.done @!p0 $0x0  }
0x42: {  	[sflag:s0] =	ssyncadd.s32 @!p0 s1  }
0x43: {  	[bflag:$0x3] =	sbarrier.arrive $0xFFFF  }
0x44: {  	_ =	shalt  }

// kernel: kernel.15.cloned.1.call-start
scs
__scs_entry_jumppad:
0x0: {  	(pc) =	sbr.rel $0x88, $3  }
0x1: {  	(tag) =	ssettag $0x0;
	lr =	simm.s32 $0x1  }
0x2: {  	[smem:$0x3F90] =	sst lr;
	_ =	strace $0xD0000000  }
0x3: {  	_ = 	snop  }
0x4: {  	_ = 	snop  }
0x5: {  	_ = 	snop  }
0x6: {  	_ = 	snop  }
0x7: {  	_ = 	snop  }
__scs_overlays_trampoline_lowered:
0x8: {  	[smem:$0x3F9F] =	sst s0  }
0x9: {  	[smem:$0x3FA0] =	sst s1  }
0xa: {  	[smem:$0x3FA1] =	sst s2  }
0xb: {  	[smem:$0x3FA2] =	sst s3  }
0xc: {  	[smem:$0x3FA3] =	sst s4  }
0xd: {  	[smem:$0x3FA4] =	sst s5  }
0xe: {  	[smem:$0x3FA5] =	sst s6  }
0xf: {  	[smem:$0x3FA6] =	sst s7  }
0x10: {  	[smem:$0x3FA7] =	sst s8  }
0x11: {  	[smem:$0x3FA8] =	sst s9;
	s0 =	simm.s32 @!p0 $0x0  }
0x12: {  	s1 =	sld [smem:$0x3F8E];
	s0 =	simm.s32 @p0 $0x1  }
0x13: {  	[smem:$0x3FA9] =	sst s0;
	s0 =	simm.s32 @!p1 $0x0  }
0x14: {  	s2 =	sld [smem:$0x3F8D];
	s0 =	simm.s32 @p1 $0x1  }
0x15: {  	[smem:$0x3FAA] =	sst s0;
	s0 =	simm.s32 @!p2 $0x0  }
0x16: {  	s3 =	sld [smem:$0x3FDB];
	s0 =	simm.s32 @p2 $0x1  }
0x17: {  	s4 =	simm.s32 $0x1BF5;
	[smem:$0x3FAC] =	sst s0  }
0x18: {  	s0 =	sld [smem:$0x3F8F];
	_ =	swait.ge [sflag:s4], $0x0  }
0x19: {  	s7 =	sld [smem:$0x3F90]  }
0x1a: {  	s8 =	sadd.s32 $0xFFFFE003, lr  }
0x1b: {  	s9 =	sadd.s32 $0xFFFFFEF7, lr;
	s5 =	simm.s32 $0xFFFFFFFF;
	p2 =	slt.u32 s8, $0xFFFFF086  }
0x1c: {  	p1 =	slt.u32 s9, $0xF7A;
	s5 =	simm.s32 @!p2 $0x0  }
0x1d: {  	s5 =	simm.s32 @p1 $0x1;
	p0 =	seq.s32 s7, s2  }
0x1e: {  	s7 =	smul.u32 @!p0 $0xF7A, s2;
	p2 =	seq.s32 @!p0 s5, $0x0  }
0x1f: {  	s9 =	smul.u32 $0xF7A, s1;
	s8 =	simm.s32 @!p0 $0x1BF5;
	p2 =	por !p2, p0  }
0x20: {  	[sflag:s8] =	ssyncset.s32 @!p0 $0xFFFFF086;
	s6 =	sadd.s32 @!p0 s3, s7;
	s7 =	simm.s32 @!p0 $0x108  }
0x21: {  	s3 =	sadd.s32 s3, s9;
	s6 =	sadd.s32 @!p0 $0x88, s6;
	s7 =	simm.s32 @p2 $0x1082  }
0x22: {  	[simem:s7], [sflag:s8] =	dma.local @!p0 [hbm:s6], $0xF7A  }
0x23: {  	s9 =	sor.u32 $0xD0000000, s2;
	s6 =	simm.s32 $0x108;
	_ =	swait.ge @!p0 [sflag:s8], $0x0  }
0x24: {  	s3 =	sadd.s32 $0x88, s3;
	s6 =	simm.s32 @!p1 $0x1082;
	[sflag:s4] =	ssyncset.s32 $0xFFFFF086  }
0x25: {  	[simem:s6], [sflag:s4] =	dma.local [hbm:s3], $0xF7A  }
0x26: {  	[smem:$0x3F90] =	sst s1;
	(tag) =	ssettag s2;
	_ =	strace s9  }
0x27: {  	s1 =	sld [smem:$0x3FA0]  }
0x28: {  	s2 =	sld [smem:$0x3FA1]  }
0x29: {  	s4 =	sld [smem:$0x3FA3]  }
0x2a: {  	p0 =	seq.s32 s5, $0x0;
	s5 =	sld [smem:$0x3FA4]  }
0x2b: {  	s6 =	sld [smem:$0x3FA5]  }
0x2c: {  	s7 =	sld [smem:$0x3FA6]  }
0x2d: {  	s3 =	simm.s32 $0x108;
	s8 =	sld [smem:$0x3FA7]  }
0x2e: {  	s3 =	simm.s32 @!p0 $0x1082;
	s9 =	sld [smem:$0x3FA8]  }
0x2f: {  	lr =	sadd.s32 s0, s3;
	s0 =	sld [smem:$0x3F9F]  }
0x30: {  	s3 =	sld [smem:$0x3FA2]  }
0x31: {  	[smem:$0x3FAB] =	sst s10  }
0x32: {  	s10 =	sld [smem:$0x3FA9];
	_ =	sdelay $0x3  }
0x33: {  	p0 =	seq.s32 s10, $0x1;
	s10 =	sld [smem:$0x3FAB];
	_ =	sdelay $0x3  }
0x34: {  	[smem:$0x3FAB] =	sst s10  }
0x35: {  	s10 =	sld [smem:$0x3FAA];
	_ =	sdelay $0x3  }
0x36: {  	p1 =	seq.s32 s10, $0x1;
	s10 =	sld [smem:$0x3FAB];
	_ =	sdelay $0x3  }
0x37: {  	[smem:$0x3FAB] =	sst s10  }
0x38: {  	s10 =	sld [smem:$0x3FAC]  }
0x39: {  	_ = 	snop;
	(pc) =	sbr.ind lr, $3  }
0x3a: {  	_ = 	snop  }
0x3b: {  	_ = 	snop  }
0x3c: {  	p2 =	seq.s32 s10, $0x1;
	s10 =	sld [smem:$0x3FAB]  }
0x3d: {  	_ =	shalt  }
0x3e: {  	_ =	shalt  }
0x3f: {  	_ =	shalt  }
0x40: {  	_ =	shalt  }
0x41: {  	_ =	shalt  }
0x42: {  	_ =	shalt  }
0x43: {  	_ =	shalt  }
0x44: {  	_ =	shalt  }
0x45: {  	_ =	shalt  }
0x46: {  	_ =	shalt  }
0x47: {  	_ =	shalt  }
0x48: {  	_ =	shalt  }
0x49: {  	_ =	shalt  }
0x4a: {  	_ =	shalt  }
0x4b: {  	_ =	shalt  }
0x4c: {  	_ =	shalt  }
0x4d: {  	_ =	shalt  }
0x4e: {  	_ =	shalt  }
0x4f: {  	_ =	shalt  }
0x50: {  	_ =	shalt  }
0x51: {  	_ =	shalt  }
0x52: {  	_ =	shalt  }
0x53: {  	_ =	shalt  }
0x54: {  	_ =	shalt  }
0x55: {  	_ =	shalt  }
0x56: {  	_ =	shalt  }
0x57: {  	_ =	shalt  }
0x58: {  	_ =	shalt  }
0x59: {  	_ =	shalt  }
0x5a: {  	_ =	shalt  }
0x5b: {  	_ =	shalt  }
0x5c: {  	_ =	shalt  }
0x5d: {  	_ =	shalt  }
0x5e: {  	_ =	shalt  }
0x5f: {  	_ =	shalt  }
0x60: {  	_ =	shalt  }
0x61: {  	_ =	shalt  }
0x62: {  	_ =	shalt  }
0x63: {  	_ =	shalt  }
0x64: {  	_ =	shalt  }
0x65: {  	_ =	shalt  }
0x66: {  	_ =	shalt  }
0x67: {  	_ =	shalt  }
0x68: {  	_ =	shalt  }
0x69: {  	_ =	shalt  }
0x6a: {  	_ =	shalt  }
0x6b: {  	_ =	shalt  }
0x6c: {  	_ =	shalt  }
0x6d: {  	_ =	shalt  }
0x6e: {  	_ =	shalt  }
0x6f: {  	_ =	shalt  }
0x70: {  	_ =	shalt  }
0x71: {  	_ =	shalt  }
0x72: {  	_ =	shalt  }
0x73: {  	_ =	shalt  }
0x74: {  	_ =	shalt  }
0x75: {  	_ =	shalt  }
0x76: {  	_ =	shalt  }
0x77: {  	_ =	shalt  }
0x78: {  	_ =	shalt  }
0x79: {  	_ =	shalt  }
0x7a: {  	_ =	shalt  }
0x7b: {  	_ =	shalt  }
0x7c: {  	_ =	shalt  }
0x7d: {  	_ =	shalt  }
0x7e: {  	_ =	shalt  }
0x7f: {  	_ =	shalt  }
0x80: {  	_ =	shalt  }
0x81: {  	_ =	shalt  }
0x82: {  	_ =	shalt  }
0x83: {  	_ =	shalt  }
0x84: {  	_ =	shalt  }
0x85: {  	_ =	shalt  }
0x86: {  	_ =	shalt  }
0x87: {  	_ =	shalt  }
.Lfunc_end0:
.L_simem_size_0:
called_computation.1_lowered:
.L_overlay_start_0:
0x88: {  	s2 =	sld [smem:$0x3FD9]  }
0x89: {  	s3 =	sld [smem:$0x3FFE];
	_ =	sdelay $0x1  }
0x8a: {  	s1 =	srdreg.scid  }
0x8b: {  	s0 =	sand.u32 $0x1, s1  }
0x8c: {  	s16 =	sshll.u32 s0, $0xA;
	s2 =	sadd.s32 s3, s2  }
0x8d: {  	s2 =	sadd.s32 s2, s16  }
0x8e: {  	[smem:$0x3FB7] =	sst s2  }
0x8f: {  	_ = 	snop  }
0x90: {  	(tm) =	ssettm $0x1  }
0x91: {  	s17 =	sld [smem:$0x3FFB];
	_ =	sdelay $0x3  }
0x92: {  	_ =	strace s17  }
0x93: {  	s2 =	sld [smem:$0x3FFC];
	_ =	sdelay $0x3  }
0x94: {  	_ =	strace s2  }
0x95: {  	s2 =	sld [smem:$0x3FFD];
	_ =	sdelay $0x3  }
0x96: {  	_ =	strace s2  }
0x97: {  	_ =	strace $0x8FFFFFFF  }
0x98: {  	s18 =	sld [smem:$0x3FDB];
	_ =	sdelay $0x1  }
0x99: {  	s19 =	simm.s32 $_scs_section_size  }
0x9a: {  	s4 =	simm.s32 $_size__tile_overlayer_lowered;
	s5 =	simm.s32 $_tile_overlayer_lowered  }
0x9b: {  	s22 =	simm.s32 $0x1BFF;
	s21 =	sshll.u32 s5, $0x1;
	s2 =	sadd.s32 s19, s18  }
0x9c: {  	s6 =	simm.s32 $0x0;
	s20 =	sshll.u32 s4, $0x1;
	s4 =	sadd.s32 s21, s2  }
0x9d: {  	[timem:s6], [sflag:s22] =	dma.local [hbm:s4], s20  }
0x9e: {  	_ =	swait.ge [sflag:s22], s20  }
0x9f: {  	s3 =	ssub.s32 $0x0, s20;
	[sflag:s22] =	ssyncset.done $0x0  }
0xa0: {  	[sflag:s22] =	ssyncadd.s32 s3;
	_ =	sdelay $0x1  }
0xa1: {  	s23 =	simm.s32 $0x1B8B  }
0xa2: {  	_ =	swait.ge [sflag:s23], $0x1  }
0xa3: {  	[sflag:s23] =	ssyncset.done $0x0  }
0xa4: {  	s25 =	simm.s32 $0x1B8E;
	s24 =	sld [smem:$0x3FFE];
	[sflag:s23] =	ssyncadd.s32 $0xFFFFFFFF  }
0xa5: {  	s26 =	simm.s32 $execute0_lowered;
	[smem:$0x3FD2] =	sst s25  }
0xa6: {  	s4 =	sshll.u32 s26, $0x1;
	_ =	strace $0x80000049;
	[dreg:$0x1] =	wrdreg $0xFFFFFFFF  }
0xa7: {  	s28 =	simm.s32 $_size_execute0_lowered;
	s2 =	sadd.s32 s2, s4;
	[dreg:$0x0] =	wrdreg $0x0  }
0xa8: {  	s4 =	sshll.u32 s28, $0x1;
	[dreg:$0x2] =	wrdreg s2  }
0xa9: {  	[dreg:$0x3] =	wrdreg s4  }
0xaa: {  	[dreg:$0x4] =	wrdreg $0xC0  }
0xab: {  	_ =	task [dreg:s6], $0x5FFFF  }
0xac: {  	[dreg:$0x1] =	wrdreg $0xFFFFFFFF  }
0xad: {  	[dreg:$0x0] =	wrdreg $0x60  }
0xae: {  	[dreg:$0x2] =	wrdreg s24  }
0xaf: {  	[dreg:$0x3] =	wrdreg $0x44000  }
0xb0: {  	[dreg:$0x4] =	wrdreg $0x9  }
0xb1: {  	_ =	task.clear_ibuf [dreg:s6], $0x5FFFF;
	_ =	strace $0x90000049  }
0xb2: {  	s29 =	simm.s32 $0x9;
	_ =	strace $0x8000004B  }
0xb3: {  	_ =	swait.ge [sflag:s29], $0x1  }
0xb4: {  	[sflag:s29] =	ssyncadd.s32 $0xFFFFFFFF  }
0xb5: {  	_ =	strace $0x9000004B  }
0xb6: {  	_ =	sfence  }
0xb7: {  	s30 =	sld [smem:$0x0];
	_ =	sdelay $0x2  }
0xb8: {  	s31 =	sshll.u32 s1, $0xD;
	s1 =	sshrl.u32 s1, $0x2  }
0xb9: {  	s3 =	sand.u32 $0x4000, s31;
	s1 =	sadd.s32 s1, s30  }
0xba: {  	s0 =	sor.u32 s3, s0;
	s1 =	sshll.u32 s1, $0x11  }
0xbb: {  	s0 =	sor.u32 s1, s0  }
0xbc: {  	s0 =	sadd.s32 $0x8F2B, s0  }
0xbd: {  	[sflag:s0] =	ssyncadd.remote.s32 $0x1  }
0xbe: {  	_ =	sfence.sel $0xFFFF  }
0xbf: {  	[dreg:$0x0] =	wrdreg $0xFFFFFFFF;
	(pc) =	sbr.abs _section_cstart, $3  }
0xc0: {  	[dreg:$0x1] =	wrdreg $0xFFFFFFFF  }
0xc1: {  	_ =	task.clear_ibuf [dreg:s6], $0x2FFFF;
	_ =	strace $0x9FFFFFFF  }
0xc2: {  	(tm) =	ssettm $0x7FFFFFFF  }
0xc3: {  	_ =	shalt  }
tec
execute0_lowered:
.L_overlay_start_1:
0x0: {  	(tag) =	ssettag $0x1  }
0x1: {  	s5 =	rddreg [dreg:$0x0]  }
0x2: {  	s2 =	rddreg [dreg:$0x1]  }
0x3: {  	s0 =	srdreg.scid;
	s1 =	rddreg [dreg:$0x2]  }
0x4: {  	s3 =	simm.s32 $0x0;
	s14 =	simm.s32 $0x400;
	s6 =	sand.u32 $0x1, s0  }
0x5: {  	s15 =	simm.s32 $0x2400;
	s0 =	stileid.u32;
	s4 =	smul.u32 $0x31000, s6  }
0x6: {  	s16 =	simm.s32 $0x200;
	s17 =	simm.s32 $0x300;
	s7 =	smul.u32 $0x1900, s0  }
0x7: {  	s18 =	simm.s32 $0x1;
	s19 =	simm.s32 $0x2;
	s8 =	smul.u32 $0x18800, s0  }
0x8: {  	s20 =	simm.s32 $0x0;
	[smem:$0x7FF] =	sst s3;
	s9 =	smul.u32 $0x188000, s6  }
0x9: {  	_ =	strace $0x8000004A;
	s6 =	ssub.s32 $0x2, s6;
	s31 =	sshll.u32 s0, $0x6  }
0xa: {  	s30 =	sshrl.u32 s6, $0x1;
	s10 =	sadd.s32 s4, s5;
	s11 =	sadd.s32 s7, s5  }
0xb: {  	s29 =	sadd.s32 s8, s9;
	s4 =	sadd.s32 $0x7E800, s5;
	s12 =	ssub.s32 s6, s30  }
0xc: {  	s13 =	sadd.s32 s8, s2;
	s7 =	sshrl.u32 s29, $0x3;
	s6 =	sadd.s32 $0x1C800, s10  }
0xd: {  	s8 =	smax.u32 s12, $0x1;
	s9 =	sadd.s32 $0x113200, s11;
	s10 =	sadd.s32 $0x3800, s11  }
0xe: {  	s11 =	sshrl.u32 s13, $0x3;
	s12 =	simm.s32 $0x3;
	s7 =	sadd.s32 s7, s5  }
0xf: {  	s13 =	simm.s32 $0x100;
	s5 =	sor.u32 $0x1C03, s31;
	s7 =	sadd.s32 $0x81A00, s7  }
.LBB2_1:
0x10: {  	[spmem:s11], [sflag:s5] =	dma.local [hbm:s4], $0x3100  }
0x11: {  	_ =	swait.ge [sflag:s12], $0x3100  }
0x12: {  	[sflag:s12] =	ssyncset.done $0x0  }
0x13: {  	[sflag:s12] =	ssyncadd.s32 $0xFFFFCF00  }
0x14: {  	s21 =	sadd.s32 $0x0, s9;
	[bflag:$0x0] =	sbarrier.arrive $0xFFFF  }
0x15: {  	[tilespmem:s3], [sflag:$0x3] =	stream.linear.gather [hbm4b:s21+s3], $0x100, $0x38;
	[tilespmem:$0x1CC00] =	vst v63  }
0x16: {  	_ =	swait.ge [sflag:s12], $0x100  }
0x17: {  	[sflag:s12] =	ssyncset.done $0x0  }
0x18: {  	[sflag:s12] =	ssyncadd.s32 $0xFFFFFF00  }
0x19: {  	[tilespmem:s14], [sflag:$0x1] =	stream.indirect.gather [hbm4b:s6+s13], $0x20, s3, s13, $0xb8;
	[tilespmem:$0x1CC00] =	vst v63  }
0x1a: {  	s21 =	sadd.s32 $0x20, s21  }
0x1b: {  	[tilespmem:s13], [sflag:$0x3] =	stream.linear.gather [hbm4b:s21+s3], $0x100, $0x38;
	[tilespmem:$0x1CC00] =	vst v63  }
0x1c: {  	_ =	swait.ge [sflag:s12], $0x100  }
0x1d: {  	[sflag:s12] =	ssyncset.done $0x0  }
0x1e: {  	[sflag:s12] =	ssyncadd.s32 $0xFFFFFF00  }
0x1f: {  	[tilespmem:s15], [sflag:$0x2] =	stream.indirect.gather [hbm4b:s6+s13], $0x20, s13, s13, $0xb8;
	[tilespmem:$0x1CC00] =	vst v63  }
0x20: {  	s31 =	sadd.s32 $0x0, s10  }
0x21: {  	[tilespmem:s16], [sflag:$0x3] =	stream.linear.gather [hbm4b:s31+s3], $0x100, $0x38;
	[tilespmem:$0x1CC00] =	vst v63  }
0x22: {  	_ =	swait.ge [sflag:s12], $0x100  }
0x23: {  	[sflag:s12] =	ssyncset.done $0x0  }
0x24: {  	s21 =	sadd.s32 $0x20, s31;
	[sflag:s12] =	ssyncadd.s32 $0xFFFFFF00  }
0x25: {  	[tilespmem:s17], [sflag:$0x3] =	stream.linear.gather [hbm4b:s21+s3], $0x100, $0x38;
	[tilespmem:$0x1CC00] =	vst v63  }
0x26: {  	_ =	swait.ge [sflag:s12], $0x100  }
0x27: {  	[sflag:s12] =	ssyncset.done $0x0  }
0x28: {  	[sflag:s12] =	ssyncadd.s32 $0xFFFFFF00  }
0x29: {  	_ =	swait.ge [sflag:s18], $0x2000  }
0x2a: {  	[sflag:s18] =	ssyncset.done $0x0  }
0x2b: {  	[sflag:s18] =	ssyncadd.s32 $0xFFFFE000  }
0x2c: {  	[spmem:s2] =	stream.indirect.scatter.add.f32 [tilespmem:s14], [sflag:$0x3], $0x20, s16, s13, $0xb8;
	[tilespmem:$0x1CC00] =	vst v63  }
0x2d: {  	_ =	swait.ge [sflag:s12], $0x2000  }
0x2e: {  	[sflag:s12] =	ssyncset.done $0x0  }
0x2f: {  	[sflag:s12] =	ssyncadd.s32 $0xFFFFE000  }
0x30: {  	_ =	swait.ge [sflag:s19], $0x2000  }
0x31: {  	[sflag:s19] =	ssyncset.done $0x0  }
0x32: {  	[sflag:s19] =	ssyncadd.s32 $0xFFFFE000  }
0x33: {  	[spmem:s2] =	stream.indirect.scatter.add.f32 [tilespmem:s15], [sflag:$0x3], $0x20, s17, s13, $0xb8;
	[tilespmem:$0x1CC00] =	vst v63  }
0x34: {  	_ =	swait.ge [sflag:s12], $0x2000  }
0x35: {  	s23 =	simm.s32 $0x80;
	s21 =	simm.s32 $0x40;
	[sflag:s12] =	ssyncset.done $0x0  }
.LBB2_2:
0x36: {  	s24 =	sadd.s32 s21, s9  }
0x37: {  	[sflag:s12] =	ssyncadd.s32 $0xFFFFE000;
	s25 =	smov.u32 s23;
	s22 =	sadd.s32 $0x40, s23  }
0x38: {  	[tilespmem:s3], [sflag:$0x3] =	stream.linear.gather [hbm4b:s24+s3], $0x100, $0x38;
	[tilespmem:$0x1CC00] =	vst v63  }
0x39: {  	p0 =	sne.s32 s23, $0x18C0;
	_ =	swait.ge [sflag:s12], $0x100  }
0x3a: {  	[sflag:s12] =	ssyncset.done $0x0  }
0x3b: {  	[sflag:s12] =	ssyncadd.s32 $0xFFFFFF00  }
0x3c: {  	[tilespmem:s14], [sflag:$0x1] =	stream.indirect.gather [hbm4b:s6+s13], $0x20, s3, s13, $0xb8;
	[tilespmem:$0x1CC00] =	vst v63  }
0x3d: {  	s23 =	sadd.s32 $0x20, s24  }
0x3e: {  	[tilespmem:s13], [sflag:$0x3] =	stream.linear.gather [hbm4b:s23+s3], $0x100, $0x38;
	[tilespmem:$0x1CC00] =	vst v63  }
0x3f: {  	_ =	swait.ge [sflag:s12], $0x100  }
0x40: {  	[sflag:s12] =	ssyncset.done $0x0  }
0x41: {  	[sflag:s12] =	ssyncadd.s32 $0xFFFFFF00  }
0x42: {  	[tilespmem:s15], [sflag:$0x2] =	stream.indirect.gather [hbm4b:s6+s13], $0x20, s13, s13, $0xb8;
	[tilespmem:$0x1CC00] =	vst v63  }
0x43: {  	s23 =	sadd.s32 s21, s10;
	s21 =	smov.u32 s25  }
0x44: {  	[tilespmem:s16], [sflag:$0x3] =	stream.linear.gather [hbm4b:s23+s3], $0x100, $0x38;
	[tilespmem:$0x1CC00] =	vst v63  }
0x45: {  	_ =	swait.ge [sflag:s12], $0x100  }
0x46: {  	[sflag:s12] =	ssyncset.done $0x0  }
0x47: {  	s23 =	sadd.s32 $0x20, s23;
	[sflag:s12] =	ssyncadd.s32 $0xFFFFFF00  }
0x48: {  	[tilespmem:s17], [sflag:$0x3] =	stream.linear.gather [hbm4b:s23+s3], $0x100, $0x38;
	[tilespmem:$0x1CC00] =	vst v63  }
0x49: {  	_ =	swait.ge [sflag:s12], $0x100  }
0x4a: {  	[sflag:s12] =	ssyncset.done $0x0  }
0x4b: {  	[sflag:s12] =	ssyncadd.s32 $0xFFFFFF00  }
0x4c: {  	_ =	swait.ge [sflag:s18], $0x2000  }
0x4d: {  	[sflag:s18] =	ssyncset.done $0x0  }
0x4e: {  	[sflag:s18] =	ssyncadd.s32 $0xFFFFE000  }
0x4f: {  	[spmem:s2] =	stream.indirect.scatter.add.f32 [tilespmem:s14], [sflag:$0x3], $0x20, s16, s13, $0xb8;
	[tilespmem:$0x1CC00] =	vst v63  }
0x50: {  	_ =	swait.ge [sflag:s12], $0x2000  }
0x51: {  	[sflag:s12] =	ssyncset.done $0x0  }
0x52: {  	[sflag:s12] =	ssyncadd.s32 $0xFFFFE000  }
0x53: {  	_ =	swait.ge [sflag:s19], $0x2000  }
.Ltmp0:
0x54: {  	[sflag:s19] =	ssyncset.done $0x0;
	(pc) =	sbr.rel @p0 .LBB2_2-.Ltmp0, $4  }
0x55: {  	[sflag:s19] =	ssyncadd.s32 $0xFFFFE000  }
0x56: {  	[spmem:s2] =	stream.indirect.scatter.add.f32 [tilespmem:s15], [sflag:$0x3], $0x20, s17, s13, $0xb8;
	[tilespmem:$0x1CC00] =	vst v63  }
0x57: {  	_ =	swait.ge [sflag:s12], $0x2000  }
0x58: {  	s23 =	smov.u32 s22;
	[sflag:s12] =	ssyncset.done $0x0  }
0x59: {  	s22 =	sadd.s32 s21, s9;
	[sflag:s12] =	ssyncadd.s32 $0xFFFFE000  }
0x5a: {  	[tilespmem:s3], [sflag:$0x3] =	stream.linear.gather [hbm4b:s22+s3], $0x100, $0x38;
	[tilespmem:$0x1CC00] =	vst v63  }
0x5b: {  	_ =	swait.ge [sflag:s12], $0x100  }
0x5c: {  	[sflag:s12] =	ssyncset.done $0x0  }
0x5d: {  	[sflag:s12] =	ssyncadd.s32 $0xFFFFFF00  }
0x5e: {  	[tilespmem:s14], [sflag:$0x1] =	stream.indirect.gather [hbm4b:s6+s13], $0x20, s3, s13, $0xb8;
	[tilespmem:$0x1CC00] =	vst v63  }
0x5f: {  	s22 =	sadd.s32 $0x20, s22  }
0x60: {  	[tilespmem:s13], [sflag:$0x3] =	stream.linear.gather [hbm4b:s22+s3], $0x100, $0x38;
	[tilespmem:$0x1CC00] =	vst v63  }
0x61: {  	_ =	swait.ge [sflag:s12], $0x100  }
0x62: {  	[sflag:s12] =	ssyncset.done $0x0  }
0x63: {  	[sflag:s12] =	ssyncadd.s32 $0xFFFFFF00  }
0x64: {  	[tilespmem:s15], [sflag:$0x2] =	stream.indirect.gather [hbm4b:s6+s13], $0x20, s13, s13, $0xb8;
	[tilespmem:$0x1CC00] =	vst v63  }
0x65: {  	s31 =	sadd.s32 s21, s10  }
0x66: {  	[tilespmem:s16], [sflag:$0x3] =	stream.linear.gather [hbm4b:s31+s3], $0x100, $0x38;
	[tilespmem:$0x1CC00] =	vst v63  }
0x67: {  	_ =	swait.ge [sflag:s12], $0x100  }
0x68: {  	[sflag:s12] =	ssyncset.done $0x0  }
0x69: {  	s21 =	sadd.s32 $0x20, s31;
	[sflag:s12] =	ssyncadd.s32 $0xFFFFFF00  }
0x6a: {  	[tilespmem:s17], [sflag:$0x3] =	stream.linear.gather [hbm4b:s21+s3], $0x100, $0x38;
	[tilespmem:$0x1CC00] =	vst v63  }
0x6b: {  	_ =	swait.ge [sflag:s12], $0x100  }
0x6c: {  	[sflag:s12] =	ssyncset.done $0x0  }
0x6d: {  	[sflag:s12] =	ssyncadd.s32 $0xFFFFFF00  }
0x6e: {  	_ =	swait.ge [sflag:s18], $0x2000  }
0x6f: {  	[sflag:s18] =	ssyncset.done $0x0  }
0x70: {  	[sflag:s18] =	ssyncadd.s32 $0xFFFFE000  }
0x71: {  	[spmem:s2] =	stream.indirect.scatter.add.f32 [tilespmem:s14], [sflag:$0x3], $0x20, s16, s13, $0xb8;
	[tilespmem:$0x1CC00] =	vst v63  }
0x72: {  	_ =	swait.ge [sflag:s12], $0x2000  }
0x73: {  	[sflag:s12] =	ssyncset.done $0x0  }
0x74: {  	[sflag:s12] =	ssyncadd.s32 $0xFFFFE000  }
0x75: {  	_ =	swait.ge [sflag:s19], $0x2000  }
0x76: {  	[sflag:s19] =	ssyncset.done $0x0  }
0x77: {  	[sflag:s19] =	ssyncadd.s32 $0xFFFFE000  }
0x78: {  	[spmem:s2] =	stream.indirect.scatter.add.f32 [tilespmem:s15], [sflag:$0x3], $0x20, s17, s13, $0xb8;
	[tilespmem:$0x1CC00] =	vst v63  }
0x79: {  	_ =	swait.ge [sflag:s12], $0x2000  }
0x7a: {  	s20 =	sadd.s32 $0x1, s20;
	[sflag:s12] =	ssyncset.done $0x0  }
0x7b: {  	p0 =	sne.s32 s20, s8;
	[sflag:s12] =	ssyncadd.s32 $0xFFFFE000  }
.Ltmp1:
0x7c: {  	[bflag:$0x0] =	sbarrier.arrive $0xFFFF;
	(pc) =	sbr.rel @p0 .LBB2_1-.Ltmp1, $4  }
0x7d: {  	[hbm:s7], [sflag:s5] =	dma.local [spmem:s11], $0x3100  }
0x7e: {  	_ =	swait.ge [sflag:s12], $0x3100  }
0x7f: {  	[sflag:s12] =	ssyncset.done $0x0  }
0x80: {  	[sflag:s12] =	ssyncadd.s32 $0xFFFFCF00  }
0x81: {  	_ =	sfence.sel $0x180000  }
0x82: {  	[bflag:$0x0] =	sbarrier.arrive $0xFFFF  }
0x83: {  	p0 =	sne.s32 s0, $0x0;
	_ =	strace $0x9000004A  }
0x84: {  	s0 =	sadd.s32 @!p0 $0x100000, s1;
	[bflag:$0x2] =	sbarrier.arrive $0xFFFF  }
0x85: {  	[sflag:s0] =	ssyncadd.tile.s32 @!p0 $0x1;
	_ =	shalt  }
.Lfunc_end2:
_tile_overlayer_lowered:
.L_overlay_start_2:
0x86: {  	(tag) =	ssettag $0x2  }
0x87: {  	s0 =	rddreg [dreg:$0x0];
	s2 =	stileid.u32  }
0x88: {  	s1 =	rddreg [dreg:$0x1];
	p0 =	sne.s32 s2, $0x0  }
0x89: {  	s3 =	rddreg [dreg:$0x2];
	[bflag:$0x3] =	sbarrier.arrive $0xFFFF;
	s2 =	simm.s32 @!p0 $0x1C03  }
0x8a: {  	[timem:s3], [sflag:s2] =	dma.local @!p0 [hbm:s0], s1  }
0x8b: {  	s0 =	simm.s32 @!p0 $0x3  }
0x8c: {  	_ =	swait.ge @!p0 [sflag:s0], s1  }
0x8d: {  	s1 =	ssub.s32 @!p0 $0x0, s1;
	[sflag:s0] =	ssyncset.done @!p0 $0x0  }
0x8e: {  	[sflag:s0] =	ssyncadd.s32 @!p0 s1  }
0x8f: {  	[bflag:$0x3] =	sbarrier.arrive $0xFFFF  }
0x90: {  	_ =	shalt  }

// kernel: kernel.18.cloned.1.call-start
scs
__scs_entry_jumppad:
0x0: {  	(pc) =	sbr.rel $0x88, $3  }
0x1: {  	(tag) =	ssettag $0x0;
	lr =	simm.s32 $0x1  }
0x2: {  	[smem:$0x3F90] =	sst lr;
	_ =	strace $0xD0000000  }
0x3: {  	_ = 	snop  }
0x4: {  	_ = 	snop  }
0x5: {  	_ = 	snop  }
0x6: {  	_ = 	snop  }
0x7: {  	_ = 	snop  }
__scs_overlays_trampoline_lowered:
0x8: {  	[smem:$0x3F9F] =	sst s0  }
0x9: {  	[smem:$0x3FA0] =	sst s1  }
0xa: {  	[smem:$0x3FA1] =	sst s2  }
0xb: {  	[smem:$0x3FA2] =	sst s3  }
0xc: {  	[smem:$0x3FA3] =	sst s4  }
0xd: {  	[smem:$0x3FA4] =	sst s5  }
0xe: {  	[smem:$0x3FA5] =	sst s6  }
0xf: {  	[smem:$0x3FA6] =	sst s7  }
0x10: {  	[smem:$0x3FA7] =	sst s8  }
0x11: {  	[smem:$0x3FA8] =	sst s9;
	s0 =	simm.s32 @!p0 $0x0  }
0x12: {  	s1 =	sld [smem:$0x3F8E];
	s0 =	simm.s32 @p0 $0x1  }
0x13: {  	[smem:$0x3FA9] =	sst s0;
	s0 =	simm.s32 @!p1 $0x0  }
0x14: {  	s2 =	sld [smem:$0x3F8D];
	s0 =	simm.s32 @p1 $0x1  }
0x15: {  	[smem:$0x3FAA] =	sst s0;
	s0 =	simm.s32 @!p2 $0x0  }
0x16: {  	s3 =	sld [smem:$0x3FDB];
	s0 =	simm.s32 @p2 $0x1  }
0x17: {  	s4 =	simm.s32 $0x1BF5;
	[smem:$0x3FAC] =	sst s0  }
0x18: {  	s0 =	sld [smem:$0x3F8F];
	_ =	swait.ge [sflag:s4], $0x0  }
0x19: {  	s7 =	sld [smem:$0x3F90]  }
0x1a: {  	s8 =	sadd.s32 $0xFFFFE003, lr  }
0x1b: {  	s9 =	sadd.s32 $0xFFFFFEF7, lr;
	s5 =	simm.s32 $0xFFFFFFFF;
	p2 =	slt.u32 s8, $0xFFFFF086  }
0x1c: {  	p1 =	slt.u32 s9, $0xF7A;
	s5 =	simm.s32 @!p2 $0x0  }
0x1d: {  	s5 =	simm.s32 @p1 $0x1;
	p0 =	seq.s32 s7, s2  }
0x1e: {  	s7 =	smul.u32 @!p0 $0xF7A, s2;
	p2 =	seq.s32 @!p0 s5, $0x0  }
0x1f: {  	s9 =	smul.u32 $0xF7A, s1;
	s8 =	simm.s32 @!p0 $0x1BF5;
	p2 =	por !p2, p0  }
0x20: {  	[sflag:s8] =	ssyncset.s32 @!p0 $0xFFFFF086;
	s6 =	sadd.s32 @!p0 s3, s7;
	s7 =	simm.s32 @!p0 $0x108  }
0x21: {  	s3 =	sadd.s32 s3, s9;
	s6 =	sadd.s32 @!p0 $0x88, s6;
	s7 =	simm.s32 @p2 $0x1082  }
0x22: {  	[simem:s7], [sflag:s8] =	dma.local @!p0 [hbm:s6], $0xF7A  }
0x23: {  	s9 =	sor.u32 $0xD0000000, s2;
	s6 =	simm.s32 $0x108;
	_ =	swait.ge @!p0 [sflag:s8], $0x0  }
0x24: {  	s3 =	sadd.s32 $0x88, s3;
	s6 =	simm.s32 @!p1 $0x1082;
	[sflag:s4] =	ssyncset.s32 $0xFFFFF086  }
0x25: {  	[simem:s6], [sflag:s4] =	dma.local [hbm:s3], $0xF7A  }
0x26: {  	[smem:$0x3F90] =	sst s1;
	(tag) =	ssettag s2;
	_ =	strace s9  }
0x27: {  	s1 =	sld [smem:$0x3FA0]  }
0x28: {  	s2 =	sld [smem:$0x3FA1]  }
0x29: {  	s4 =	sld [smem:$0x3FA3]  }
0x2a: {  	p0 =	seq.s32 s5, $0x0;
	s5 =	sld [smem:$0x3FA4]  }
0x2b: {  	s6 =	sld [smem:$0x3FA5]  }
0x2c: {  	s7 =	sld [smem:$0x3FA6]  }
0x2d: {  	s3 =	simm.s32 $0x108;
	s8 =	sld [smem:$0x3FA7]  }
0x2e: {  	s3 =	simm.s32 @!p0 $0x1082;
	s9 =	sld [smem:$0x3FA8]  }
0x2f: {  	lr =	sadd.s32 s0, s3;
	s0 =	sld [smem:$0x3F9F]  }
0x30: {  	s3 =	sld [smem:$0x3FA2]  }
0x31: {  	[smem:$0x3FAB] =	sst s10  }
0x32: {  	s10 =	sld [smem:$0x3FA9];
	_ =	sdelay $0x3  }
0x33: {  	p0 =	seq.s32 s10, $0x1;
	s10 =	sld [smem:$0x3FAB];
	_ =	sdelay $0x3  }
0x34: {  	[smem:$0x3FAB] =	sst s10  }
0x35: {  	s10 =	sld [smem:$0x3FAA];
	_ =	sdelay $0x3  }
0x36: {  	p1 =	seq.s32 s10, $0x1;
	s10 =	sld [smem:$0x3FAB];
	_ =	sdelay $0x3  }
0x37: {  	[smem:$0x3FAB] =	sst s10  }
0x38: {  	s10 =	sld [smem:$0x3FAC]  }
0x39: {  	_ = 	snop;
	(pc) =	sbr.ind lr, $3  }
0x3a: {  	_ = 	snop  }
0x3b: {  	_ = 	snop  }
0x3c: {  	p2 =	seq.s32 s10, $0x1;
	s10 =	sld [smem:$0x3FAB]  }
0x3d: {  	_ =	shalt  }
0x3e: {  	_ =	shalt  }
0x3f: {  	_ =	shalt  }
0x40: {  	_ =	shalt  }
0x41: {  	_ =	shalt  }
0x42: {  	_ =	shalt  }
0x43: {  	_ =	shalt  }
0x44: {  	_ =	shalt  }
0x45: {  	_ =	shalt  }
0x46: {  	_ =	shalt  }
0x47: {  	_ =	shalt  }
0x48: {  	_ =	shalt  }
0x49: {  	_ =	shalt  }
0x4a: {  	_ =	shalt  }
0x4b: {  	_ =	shalt  }
0x4c: {  	_ =	shalt  }
0x4d: {  	_ =	shalt  }
0x4e: {  	_ =	shalt  }
0x4f: {  	_ =	shalt  }
0x50: {  	_ =	shalt  }
0x51: {  	_ =	shalt  }
0x52: {  	_ =	shalt  }
0x53: {  	_ =	shalt  }
0x54: {  	_ =	shalt  }
0x55: {  	_ =	shalt  }
0x56: {  	_ =	shalt  }
0x57: {  	_ =	shalt  }
0x58: {  	_ =	shalt  }
0x59: {  	_ =	shalt  }
0x5a: {  	_ =	shalt  }
0x5b: {  	_ =	shalt  }
0x5c: {  	_ =	shalt  }
0x5d: {  	_ =	shalt  }
0x5e: {  	_ =	shalt  }
0x5f: {  	_ =	shalt  }
0x60: {  	_ =	shalt  }
0x61: {  	_ =	shalt  }
0x62: {  	_ =	shalt  }
0x63: {  	_ =	shalt  }
0x64: {  	_ =	shalt  }
0x65: {  	_ =	shalt  }
0x66: {  	_ =	shalt  }
0x67: {  	_ =	shalt  }
0x68: {  	_ =	shalt  }
0x69: {  	_ =	shalt  }
0x6a: {  	_ =	shalt  }
0x6b: {  	_ =	shalt  }
0x6c: {  	_ =	shalt  }
0x6d: {  	_ =	shalt  }
0x6e: {  	_ =	shalt  }
0x6f: {  	_ =	shalt  }
0x70: {  	_ =	shalt  }
0x71: {  	_ =	shalt  }
0x72: {  	_ =	shalt  }
0x73: {  	_ =	shalt  }
0x74: {  	_ =	shalt  }
0x75: {  	_ =	shalt  }
0x76: {  	_ =	shalt  }
0x77: {  	_ =	shalt  }
0x78: {  	_ =	shalt  }
0x79: {  	_ =	shalt  }
0x7a: {  	_ =	shalt  }
0x7b: {  	_ =	shalt  }
0x7c: {  	_ =	shalt  }
0x7d: {  	_ =	shalt  }
0x7e: {  	_ =	shalt  }
0x7f: {  	_ =	shalt  }
0x80: {  	_ =	shalt  }
0x81: {  	_ =	shalt  }
0x82: {  	_ =	shalt  }
0x83: {  	_ =	shalt  }
0x84: {  	_ =	shalt  }
0x85: {  	_ =	shalt  }
0x86: {  	_ =	shalt  }
0x87: {  	_ =	shalt  }
.Lfunc_end0:
.L_simem_size_0:
called_computation.2_lowered:
.L_overlay_start_0:
0x88: {  	s2 =	sld [smem:$0x3FD9]  }
0x89: {  	s3 =	sld [smem:$0x3FFE];
	_ =	sdelay $0x1  }
0x8a: {  	s1 =	srdreg.scid  }
0x8b: {  	s0 =	sand.u32 $0x1, s1  }
0x8c: {  	s16 =	sshll.u32 s0, $0xA;
	s2 =	sadd.s32 s3, s2  }
0x8d: {  	s2 =	sadd.s32 s2, s16  }
0x8e: {  	[smem:$0x3FB7] =	sst s2  }
0x8f: {  	_ = 	snop  }
0x90: {  	(tm) =	ssettm $0x1  }
0x91: {  	s17 =	sld [smem:$0x3FFB];
	_ =	sdelay $0x3  }
0x92: {  	_ =	strace s17  }
0x93: {  	s2 =	sld [smem:$0x3FFC];
	_ =	sdelay $0x3  }
0x94: {  	_ =	strace s2  }
0x95: {  	s2 =	sld [smem:$0x3FFD];
	_ =	sdelay $0x3  }
0x96: {  	_ =	strace s2  }
0x97: {  	_ =	strace $0x8FFFFFFF  }
0x98: {  	s18 =	sld [smem:$0x3FDB];
	_ =	sdelay $0x1  }
0x99: {  	s19 =	simm.s32 $_scs_section_size  }
0x9a: {  	s4 =	simm.s32 $_size__tile_overlayer_lowered;
	s5 =	simm.s32 $_tile_overlayer_lowered  }
0x9b: {  	s22 =	simm.s32 $0x1BFF;
	s21 =	sshll.u32 s5, $0x1;
	s2 =	sadd.s32 s19, s18  }
0x9c: {  	s6 =	simm.s32 $0x0;
	s20 =	sshll.u32 s4, $0x1;
	s4 =	sadd.s32 s21, s2  }
0x9d: {  	[timem:s6], [sflag:s22] =	dma.local [hbm:s4], s20  }
0x9e: {  	_ =	swait.ge [sflag:s22], s20  }
0x9f: {  	s3 =	ssub.s32 $0x0, s20;
	[sflag:s22] =	ssyncset.done $0x0  }
0xa0: {  	[sflag:s22] =	ssyncadd.s32 s3;
	_ =	sdelay $0x1  }
0xa1: {  	s23 =	simm.s32 $0x1B8B  }
0xa2: {  	_ =	swait.ge [sflag:s23], $0x1  }
0xa3: {  	[sflag:s23] =	ssyncset.done $0x0  }
0xa4: {  	s25 =	simm.s32 $0x1B8E;
	s24 =	sld [smem:$0x3FFE];
	[sflag:s23] =	ssyncadd.s32 $0xFFFFFFFF  }
0xa5: {  	s26 =	simm.s32 $execute0_lowered;
	[smem:$0x3FD2] =	sst s25  }
0xa6: {  	s4 =	sshll.u32 s26, $0x1;
	_ =	strace $0x8000004C;
	[dreg:$0x1] =	wrdreg $0xFFFFFFFF  }
0xa7: {  	s28 =	simm.s32 $_size_execute0_lowered;
	s2 =	sadd.s32 s2, s4;
	[dreg:$0x0] =	wrdreg $0x0  }
0xa8: {  	s4 =	sshll.u32 s28, $0x1;
	[dreg:$0x2] =	wrdreg s2  }
0xa9: {  	[dreg:$0x3] =	wrdreg s4  }
0xaa: {  	[dreg:$0x4] =	wrdreg $0xC0  }
0xab: {  	_ =	task [dreg:s6], $0x5FFFF  }
0xac: {  	[dreg:$0x1] =	wrdreg $0xFFFFFFFF  }
0xad: {  	[dreg:$0x0] =	wrdreg $0x60  }
0xae: {  	[dreg:$0x2] =	wrdreg s24  }
0xaf: {  	[dreg:$0x3] =	wrdreg $0x44000  }
0xb0: {  	[dreg:$0x4] =	wrdreg $0x9  }
0xb1: {  	_ =	task.clear_ibuf [dreg:s6], $0x5FFFF;
	_ =	strace $0x9000004C  }
0xb2: {  	s29 =	simm.s32 $0x9;
	_ =	strace $0x8000004E  }
0xb3: {  	_ =	swait.ge [sflag:s29], $0x1  }
0xb4: {  	[sflag:s29] =	ssyncadd.s32 $0xFFFFFFFF  }
0xb5: {  	_ =	strace $0x9000004E  }
0xb6: {  	_ =	sfence  }
0xb7: {  	s30 =	sld [smem:$0x0];
	_ =	sdelay $0x2  }
0xb8: {  	s31 =	sshll.u32 s1, $0xD;
	s1 =	sshrl.u32 s1, $0x2  }
0xb9: {  	s3 =	sand.u32 $0x4000, s31;
	s1 =	sadd.s32 s1, s30  }
0xba: {  	s0 =	sor.u32 s3, s0;
	s1 =	sshll.u32 s1, $0x11  }
0xbb: {  	s0 =	sor.u32 s1, s0  }
0xbc: {  	s0 =	sadd.s32 $0x8F2B, s0  }
0xbd: {  	[sflag:s0] =	ssyncadd.remote.s32 $0x1  }
0xbe: {  	_ =	sfence.sel $0xFFFF  }
0xbf: {  	[dreg:$0x0] =	wrdreg $0xFFFFFFFF;
	(pc) =	sbr.abs _section_cstart, $3  }
0xc0: {  	[dreg:$0x1] =	wrdreg $0xFFFFFFFF  }
0xc1: {  	_ =	task.clear_ibuf [dreg:s6], $0x2FFFF;
	_ =	strace $0x9FFFFFFF  }
0xc2: {  	(tm) =	ssettm $0x7FFFFFFF  }
0xc3: {  	_ =	shalt  }
tec
execute0_lowered:
.L_overlay_start_1:
0x0: {  	(tag) =	ssettag $0x1  }
0x1: {  	s5 =	rddreg [dreg:$0x0]  }
0x2: {  	s2 =	rddreg [dreg:$0x1]  }
0x3: {  	s0 =	srdreg.scid;
	s1 =	rddreg [dreg:$0x2]  }
0x4: {  	s3 =	simm.s32 $0x0;
	s14 =	simm.s32 $0x400;
	s6 =	sand.u32 $0x1, s0  }
0x5: {  	s15 =	simm.s32 $0x2400;
	s0 =	stileid.u32;
	s4 =	smul.u32 $0x31000, s6  }
0x6: {  	s16 =	simm.s32 $0x200;
	s17 =	simm.s32 $0x300;
	s7 =	smul.u32 $0x1900, s0  }
0x7: {  	s18 =	simm.s32 $0x1;
	s19 =	simm.s32 $0x2;
	s8 =	smul.u32 $0x18800, s0  }
0x8: {  	s20 =	simm.s32 $0x0;
	[smem:$0x7FF] =	sst s3;
	s9 =	smul.u32 $0x188000, s6  }
0x9: {  	_ =	strace $0x8000004D;
	s6 =	ssub.s32 $0x2, s6;
	s31 =	sshll.u32 s0, $0x6  }
0xa: {  	s30 =	sshrl.u32 s6, $0x1;
	s10 =	sadd.s32 s4, s5;
	s11 =	sadd.s32 s7, s5  }
0xb: {  	s29 =	sadd.s32 s8, s9;
	s4 =	sadd.s32 $0x7E800, s5;
	s12 =	ssub.s32 s6, s30  }
0xc: {  	s13 =	sadd.s32 s8, s2;
	s7 =	sshrl.u32 s29, $0x3;
	s6 =	sadd.s32 $0x1C800, s10  }
0xd: {  	s8 =	smax.u32 s12, $0x1;
	s9 =	sadd.s32 $0x113200, s11;
	s10 =	sadd.s32 $0x3800, s11  }
0xe: {  	s11 =	sshrl.u32 s13, $0x3;
	s12 =	simm.s32 $0x3;
	s7 =	sadd.s32 s7, s5  }
0xf: {  	s13 =	simm.s32 $0x100;
	s5 =	sor.u32 $0x1C03, s31;
	s7 =	sadd.s32 $0x81A00, s7  }
.LBB2_1:
0x10: {  	[spmem:s11], [sflag:s5] =	dma.local [hbm:s4], $0x3100  }
0x11: {  	_ =	swait.ge [sflag:s12], $0x3100  }
0x12: {  	[sflag:s12] =	ssyncset.done $0x0  }
0x13: {  	[sflag:s12] =	ssyncadd.s32 $0xFFFFCF00  }
0x14: {  	s21 =	sadd.s32 $0x0, s9;
	[bflag:$0x0] =	sbarrier.arrive $0xFFFF  }
0x15: {  	[tilespmem:s3], [sflag:$0x3] =	stream.linear.gather [hbm4b:s21+s3], $0x100, $0x38;
	[tilespmem:$0x1CC00] =	vst v63  }
0x16: {  	_ =	swait.ge [sflag:s12], $0x100  }
0x17: {  	[sflag:s12] =	ssyncset.done $0x0  }
0x18: {  	[sflag:s12] =	ssyncadd.s32 $0xFFFFFF00  }
0x19: {  	[tilespmem:s14], [sflag:$0x1] =	stream.indirect.gather [hbm4b:s6+s13], $0x20, s3, s13, $0xb8;
	[tilespmem:$0x1CC00] =	vst v63  }
0x1a: {  	s21 =	sadd.s32 $0x20, s21  }
0x1b: {  	[tilespmem:s13], [sflag:$0x3] =	stream.linear.gather [hbm4b:s21+s3], $0x100, $0x38;
	[tilespmem:$0x1CC00] =	vst v63  }
0x1c: {  	_ =	swait.ge [sflag:s12], $0x100  }
0x1d: {  	[sflag:s12] =	ssyncset.done $0x0  }
0x1e: {  	[sflag:s12] =	ssyncadd.s32 $0xFFFFFF00  }
0x1f: {  	[tilespmem:s15], [sflag:$0x2] =	stream.indirect.gather [hbm4b:s6+s13], $0x20, s13, s13, $0xb8;
	[tilespmem:$0x1CC00] =	vst v63  }
0x20: {  	s31 =	sadd.s32 $0x0, s10  }
0x21: {  	[tilespmem:s16], [sflag:$0x3] =	stream.linear.gather [hbm4b:s31+s3], $0x100, $0x38;
	[tilespmem:$0x1CC00] =	vst v63  }
0x22: {  	_ =	swait.ge [sflag:s12], $0x100  }
0x23: {  	[sflag:s12] =	ssyncset.done $0x0  }
0x24: {  	s21 =	sadd.s32 $0x20, s31;
	[sflag:s12] =	ssyncadd.s32 $0xFFFFFF00  }
0x25: {  	[tilespmem:s17], [sflag:$0x3] =	stream.linear.gather [hbm4b:s21+s3], $0x100, $0x38;
	[tilespmem:$0x1CC00] =	vst v63  }
0x26: {  	_ =	swait.ge [sflag:s12], $0x100  }
0x27: {  	[sflag:s12] =	ssyncset.done $0x0  }
0x28: {  	[sflag:s12] =	ssyncadd.s32 $0xFFFFFF00  }
0x29: {  	_ =	swait.ge [sflag:s18], $0x2000  }
0x2a: {  	[sflag:s18] =	ssyncset.done $0x0  }
0x2b: {  	[sflag:s18] =	ssyncadd.s32 $0xFFFFE000  }
0x2c: {  	[spmem:s2] =	stream.indirect.scatter.add.f32 [tilespmem:s14], [sflag:$0x3], $0x20, s16, s13, $0xb8;
	[tilespmem:$0x1CC00] =	vst v63  }
0x2d: {  	_ =	swait.ge [sflag:s12], $0x2000  }
0x2e: {  	[sflag:s12] =	ssyncset.done $0x0  }
0x2f: {  	[sflag:s12] =	ssyncadd.s32 $0xFFFFE000  }
0x30: {  	_ =	swait.ge [sflag:s19], $0x2000  }
0x31: {  	[sflag:s19] =	ssyncset.done $0x0  }
0x32: {  	[sflag:s19] =	ssyncadd.s32 $0xFFFFE000  }
0x33: {  	[spmem:s2] =	stream.indirect.scatter.add.f32 [tilespmem:s15], [sflag:$0x3], $0x20, s17, s13, $0xb8;
	[tilespmem:$0x1CC00] =	vst v63  }
0x34: {  	_ =	swait.ge [sflag:s12], $0x2000  }
0x35: {  	s23 =	simm.s32 $0x80;
	s21 =	simm.s32 $0x40;
	[sflag:s12] =	ssyncset.done $0x0  }
.LBB2_2:
0x36: {  	s24 =	sadd.s32 s21, s9  }
0x37: {  	[sflag:s12] =	ssyncadd.s32 $0xFFFFE000;
	s25 =	smov.u32 s23;
	s22 =	sadd.s32 $0x40, s23  }
0x38: {  	[tilespmem:s3], [sflag:$0x3] =	stream.linear.gather [hbm4b:s24+s3], $0x100, $0x38;
	[tilespmem:$0x1CC00] =	vst v63  }
0x39: {  	p0 =	sne.s32 s23, $0x18C0;
	_ =	swait.ge [sflag:s12], $0x100  }
0x3a: {  	[sflag:s12] =	ssyncset.done $0x0  }
0x3b: {  	[sflag:s12] =	ssyncadd.s32 $0xFFFFFF00  }
0x3c: {  	[tilespmem:s14], [sflag:$0x1] =	stream.indirect.gather [hbm4b:s6+s13], $0x20, s3, s13, $0xb8;
	[tilespmem:$0x1CC00] =	vst v63  }
0x3d: {  	s23 =	sadd.s32 $0x20, s24  }
0x3e: {  	[tilespmem:s13], [sflag:$0x3] =	stream.linear.gather [hbm4b:s23+s3], $0x100, $0x38;
	[tilespmem:$0x1CC00] =	vst v63  }
0x3f: {  	_ =	swait.ge [sflag:s12], $0x100  }
0x40: {  	[sflag:s12] =	ssyncset.done $0x0  }
0x41: {  	[sflag:s12] =	ssyncadd.s32 $0xFFFFFF00  }
0x42: {  	[tilespmem:s15], [sflag:$0x2] =	stream.indirect.gather [hbm4b:s6+s13], $0x20, s13, s13, $0xb8;
	[tilespmem:$0x1CC00] =	vst v63  }
0x43: {  	s23 =	sadd.s32 s21, s10;
	s21 =	smov.u32 s25  }
0x44: {  	[tilespmem:s16], [sflag:$0x3] =	stream.linear.gather [hbm4b:s23+s3], $0x100, $0x38;
	[tilespmem:$0x1CC00] =	vst v63  }
0x45: {  	_ =	swait.ge [sflag:s12], $0x100  }
0x46: {  	[sflag:s12] =	ssyncset.done $0x0  }
0x47: {  	s23 =	sadd.s32 $0x20, s23;
	[sflag:s12] =	ssyncadd.s32 $0xFFFFFF00  }
0x48: {  	[tilespmem:s17], [sflag:$0x3] =	stream.linear.gather [hbm4b:s23+s3], $0x100, $0x38;
	[tilespmem:$0x1CC00] =	vst v63  }
0x49: {  	_ =	swait.ge [sflag:s12], $0x100  }
0x4a: {  	[sflag:s12] =	ssyncset.done $0x0  }
0x4b: {  	[sflag:s12] =	ssyncadd.s32 $0xFFFFFF00  }
0x4c: {  	_ =	swait.ge [sflag:s18], $0x2000  }
0x4d: {  	[sflag:s18] =	ssyncset.done $0x0  }
0x4e: {  	[sflag:s18] =	ssyncadd.s32 $0xFFFFE000  }
0x4f: {  	[spmem:s2] =	stream.indirect.scatter.add.f32 [tilespmem:s14], [sflag:$0x3], $0x20, s16, s13, $0xb8;
	[tilespmem:$0x1CC00] =	vst v63  }
0x50: {  	_ =	swait.ge [sflag:s12], $0x2000  }
0x51: {  	[sflag:s12] =	ssyncset.done $0x0  }
0x52: {  	[sflag:s12] =	ssyncadd.s32 $0xFFFFE000  }
0x53: {  	_ =	swait.ge [sflag:s19], $0x2000  }
.Ltmp0:
0x54: {  	[sflag:s19] =	ssyncset.done $0x0;
	(pc) =	sbr.rel @p0 .LBB2_2-.Ltmp0, $4  }
0x55: {  	[sflag:s19] =	ssyncadd.s32 $0xFFFFE000  }
0x56: {  	[spmem:s2] =	stream.indirect.scatter.add.f32 [tilespmem:s15], [sflag:$0x3], $0x20, s17, s13, $0xb8;
	[tilespmem:$0x1CC00] =	vst v63  }
0x57: {  	_ =	swait.ge [sflag:s12], $0x2000  }
0x58: {  	s23 =	smov.u32 s22;
	[sflag:s12] =	ssyncset.done $0x0  }
0x59: {  	s22 =	sadd.s32 s21, s9;
	[sflag:s12] =	ssyncadd.s32 $0xFFFFE000  }
0x5a: {  	[tilespmem:s3], [sflag:$0x3] =	stream.linear.gather [hbm4b:s22+s3], $0x100, $0x38;
	[tilespmem:$0x1CC00] =	vst v63  }
0x5b: {  	_ =	swait.ge [sflag:s12], $0x100  }
0x5c: {  	[sflag:s12] =	ssyncset.done $0x0  }
0x5d: {  	[sflag:s12] =	ssyncadd.s32 $0xFFFFFF00  }
0x5e: {  	[tilespmem:s14], [sflag:$0x1] =	stream.indirect.gather [hbm4b:s6+s13], $0x20, s3, s13, $0xb8;
	[tilespmem:$0x1CC00] =	vst v63  }
0x5f: {  	s22 =	sadd.s32 $0x20, s22  }
0x60: {  	[tilespmem:s13], [sflag:$0x3] =	stream.linear.gather [hbm4b:s22+s3], $0x100, $0x38;
	[tilespmem:$0x1CC00] =	vst v63  }
0x61: {  	_ =	swait.ge [sflag:s12], $0x100  }
0x62: {  	[sflag:s12] =	ssyncset.done $0x0  }
0x63: {  	[sflag:s12] =	ssyncadd.s32 $0xFFFFFF00  }
0x64: {  	[tilespmem:s15], [sflag:$0x2] =	stream.indirect.gather [hbm4b:s6+s13], $0x20, s13, s13, $0xb8;
	[tilespmem:$0x1CC00] =	vst v63  }
0x65: {  	s31 =	sadd.s32 s21, s10  }
0x66: {  	[tilespmem:s16], [sflag:$0x3] =	stream.linear.gather [hbm4b:s31+s3], $0x100, $0x38;
	[tilespmem:$0x1CC00] =	vst v63  }
0x67: {  	_ =	swait.ge [sflag:s12], $0x100  }
0x68: {  	[sflag:s12] =	ssyncset.done $0x0  }
0x69: {  	s21 =	sadd.s32 $0x20, s31;
	[sflag:s12] =	ssyncadd.s32 $0xFFFFFF00  }
0x6a: {  	[tilespmem:s17], [sflag:$0x3] =	stream.linear.gather [hbm4b:s21+s3], $0x100, $0x38;
	[tilespmem:$0x1CC00] =	vst v63  }
0x6b: {  	_ =	swait.ge [sflag:s12], $0x100  }
0x6c: {  	[sflag:s12] =	ssyncset.done $0x0  }
0x6d: {  	[sflag:s12] =	ssyncadd.s32 $0xFFFFFF00  }
0x6e: {  	_ =	swait.ge [sflag:s18], $0x2000  }
0x6f: {  	[sflag:s18] =	ssyncset.done $0x0  }
0x70: {  	[sflag:s18] =	ssyncadd.s32 $0xFFFFE000  }
0x71: {  	[spmem:s2] =	stream.indirect.scatter.add.f32 [tilespmem:s14], [sflag:$0x3], $0x20, s16, s13, $0xb8;
	[tilespmem:$0x1CC00] =	vst v63  }
0x72: {  	_ =	swait.ge [sflag:s12], $0x2000  }
0x73: {  	[sflag:s12] =	ssyncset.done $0x0  }
0x74: {  	[sflag:s12] =	ssyncadd.s32 $0xFFFFE000  }
0x75: {  	_ =	swait.ge [sflag:s19], $0x2000  }
0x76: {  	[sflag:s19] =	ssyncset.done $0x0  }
0x77: {  	[sflag:s19] =	ssyncadd.s32 $0xFFFFE000  }
0x78: {  	[spmem:s2] =	stream.indirect.scatter.add.f32 [tilespmem:s15], [sflag:$0x3], $0x20, s17, s13, $0xb8;
	[tilespmem:$0x1CC00] =	vst v63  }
0x79: {  	_ =	swait.ge [sflag:s12], $0x2000  }
0x7a: {  	s20 =	sadd.s32 $0x1, s20;
	[sflag:s12] =	ssyncset.done $0x0  }
0x7b: {  	p0 =	sne.s32 s20, s8;
	[sflag:s12] =	ssyncadd.s32 $0xFFFFE000  }
.Ltmp1:
0x7c: {  	[bflag:$0x0] =	sbarrier.arrive $0xFFFF;
	(pc) =	sbr.rel @p0 .LBB2_1-.Ltmp1, $4  }
0x7d: {  	[hbm:s7], [sflag:s5] =	dma.local [spmem:s11], $0x3100  }
0x7e: {  	_ =	swait.ge [sflag:s12], $0x3100  }
0x7f: {  	[sflag:s12] =	ssyncset.done $0x0  }
0x80: {  	[sflag:s12] =	ssyncadd.s32 $0xFFFFCF00  }
0x81: {  	_ =	sfence.sel $0x180000  }
0x82: {  	[bflag:$0x0] =	sbarrier.arrive $0xFFFF  }
0x83: {  	p0 =	sne.s32 s0, $0x0;
	_ =	strace $0x9000004D  }
0x84: {  	s0 =	sadd.s32 @!p0 $0x100000, s1;
	[bflag:$0x2] =	sbarrier.arrive $0xFFFF  }
0x85: {  	[sflag:s0] =	ssyncadd.tile.s32 @!p0 $0x1;
	_ =	shalt  }
.Lfunc_end2:
_tile_overlayer_lowered:
.L_overlay_start_2:
0x86: {  	(tag) =	ssettag $0x2  }
0x87: {  	s0 =	rddreg [dreg:$0x0];
	s2 =	stileid.u32  }
0x88: {  	s1 =	rddreg [dreg:$0x1];
	p0 =	sne.s32 s2, $0x0  }
0x89: {  	s3 =	rddreg [dreg:$0x2];
	[bflag:$0x3] =	sbarrier.arrive $0xFFFF;
	s2 =	simm.s32 @!p0 $0x1C03  }
0x8a: {  	[timem:s3], [sflag:s2] =	dma.local @!p0 [hbm:s0], s1  }
0x8b: {  	s0 =	simm.s32 @!p0 $0x3  }
0x8c: {  	_ =	swait.ge @!p0 [sflag:s0], s1  }
0x8d: {  	s1 =	ssub.s32 @!p0 $0x0, s1;
	[sflag:s0] =	ssyncset.done @!p0 $0x0  }
0x8e: {  	[sflag:s0] =	ssyncadd.s32 @!p0 s1  }
0x8f: {  	[bflag:$0x3] =	sbarrier.arrive $0xFFFF  }
0x90: {  	_ =	shalt  }

// kernel: kernel.21.cloned.1.call-start
scs
__scs_entry_jumppad:
0x0: {  	(pc) =	sbr.rel $0x88, $3  }
0x1: {  	(tag) =	ssettag $0x0;
	lr =	simm.s32 $0x1  }
0x2: {  	[smem:$0x3F90] =	sst lr;
	_ =	strace $0xD0000000  }
0x3: {  	_ = 	snop  }
0x4: {  	_ = 	snop  }
0x5: {  	_ = 	snop  }
0x6: {  	_ = 	snop  }
0x7: {  	_ = 	snop  }
__scs_overlays_trampoline_lowered:
0x8: {  	[smem:$0x3F9F] =	sst s0  }
0x9: {  	[smem:$0x3FA0] =	sst s1  }
0xa: {  	[smem:$0x3FA1] =	sst s2  }
0xb: {  	[smem:$0x3FA2] =	sst s3  }
0xc: {  	[smem:$0x3FA3] =	sst s4  }
0xd: {  	[smem:$0x3FA4] =	sst s5  }
0xe: {  	[smem:$0x3FA5] =	sst s6  }
0xf: {  	[smem:$0x3FA6] =	sst s7  }
0x10: {  	[smem:$0x3FA7] =	sst s8  }
0x11: {  	[smem:$0x3FA8] =	sst s9;
	s0 =	simm.s32 @!p0 $0x0  }
0x12: {  	s1 =	sld [smem:$0x3F8E];
	s0 =	simm.s32 @p0 $0x1  }
0x13: {  	[smem:$0x3FA9] =	sst s0;
	s0 =	simm.s32 @!p1 $0x0  }
0x14: {  	s2 =	sld [smem:$0x3F8D];
	s0 =	simm.s32 @p1 $0x1  }
0x15: {  	[smem:$0x3FAA] =	sst s0;
	s0 =	simm.s32 @!p2 $0x0  }
0x16: {  	s3 =	sld [smem:$0x3FDB];
	s0 =	simm.s32 @p2 $0x1  }
0x17: {  	s4 =	simm.s32 $0x1BF5;
	[smem:$0x3FAC] =	sst s0  }
0x18: {  	s0 =	sld [smem:$0x3F8F];
	_ =	swait.ge [sflag:s4], $0x0  }
0x19: {  	s7 =	sld [smem:$0x3F90]  }
0x1a: {  	s8 =	sadd.s32 $0xFFFFE003, lr  }
0x1b: {  	s9 =	sadd.s32 $0xFFFFFEF7, lr;
	s5 =	simm.s32 $0xFFFFFFFF;
	p2 =	slt.u32 s8, $0xFFFFF086  }
0x1c: {  	p1 =	slt.u32 s9, $0xF7A;
	s5 =	simm.s32 @!p2 $0x0  }
0x1d: {  	s5 =	simm.s32 @p1 $0x1;
	p0 =	seq.s32 s7, s2  }
0x1e: {  	s7 =	smul.u32 @!p0 $0xF7A, s2;
	p2 =	seq.s32 @!p0 s5, $0x0  }
0x1f: {  	s9 =	smul.u32 $0xF7A, s1;
	s8 =	simm.s32 @!p0 $0x1BF5;
	p2 =	por !p2, p0  }
0x20: {  	[sflag:s8] =	ssyncset.s32 @!p0 $0xFFFFF086;
	s6 =	sadd.s32 @!p0 s3, s7;
	s7 =	simm.s32 @!p0 $0x108  }
0x21: {  	s3 =	sadd.s32 s3, s9;
	s6 =	sadd.s32 @!p0 $0x88, s6;
	s7 =	simm.s32 @p2 $0x1082  }
0x22: {  	[simem:s7], [sflag:s8] =	dma.local @!p0 [hbm:s6], $0xF7A  }
0x23: {  	s9 =	sor.u32 $0xD0000000, s2;
	s6 =	simm.s32 $0x108;
	_ =	swait.ge @!p0 [sflag:s8], $0x0  }
0x24: {  	s3 =	sadd.s32 $0x88, s3;
	s6 =	simm.s32 @!p1 $0x1082;
	[sflag:s4] =	ssyncset.s32 $0xFFFFF086  }
0x25: {  	[simem:s6], [sflag:s4] =	dma.local [hbm:s3], $0xF7A  }
0x26: {  	[smem:$0x3F90] =	sst s1;
	(tag) =	ssettag s2;
	_ =	strace s9  }
0x27: {  	s1 =	sld [smem:$0x3FA0]  }
0x28: {  	s2 =	sld [smem:$0x3FA1]  }
0x29: {  	s4 =	sld [smem:$0x3FA3]  }
0x2a: {  	p0 =	seq.s32 s5, $0x0;
	s5 =	sld [smem:$0x3FA4]  }
0x2b: {  	s6 =	sld [smem:$0x3FA5]  }
0x2c: {  	s7 =	sld [smem:$0x3FA6]  }
0x2d: {  	s3 =	simm.s32 $0x108;
	s8 =	sld [smem:$0x3FA7]  }
0x2e: {  	s3 =	simm.s32 @!p0 $0x1082;
	s9 =	sld [smem:$0x3FA8]  }
0x2f: {  	lr =	sadd.s32 s0, s3;
	s0 =	sld [smem:$0x3F9F]  }
0x30: {  	s3 =	sld [smem:$0x3FA2]  }
0x31: {  	[smem:$0x3FAB] =	sst s10  }
0x32: {  	s10 =	sld [smem:$0x3FA9];
	_ =	sdelay $0x3  }
0x33: {  	p0 =	seq.s32 s10, $0x1;
	s10 =	sld [smem:$0x3FAB];
	_ =	sdelay $0x3  }
0x34: {  	[smem:$0x3FAB] =	sst s10  }
0x35: {  	s10 =	sld [smem:$0x3FAA];
	_ =	sdelay $0x3  }
0x36: {  	p1 =	seq.s32 s10, $0x1;
	s10 =	sld [smem:$0x3FAB];
	_ =	sdelay $0x3  }
0x37: {  	[smem:$0x3FAB] =	sst s10  }
0x38: {  	s10 =	sld [smem:$0x3FAC]  }
0x39: {  	_ = 	snop;
	(pc) =	sbr.ind lr, $3  }
0x3a: {  	_ = 	snop  }
0x3b: {  	_ = 	snop  }
0x3c: {  	p2 =	seq.s32 s10, $0x1;
	s10 =	sld [smem:$0x3FAB]  }
0x3d: {  	_ =	shalt  }
0x3e: {  	_ =	shalt  }
0x3f: {  	_ =	shalt  }
0x40: {  	_ =	shalt  }
0x41: {  	_ =	shalt  }
0x42: {  	_ =	shalt  }
0x43: {  	_ =	shalt  }
0x44: {  	_ =	shalt  }
0x45: {  	_ =	shalt  }
0x46: {  	_ =	shalt  }
0x47: {  	_ =	shalt  }
0x48: {  	_ =	shalt  }
0x49: {  	_ =	shalt  }
0x4a: {  	_ =	shalt  }
0x4b: {  	_ =	shalt  }
0x4c: {  	_ =	shalt  }
0x4d: {  	_ =	shalt  }
0x4e: {  	_ =	shalt  }
0x4f: {  	_ =	shalt  }
0x50: {  	_ =	shalt  }
0x51: {  	_ =	shalt  }
0x52: {  	_ =	shalt  }
0x53: {  	_ =	shalt  }
0x54: {  	_ =	shalt  }
0x55: {  	_ =	shalt  }
0x56: {  	_ =	shalt  }
0x57: {  	_ =	shalt  }
0x58: {  	_ =	shalt  }
0x59: {  	_ =	shalt  }
0x5a: {  	_ =	shalt  }
0x5b: {  	_ =	shalt  }
0x5c: {  	_ =	shalt  }
0x5d: {  	_ =	shalt  }
0x5e: {  	_ =	shalt  }
0x5f: {  	_ =	shalt  }
0x60: {  	_ =	shalt  }
0x61: {  	_ =	shalt  }
0x62: {  	_ =	shalt  }
0x63: {  	_ =	shalt  }
0x64: {  	_ =	shalt  }
0x65: {  	_ =	shalt  }
0x66: {  	_ =	shalt  }
0x67: {  	_ =	shalt  }
0x68: {  	_ =	shalt  }
0x69: {  	_ =	shalt  }
0x6a: {  	_ =	shalt  }
0x6b: {  	_ =	shalt  }
0x6c: {  	_ =	shalt  }
0x6d: {  	_ =	shalt  }
0x6e: {  	_ =	shalt  }
0x6f: {  	_ =	shalt  }
0x70: {  	_ =	shalt  }
0x71: {  	_ =	shalt  }
0x72: {  	_ =	shalt  }
0x73: {  	_ =	shalt  }
0x74: {  	_ =	shalt  }
0x75: {  	_ =	shalt  }
0x76: {  	_ =	shalt  }
0x77: {  	_ =	shalt  }
0x78: {  	_ =	shalt  }
0x79: {  	_ =	shalt  }
0x7a: {  	_ =	shalt  }
0x7b: {  	_ =	shalt  }
0x7c: {  	_ =	shalt  }
0x7d: {  	_ =	shalt  }
0x7e: {  	_ =	shalt  }
0x7f: {  	_ =	shalt  }
0x80: {  	_ =	shalt  }
0x81: {  	_ =	shalt  }
0x82: {  	_ =	shalt  }
0x83: {  	_ =	shalt  }
0x84: {  	_ =	shalt  }
0x85: {  	_ =	shalt  }
0x86: {  	_ =	shalt  }
0x87: {  	_ =	shalt  }
.Lfunc_end0:
.L_simem_size_0:
called_computation.3_lowered:
.L_overlay_start_0:
0x88: {  	s2 =	sld [smem:$0x3FD9]  }
0x89: {  	s3 =	sld [smem:$0x3FFE];
	_ =	sdelay $0x1  }
0x8a: {  	s1 =	srdreg.scid  }
0x8b: {  	s0 =	sand.u32 $0x1, s1  }
0x8c: {  	s16 =	sshll.u32 s0, $0xA;
	s2 =	sadd.s32 s3, s2  }
0x8d: {  	s2 =	sadd.s32 s2, s16  }
0x8e: {  	[smem:$0x3FB7] =	sst s2  }
0x8f: {  	_ = 	snop  }
0x90: {  	(tm) =	ssettm $0x1  }
0x91: {  	s17 =	sld [smem:$0x3FFB];
	_ =	sdelay $0x3  }
0x92: {  	_ =	strace s17  }
0x93: {  	s2 =	sld [smem:$0x3FFC];
	_ =	sdelay $0x3  }
0x94: {  	_ =	strace s2  }
0x95: {  	s2 =	sld [smem:$0x3FFD];
	_ =	sdelay $0x3  }
0x96: {  	_ =	strace s2  }
0x97: {  	_ =	strace $0x8FFFFFFF  }
0x98: {  	s18 =	sld [smem:$0x3FDB];
	_ =	sdelay $0x1  }
0x99: {  	s19 =	simm.s32 $_scs_section_size  }
0x9a: {  	s4 =	simm.s32 $_size__tile_overlayer_lowered;
	s5 =	simm.s32 $_tile_overlayer_lowered  }
0x9b: {  	s22 =	simm.s32 $0x1BFF;
	s21 =	sshll.u32 s5, $0x1;
	s2 =	sadd.s32 s19, s18  }
0x9c: {  	s6 =	simm.s32 $0x0;
	s20 =	sshll.u32 s4, $0x1;
	s4 =	sadd.s32 s21, s2  }
0x9d: {  	[timem:s6], [sflag:s22] =	dma.local [hbm:s4], s20  }
0x9e: {  	_ =	swait.ge [sflag:s22], s20  }
0x9f: {  	s3 =	ssub.s32 $0x0, s20;
	[sflag:s22] =	ssyncset.done $0x0  }
0xa0: {  	[sflag:s22] =	ssyncadd.s32 s3;
	_ =	sdelay $0x1  }
0xa1: {  	s23 =	simm.s32 $0x1B8B  }
0xa2: {  	_ =	swait.ge [sflag:s23], $0x1  }
0xa3: {  	[sflag:s23] =	ssyncset.done $0x0  }
0xa4: {  	s25 =	simm.s32 $0x1B8E;
	s24 =	sld [smem:$0x3FFE];
	[sflag:s23] =	ssyncadd.s32 $0xFFFFFFFF  }
0xa5: {  	s26 =	simm.s32 $execute0_lowered;
	[smem:$0x3FD2] =	sst s25  }
0xa6: {  	s4 =	sshll.u32 s26, $0x1;
	_ =	strace $0x8000004F;
	[dreg:$0x1] =	wrdreg $0xFFFFFFFF  }
0xa7: {  	s28 =	simm.s32 $_size_execute0_lowered;
	s2 =	sadd.s32 s2, s4;
	[dreg:$0x0] =	wrdreg $0x0  }
0xa8: {  	s4 =	sshll.u32 s28, $0x1;
	[dreg:$0x2] =	wrdreg s2  }
0xa9: {  	[dreg:$0x3] =	wrdreg s4  }
0xaa: {  	[dreg:$0x4] =	wrdreg $0xC0  }
0xab: {  	_ =	task [dreg:s6], $0x5FFFF  }
0xac: {  	[dreg:$0x1] =	wrdreg $0xFFFFFFFF  }
0xad: {  	[dreg:$0x0] =	wrdreg $0x60  }
0xae: {  	[dreg:$0x2] =	wrdreg s24  }
0xaf: {  	[dreg:$0x3] =	wrdreg $0x44000  }
0xb0: {  	[dreg:$0x4] =	wrdreg $0x9  }
0xb1: {  	_ =	task.clear_ibuf [dreg:s6], $0x5FFFF;
	_ =	strace $0x9000004F  }
0xb2: {  	s29 =	simm.s32 $0x9;
	_ =	strace $0x80000051  }
0xb3: {  	_ =	swait.ge [sflag:s29], $0x1  }
0xb4: {  	[sflag:s29] =	ssyncadd.s32 $0xFFFFFFFF  }
0xb5: {  	_ =	strace $0x90000051  }
0xb6: {  	_ =	sfence  }
0xb7: {  	s30 =	sld [smem:$0x0];
	_ =	sdelay $0x2  }
0xb8: {  	s31 =	sshll.u32 s1, $0xD;
	s1 =	sshrl.u32 s1, $0x2  }
0xb9: {  	s3 =	sand.u32 $0x4000, s31;
	s1 =	sadd.s32 s1, s30  }
0xba: {  	s0 =	sor.u32 s3, s0;
	s1 =	sshll.u32 s1, $0x11  }
0xbb: {  	s0 =	sor.u32 s1, s0  }
0xbc: {  	s0 =	sadd.s32 $0x8F2B, s0  }
0xbd: {  	[sflag:s0] =	ssyncadd.remote.s32 $0x1  }
0xbe: {  	_ =	sfence.sel $0xFFFF  }
0xbf: {  	[dreg:$0x0] =	wrdreg $0xFFFFFFFF;
	(pc) =	sbr.abs _section_cstart, $3  }
0xc0: {  	[dreg:$0x1] =	wrdreg $0xFFFFFFFF  }
0xc1: {  	_ =	task.clear_ibuf [dreg:s6], $0x2FFFF;
	_ =	strace $0x9FFFFFFF  }
0xc2: {  	(tm) =	ssettm $0x7FFFFFFF  }
0xc3: {  	_ =	shalt  }
tec
execute0_lowered:
.L_overlay_start_1:
0x0: {  	(tag) =	ssettag $0x1  }
0x1: {  	s5 =	rddreg [dreg:$0x0]  }
0x2: {  	s2 =	rddreg [dreg:$0x1]  }
0x3: {  	s0 =	srdreg.scid;
	s1 =	rddreg [dreg:$0x2]  }
0x4: {  	s3 =	simm.s32 $0x0;
	s14 =	simm.s32 $0x400;
	s6 =	sand.u32 $0x1, s0  }
0x5: {  	s15 =	simm.s32 $0x2400;
	s0 =	stileid.u32;
	s4 =	smul.u32 $0x31000, s6  }
0x6: {  	s16 =	simm.s32 $0x200;
	s17 =	simm.s32 $0x300;
	s7 =	smul.u32 $0x1900, s0  }
0x7: {  	s18 =	simm.s32 $0x1;
	s19 =	simm.s32 $0x2;
	s8 =	smul.u32 $0x18800, s0  }
0x8: {  	s20 =	simm.s32 $0x0;
	[smem:$0x7FF] =	sst s3;
	s9 =	smul.u32 $0x188000, s6  }
0x9: {  	_ =	strace $0x80000050;
	s6 =	ssub.s32 $0x2, s6;
	s31 =	sshll.u32 s0, $0x6  }
0xa: {  	s30 =	sshrl.u32 s6, $0x1;
	s10 =	sadd.s32 s4, s5;
	s11 =	sadd.s32 s7, s5  }
0xb: {  	s29 =	sadd.s32 s8, s9;
	s4 =	sadd.s32 $0x7E800, s5;
	s12 =	ssub.s32 s6, s30  }
0xc: {  	s13 =	sadd.s32 s8, s2;
	s7 =	sshrl.u32 s29, $0x3;
	s6 =	sadd.s32 $0x1C800, s10  }
0xd: {  	s8 =	smax.u32 s12, $0x1;
	s9 =	sadd.s32 $0x113200, s11;
	s10 =	sadd.s32 $0x3800, s11  }
0xe: {  	s11 =	sshrl.u32 s13, $0x3;
	s12 =	simm.s32 $0x3;
	s7 =	sadd.s32 s7, s5  }
0xf: {  	s13 =	simm.s32 $0x100;
	s5 =	sor.u32 $0x1C03, s31;
	s7 =	sadd.s32 $0x81A00, s7  }
.LBB2_1:
0x10: {  	[spmem:s11], [sflag:s5] =	dma.local [hbm:s4], $0x3100  }
0x11: {  	_ =	swait.ge [sflag:s12], $0x3100  }
0x12: {  	[sflag:s12] =	ssyncset.done $0x0  }
0x13: {  	[sflag:s12] =	ssyncadd.s32 $0xFFFFCF00  }
0x14: {  	s21 =	sadd.s32 $0x0, s9;
	[bflag:$0x0] =	sbarrier.arrive $0xFFFF  }
0x15: {  	[tilespmem:s3], [sflag:$0x3] =	stream.linear.gather [hbm4b:s21+s3], $0x100, $0x38;
	[tilespmem:$0x1CC00] =	vst v63  }
0x16: {  	_ =	swait.ge [sflag:s12], $0x100  }
0x17: {  	[sflag:s12] =	ssyncset.done $0x0  }
0x18: {  	[sflag:s12] =	ssyncadd.s32 $0xFFFFFF00  }
0x19: {  	[tilespmem:s14], [sflag:$0x1] =	stream.indirect.gather [hbm4b:s6+s13], $0x20, s3, s13, $0xb8;
	[tilespmem:$0x1CC00] =	vst v63  }
0x1a: {  	s21 =	sadd.s32 $0x20, s21  }
0x1b: {  	[tilespmem:s13], [sflag:$0x3] =	stream.linear.gather [hbm4b:s21+s3], $0x100, $0x38;
	[tilespmem:$0x1CC00] =	vst v63  }
0x1c: {  	_ =	swait.ge [sflag:s12], $0x100  }
0x1d: {  	[sflag:s12] =	ssyncset.done $0x0  }
0x1e: {  	[sflag:s12] =	ssyncadd.s32 $0xFFFFFF00  }
0x1f: {  	[tilespmem:s15], [sflag:$0x2] =	stream.indirect.gather [hbm4b:s6+s13], $0x20, s13, s13, $0xb8;
	[tilespmem:$0x1CC00] =	vst v63  }
0x20: {  	s31 =	sadd.s32 $0x0, s10  }
0x21: {  	[tilespmem:s16], [sflag:$0x3] =	stream.linear.gather [hbm4b:s31+s3], $0x100, $0x38;
	[tilespmem:$0x1CC00] =	vst v63  }
0x22: {  	_ =	swait.ge [sflag:s12], $0x100  }
0x23: {  	[sflag:s12] =	ssyncset.done $0x0  }
0x24: {  	s21 =	sadd.s32 $0x20, s31;
	[sflag:s12] =	ssyncadd.s32 $0xFFFFFF00  }
0x25: {  	[tilespmem:s17], [sflag:$0x3] =	stream.linear.gather [hbm4b:s21+s3], $0x100, $0x38;
	[tilespmem:$0x1CC00] =	vst v63  }
0x26: {  	_ =	swait.ge [sflag:s12], $0x100  }
0x27: {  	[sflag:s12] =	ssyncset.done $0x0  }
0x28: {  	[sflag:s12] =	ssyncadd.s32 $0xFFFFFF00  }
0x29: {  	_ =	swait.ge [sflag:s18], $0x2000  }
0x2a: {  	[sflag:s18] =	ssyncset.done $0x0  }
0x2b: {  	[sflag:s18] =	ssyncadd.s32 $0xFFFFE000  }
0x2c: {  	[spmem:s2] =	stream.indirect.scatter.add.f32 [tilespmem:s14], [sflag:$0x3], $0x20, s16, s13, $0xb8;
	[tilespmem:$0x1CC00] =	vst v63  }
0x2d: {  	_ =	swait.ge [sflag:s12], $0x2000  }
0x2e: {  	[sflag:s12] =	ssyncset.done $0x0  }
0x2f: {  	[sflag:s12] =	ssyncadd.s32 $0xFFFFE000  }
0x30: {  	_ =	swait.ge [sflag:s19], $0x2000  }
0x31: {  	[sflag:s19] =	ssyncset.done $0x0  }
0x32: {  	[sflag:s19] =	ssyncadd.s32 $0xFFFFE000  }
0x33: {  	[spmem:s2] =	stream.indirect.scatter.add.f32 [tilespmem:s15], [sflag:$0x3], $0x20, s17, s13, $0xb8;
	[tilespmem:$0x1CC00] =	vst v63  }
0x34: {  	_ =	swait.ge [sflag:s12], $0x2000  }
0x35: {  	s23 =	simm.s32 $0x80;
	s21 =	simm.s32 $0x40;
	[sflag:s12] =	ssyncset.done $0x0  }
.LBB2_2:
0x36: {  	s24 =	sadd.s32 s21, s9  }
0x37: {  	[sflag:s12] =	ssyncadd.s32 $0xFFFFE000;
	s25 =	smov.u32 s23;
	s22 =	sadd.s32 $0x40, s23  }
0x38: {  	[tilespmem:s3], [sflag:$0x3] =	stream.linear.gather [hbm4b:s24+s3], $0x100, $0x38;
	[tilespmem:$0x1CC00] =	vst v63  }
0x39: {  	p0 =	sne.s32 s23, $0x18C0;
	_ =	swait.ge [sflag:s12], $0x100  }
0x3a: {  	[sflag:s12] =	ssyncset.done $0x0  }
0x3b: {  	[sflag:s12] =	ssyncadd.s32 $0xFFFFFF00  }
0x3c: {  	[tilespmem:s14], [sflag:$0x1] =	stream.indirect.gather [hbm4b:s6+s13], $0x20, s3, s13, $0xb8;
	[tilespmem:$0x1CC00] =	vst v63  }
0x3d: {  	s23 =	sadd.s32 $0x20, s24  }
0x3e: {  	[tilespmem:s13], [sflag:$0x3] =	stream.linear.gather [hbm4b:s23+s3], $0x100, $0x38;
	[tilespmem:$0x1CC00] =	vst v63  }
0x3f: {  	_ =	swait.ge [sflag:s12], $0x100  }
0x40: {  	[sflag:s12] =	ssyncset.done $0x0  }
0x41: {  	[sflag:s12] =	ssyncadd.s32 $0xFFFFFF00  }
0x42: {  	[tilespmem:s15], [sflag:$0x2] =	stream.indirect.gather [hbm4b:s6+s13], $0x20, s13, s13, $0xb8;
	[tilespmem:$0x1CC00] =	vst v63  }
0x43: {  	s23 =	sadd.s32 s21, s10;
	s21 =	smov.u32 s25  }
0x44: {  	[tilespmem:s16], [sflag:$0x3] =	stream.linear.gather [hbm4b:s23+s3], $0x100, $0x38;
	[tilespmem:$0x1CC00] =	vst v63  }
0x45: {  	_ =	swait.ge [sflag:s12], $0x100  }
0x46: {  	[sflag:s12] =	ssyncset.done $0x0  }
0x47: {  	s23 =	sadd.s32 $0x20, s23;
	[sflag:s12] =	ssyncadd.s32 $0xFFFFFF00  }
0x48: {  	[tilespmem:s17], [sflag:$0x3] =	stream.linear.gather [hbm4b:s23+s3], $0x100, $0x38;
	[tilespmem:$0x1CC00] =	vst v63  }
0x49: {  	_ =	swait.ge [sflag:s12], $0x100  }
0x4a: {  	[sflag:s12] =	ssyncset.done $0x0  }
0x4b: {  	[sflag:s12] =	ssyncadd.s32 $0xFFFFFF00  }
0x4c: {  	_ =	swait.ge [sflag:s18], $0x2000  }
0x4d: {  	[sflag:s18] =	ssyncset.done $0x0  }
0x4e: {  	[sflag:s18] =	ssyncadd.s32 $0xFFFFE000  }
0x4f: {  	[spmem:s2] =	stream.indirect.scatter.add.f32 [tilespmem:s14], [sflag:$0x3], $0x20, s16, s13, $0xb8;
	[tilespmem:$0x1CC00] =	vst v63  }
0x50: {  	_ =	swait.ge [sflag:s12], $0x2000  }
0x51: {  	[sflag:s12] =	ssyncset.done $0x0  }
0x52: {  	[sflag:s12] =	ssyncadd.s32 $0xFFFFE000  }
0x53: {  	_ =	swait.ge [sflag:s19], $0x2000  }
.Ltmp0:
0x54: {  	[sflag:s19] =	ssyncset.done $0x0;
	(pc) =	sbr.rel @p0 .LBB2_2-.Ltmp0, $4  }
0x55: {  	[sflag:s19] =	ssyncadd.s32 $0xFFFFE000  }
0x56: {  	[spmem:s2] =	stream.indirect.scatter.add.f32 [tilespmem:s15], [sflag:$0x3], $0x20, s17, s13, $0xb8;
	[tilespmem:$0x1CC00] =	vst v63  }
0x57: {  	_ =	swait.ge [sflag:s12], $0x2000  }
0x58: {  	s23 =	smov.u32 s22;
	[sflag:s12] =	ssyncset.done $0x0  }
0x59: {  	s22 =	sadd.s32 s21, s9;
	[sflag:s12] =	ssyncadd.s32 $0xFFFFE000  }
0x5a: {  	[tilespmem:s3], [sflag:$0x3] =	stream.linear.gather [hbm4b:s22+s3], $0x100, $0x38;
	[tilespmem:$0x1CC00] =	vst v63  }
0x5b: {  	_ =	swait.ge [sflag:s12], $0x100  }
0x5c: {  	[sflag:s12] =	ssyncset.done $0x0  }
0x5d: {  	[sflag:s12] =	ssyncadd.s32 $0xFFFFFF00  }
0x5e: {  	[tilespmem:s14], [sflag:$0x1] =	stream.indirect.gather [hbm4b:s6+s13], $0x20, s3, s13, $0xb8;
	[tilespmem:$0x1CC00] =	vst v63  }
0x5f: {  	s22 =	sadd.s32 $0x20, s22  }
0x60: {  	[tilespmem:s13], [sflag:$0x3] =	stream.linear.gather [hbm4b:s22+s3], $0x100, $0x38;
	[tilespmem:$0x1CC00] =	vst v63  }
0x61: {  	_ =	swait.ge [sflag:s12], $0x100  }
0x62: {  	[sflag:s12] =	ssyncset.done $0x0  }
0x63: {  	[sflag:s12] =	ssyncadd.s32 $0xFFFFFF00  }
0x64: {  	[tilespmem:s15], [sflag:$0x2] =	stream.indirect.gather [hbm4b:s6+s13], $0x20, s13, s13, $0xb8;
	[tilespmem:$0x1CC00] =	vst v63  }
0x65: {  	s31 =	sadd.s32 s21, s10  }
0x66: {  	[tilespmem:s16], [sflag:$0x3] =	stream.linear.gather [hbm4b:s31+s3], $0x100, $0x38;
	[tilespmem:$0x1CC00] =	vst v63  }
0x67: {  	_ =	swait.ge [sflag:s12], $0x100  }
0x68: {  	[sflag:s12] =	ssyncset.done $0x0  }
0x69: {  	s21 =	sadd.s32 $0x20, s31;
	[sflag:s12] =	ssyncadd.s32 $0xFFFFFF00  }
0x6a: {  	[tilespmem:s17], [sflag:$0x3] =	stream.linear.gather [hbm4b:s21+s3], $0x100, $0x38;
	[tilespmem:$0x1CC00] =	vst v63  }
0x6b: {  	_ =	swait.ge [sflag:s12], $0x100  }
0x6c: {  	[sflag:s12] =	ssyncset.done $0x0  }
0x6d: {  	[sflag:s12] =	ssyncadd.s32 $0xFFFFFF00  }
0x6e: {  	_ =	swait.ge [sflag:s18], $0x2000  }
0x6f: {  	[sflag:s18] =	ssyncset.done $0x0  }
0x70: {  	[sflag:s18] =	ssyncadd.s32 $0xFFFFE000  }
0x71: {  	[spmem:s2] =	stream.indirect.scatter.add.f32 [tilespmem:s14], [sflag:$0x3], $0x20, s16, s13, $0xb8;
	[tilespmem:$0x1CC00] =	vst v63  }
0x72: {  	_ =	swait.ge [sflag:s12], $0x2000  }
0x73: {  	[sflag:s12] =	ssyncset.done $0x0  }
0x74: {  	[sflag:s12] =	ssyncadd.s32 $0xFFFFE000  }
0x75: {  	_ =	swait.ge [sflag:s19], $0x2000  }
0x76: {  	[sflag:s19] =	ssyncset.done $0x0  }
0x77: {  	[sflag:s19] =	ssyncadd.s32 $0xFFFFE000  }
0x78: {  	[spmem:s2] =	stream.indirect.scatter.add.f32 [tilespmem:s15], [sflag:$0x3], $0x20, s17, s13, $0xb8;
	[tilespmem:$0x1CC00] =	vst v63  }
0x79: {  	_ =	swait.ge [sflag:s12], $0x2000  }
0x7a: {  	s20 =	sadd.s32 $0x1, s20;
	[sflag:s12] =	ssyncset.done $0x0  }
0x7b: {  	p0 =	sne.s32 s20, s8;
	[sflag:s12] =	ssyncadd.s32 $0xFFFFE000  }
.Ltmp1:
0x7c: {  	[bflag:$0x0] =	sbarrier.arrive $0xFFFF;
	(pc) =	sbr.rel @p0 .LBB2_1-.Ltmp1, $4  }
0x7d: {  	[hbm:s7], [sflag:s5] =	dma.local [spmem:s11], $0x3100  }
0x7e: {  	_ =	swait.ge [sflag:s12], $0x3100  }
0x7f: {  	[sflag:s12] =	ssyncset.done $0x0  }
0x80: {  	[sflag:s12] =	ssyncadd.s32 $0xFFFFCF00  }
0x81: {  	_ =	sfence.sel $0x180000  }
0x82: {  	[bflag:$0x0] =	sbarrier.arrive $0xFFFF  }
0x83: {  	p0 =	sne.s32 s0, $0x0;
	_ =	strace $0x90000050  }
0x84: {  	s0 =	sadd.s32 @!p0 $0x100000, s1;
	[bflag:$0x2] =	sbarrier.arrive $0xFFFF  }
0x85: {  	[sflag:s0] =	ssyncadd.tile.s32 @!p0 $0x1;
	_ =	shalt  }
.Lfunc_end2:
_tile_overlayer_lowered:
.L_overlay_start_2:
0x86: {  	(tag) =	ssettag $0x2  }
0x87: {  	s0 =	rddreg [dreg:$0x0];
	s2 =	stileid.u32  }
0x88: {  	s1 =	rddreg [dreg:$0x1];
	p0 =	sne.s32 s2, $0x0  }
0x89: {  	s3 =	rddreg [dreg:$0x2];
	[bflag:$0x3] =	sbarrier.arrive $0xFFFF;
	s2 =	simm.s32 @!p0 $0x1C03  }
0x8a: {  	[timem:s3], [sflag:s2] =	dma.local @!p0 [hbm:s0], s1  }
0x8b: {  	s0 =	simm.s32 @!p0 $0x3  }
0x8c: {  	_ =	swait.ge @!p0 [sflag:s0], s1  }
0x8d: {  	s1 =	ssub.s32 @!p0 $0x0, s1;
	[sflag:s0] =	ssyncset.done @!p0 $0x0  }
0x8e: {  	[sflag:s0] =	ssyncadd.s32 @!p0 s1  }
0x8f: {  	[bflag:$0x3] =	sbarrier.arrive $0xFFFF  }
0x90: {  	_ =	shalt  }

// kernel: kernel.24.cloned.1.call-start
scs
__scs_entry_jumppad:
0x0: {  	(pc) =	sbr.rel $0x88, $3  }
0x1: {  	(tag) =	ssettag $0x0;
	lr =	simm.s32 $0x1  }
0x2: {  	[smem:$0x3F90] =	sst lr;
	_ =	strace $0xD0000000  }
0x3: {  	_ = 	snop  }
0x4: {  	_ = 	snop  }
0x5: {  	_ = 	snop  }
0x6: {  	_ = 	snop  }
0x7: {  	_ = 	snop  }
__scs_overlays_trampoline_lowered:
0x8: {  	[smem:$0x3F9F] =	sst s0  }
0x9: {  	[smem:$0x3FA0] =	sst s1  }
0xa: {  	[smem:$0x3FA1] =	sst s2  }
0xb: {  	[smem:$0x3FA2] =	sst s3  }
0xc: {  	[smem:$0x3FA3] =	sst s4  }
0xd: {  	[smem:$0x3FA4] =	sst s5  }
0xe: {  	[smem:$0x3FA5] =	sst s6  }
0xf: {  	[smem:$0x3FA6] =	sst s7  }
0x10: {  	[smem:$0x3FA7] =	sst s8  }
0x11: {  	[smem:$0x3FA8] =	sst s9;
	s0 =	simm.s32 @!p0 $0x0  }
0x12: {  	s1 =	sld [smem:$0x3F8E];
	s0 =	simm.s32 @p0 $0x1  }
0x13: {  	[smem:$0x3FA9] =	sst s0;
	s0 =	simm.s32 @!p1 $0x0  }
0x14: {  	s2 =	sld [smem:$0x3F8D];
	s0 =	simm.s32 @p1 $0x1  }
0x15: {  	[smem:$0x3FAA] =	sst s0;
	s0 =	simm.s32 @!p2 $0x0  }
0x16: {  	s3 =	sld [smem:$0x3FDB];
	s0 =	simm.s32 @p2 $0x1  }
0x17: {  	s4 =	simm.s32 $0x1BF5;
	[smem:$0x3FAC] =	sst s0  }
0x18: {  	s0 =	sld [smem:$0x3F8F];
	_ =	swait.ge [sflag:s4], $0x0  }
0x19: {  	s7 =	sld [smem:$0x3F90]  }
0x1a: {  	s8 =	sadd.s32 $0xFFFFE003, lr  }
0x1b: {  	s9 =	sadd.s32 $0xFFFFFEF7, lr;
	s5 =	simm.s32 $0xFFFFFFFF;
	p2 =	slt.u32 s8, $0xFFFFF086  }
0x1c: {  	p1 =	slt.u32 s9, $0xF7A;
	s5 =	simm.s32 @!p2 $0x0  }
0x1d: {  	s5 =	simm.s32 @p1 $0x1;
	p0 =	seq.s32 s7, s2  }
0x1e: {  	s7 =	smul.u32 @!p0 $0xF7A, s2;
	p2 =	seq.s32 @!p0 s5, $0x0  }
0x1f: {  	s9 =	smul.u32 $0xF7A, s1;
	s8 =	simm.s32 @!p0 $0x1BF5;
	p2 =	por !p2, p0  }
0x20: {  	[sflag:s8] =	ssyncset.s32 @!p0 $0xFFFFF086;
	s6 =	sadd.s32 @!p0 s3, s7;
	s7 =	simm.s32 @!p0 $0x108  }
0x21: {  	s3 =	sadd.s32 s3, s9;
	s6 =	sadd.s32 @!p0 $0x88, s6;
	s7 =	simm.s32 @p2 $0x1082  }
0x22: {  	[simem:s7], [sflag:s8] =	dma.local @!p0 [hbm:s6], $0xF7A  }
0x23: {  	s9 =	sor.u32 $0xD0000000, s2;
	s6 =	simm.s32 $0x108;
	_ =	swait.ge @!p0 [sflag:s8], $0x0  }
0x24: {  	s3 =	sadd.s32 $0x88, s3;
	s6 =	simm.s32 @!p1 $0x1082;
	[sflag:s4] =	ssyncset.s32 $0xFFFFF086  }
0x25: {  	[simem:s6], [sflag:s4] =	dma.local [hbm:s3], $0xF7A  }
0x26: {  	[smem:$0x3F90] =	sst s1;
	(tag) =	ssettag s2;
	_ =	strace s9  }
0x27: {  	s1 =	sld [smem:$0x3FA0]  }
0x28: {  	s2 =	sld [smem:$0x3FA1]  }
0x29: {  	s4 =	sld [smem:$0x3FA3]  }
0x2a: {  	p0 =	seq.s32 s5, $0x0;
	s5 =	sld [smem:$0x3FA4]  }
0x2b: {  	s6 =	sld [smem:$0x3FA5]  }
0x2c: {  	s7 =	sld [smem:$0x3FA6]  }
0x2d: {  	s3 =	simm.s32 $0x108;
	s8 =	sld [smem:$0x3FA7]  }
0x2e: {  	s3 =	simm.s32 @!p0 $0x1082;
	s9 =	sld [smem:$0x3FA8]  }
0x2f: {  	lr =	sadd.s32 s0, s3;
	s0 =	sld [smem:$0x3F9F]  }
0x30: {  	s3 =	sld [smem:$0x3FA2]  }
0x31: {  	[smem:$0x3FAB] =	sst s10  }
0x32: {  	s10 =	sld [smem:$0x3FA9];
	_ =	sdelay $0x3  }
0x33: {  	p0 =	seq.s32 s10, $0x1;
	s10 =	sld [smem:$0x3FAB];
	_ =	sdelay $0x3  }
0x34: {  	[smem:$0x3FAB] =	sst s10  }
0x35: {  	s10 =	sld [smem:$0x3FAA];
	_ =	sdelay $0x3  }
0x36: {  	p1 =	seq.s32 s10, $0x1;
	s10 =	sld [smem:$0x3FAB];
	_ =	sdelay $0x3  }
0x37: {  	[smem:$0x3FAB] =	sst s10  }
0x38: {  	s10 =	sld [smem:$0x3FAC]  }
0x39: {  	_ = 	snop;
	(pc) =	sbr.ind lr, $3  }
0x3a: {  	_ = 	snop  }
0x3b: {  	_ = 	snop  }
0x3c: {  	p2 =	seq.s32 s10, $0x1;
	s10 =	sld [smem:$0x3FAB]  }
0x3d: {  	_ =	shalt  }
0x3e: {  	_ =	shalt  }
0x3f: {  	_ =	shalt  }
0x40: {  	_ =	shalt  }
0x41: {  	_ =	shalt  }
0x42: {  	_ =	shalt  }
0x43: {  	_ =	shalt  }
0x44: {  	_ =	shalt  }
0x45: {  	_ =	shalt  }
0x46: {  	_ =	shalt  }
0x47: {  	_ =	shalt  }
0x48: {  	_ =	shalt  }
0x49: {  	_ =	shalt  }
0x4a: {  	_ =	shalt  }
0x4b: {  	_ =	shalt  }
0x4c: {  	_ =	shalt  }
0x4d: {  	_ =	shalt  }
0x4e: {  	_ =	shalt  }
0x4f: {  	_ =	shalt  }
0x50: {  	_ =	shalt  }
0x51: {  	_ =	shalt  }
0x52: {  	_ =	shalt  }
0x53: {  	_ =	shalt  }
0x54: {  	_ =	shalt  }
0x55: {  	_ =	shalt  }
0x56: {  	_ =	shalt  }
0x57: {  	_ =	shalt  }
0x58: {  	_ =	shalt  }
0x59: {  	_ =	shalt  }
0x5a: {  	_ =	shalt  }
0x5b: {  	_ =	shalt  }
0x5c: {  	_ =	shalt  }
0x5d: {  	_ =	shalt  }
0x5e: {  	_ =	shalt  }
0x5f: {  	_ =	shalt  }
0x60: {  	_ =	shalt  }
0x61: {  	_ =	shalt  }
0x62: {  	_ =	shalt  }
0x63: {  	_ =	shalt  }
0x64: {  	_ =	shalt  }
0x65: {  	_ =	shalt  }
0x66: {  	_ =	shalt  }
0x67: {  	_ =	shalt  }
0x68: {  	_ =	shalt  }
0x69: {  	_ =	shalt  }
0x6a: {  	_ =	shalt  }
0x6b: {  	_ =	shalt  }
0x6c: {  	_ =	shalt  }
0x6d: {  	_ =	shalt  }
0x6e: {  	_ =	shalt  }
0x6f: {  	_ =	shalt  }
0x70: {  	_ =	shalt  }
0x71: {  	_ =	shalt  }
0x72: {  	_ =	shalt  }
0x73: {  	_ =	shalt  }
0x74: {  	_ =	shalt  }
0x75: {  	_ =	shalt  }
0x76: {  	_ =	shalt  }
0x77: {  	_ =	shalt  }
0x78: {  	_ =	shalt  }
0x79: {  	_ =	shalt  }
0x7a: {  	_ =	shalt  }
0x7b: {  	_ =	shalt  }
0x7c: {  	_ =	shalt  }
0x7d: {  	_ =	shalt  }
0x7e: {  	_ =	shalt  }
0x7f: {  	_ =	shalt  }
0x80: {  	_ =	shalt  }
0x81: {  	_ =	shalt  }
0x82: {  	_ =	shalt  }
0x83: {  	_ =	shalt  }
0x84: {  	_ =	shalt  }
0x85: {  	_ =	shalt  }
0x86: {  	_ =	shalt  }
0x87: {  	_ =	shalt  }
.Lfunc_end0:
.L_simem_size_0:
called_computation.4_lowered:
.L_overlay_start_0:
0x88: {  	s2 =	sld [smem:$0x3FD9]  }
0x89: {  	s3 =	sld [smem:$0x3FFE];
	_ =	sdelay $0x1  }
0x8a: {  	s1 =	srdreg.scid  }
0x8b: {  	s0 =	sand.u32 $0x1, s1  }
0x8c: {  	s17 =	sshll.u32 s0, $0xA;
	s2 =	sadd.s32 s3, s2  }
0x8d: {  	s2 =	sadd.s32 s2, s17  }
0x8e: {  	[smem:$0x3FB7] =	sst s2  }
0x8f: {  	_ = 	snop  }
0x90: {  	s2 =	sld [smem:$0x3FD0];
	(tm) =	ssettm $0x1  }
0x91: {  	s18 =	sld [smem:$0x3FFB];
	_ =	sdelay $0x3  }
0x92: {  	_ =	strace s18  }
0x93: {  	s3 =	sld [smem:$0x3FFC];
	_ =	sdelay $0x3  }
0x94: {  	_ =	strace s3  }
0x95: {  	s3 =	sld [smem:$0x3FFD];
	_ =	sdelay $0x3  }
0x96: {  	_ =	strace s3  }
0x97: {  	_ =	strace $0x8FFFFFFF  }
0x98: {  	s19 =	sld [smem:$0x3FDB];
	_ =	sdelay $0x1  }
0x99: {  	s4 =	simm.s32 $_scs_section_size  }
0x9a: {  	s5 =	simm.s32 $_size__tile_overlayer_lowered;
	s6 =	simm.s32 $_tile_overlayer_lowered  }
0x9b: {  	s22 =	simm.s32 $0x1BFF;
	s21 =	sshll.u32 s6, $0x1;
	s3 =	sadd.s32 s4, s19  }
0x9c: {  	s7 =	simm.s32 $0x0;
	s20 =	sshll.u32 s5, $0x1;
	s5 =	sadd.s32 s21, s3  }
0x9d: {  	[timem:s7], [sflag:s22] =	dma.local [hbm:s5], s20  }
0x9e: {  	_ =	swait.ge [sflag:s22], s20  }
0x9f: {  	s4 =	ssub.s32 $0x0, s20;
	[sflag:s22] =	ssyncset.done $0x0  }
0xa0: {  	[sflag:s22] =	ssyncadd.s32 s4;
	_ =	sdelay $0x1  }
0xa1: {  	s23 =	simm.s32 $0x1B8B  }
0xa2: {  	_ =	swait.ge [sflag:s23], $0x1  }
0xa3: {  	[sflag:s23] =	ssyncset.done $0x0  }
0xa4: {  	s25 =	simm.s32 $0x1B8E;
	s24 =	sld [smem:$0x3FFE];
	[sflag:s23] =	ssyncadd.s32 $0xFFFFFFFF  }
0xa5: {  	s26 =	simm.s32 $execute0_lowered;
	[smem:$0x3FD2] =	sst s25  }
0xa6: {  	s5 =	sshll.u32 s26, $0x1;
	_ =	strace $0x80000052;
	[dreg:$0x1] =	wrdreg $0xFFFFFFFF  }
0xa7: {  	s28 =	simm.s32 $_size_execute0_lowered;
	s3 =	sadd.s32 s3, s5;
	[dreg:$0x0] =	wrdreg $0x0  }
0xa8: {  	s5 =	sshll.u32 s28, $0x1;
	[dreg:$0x2] =	wrdreg s3  }
0xa9: {  	[dreg:$0x3] =	wrdreg s5  }
0xaa: {  	[dreg:$0x4] =	wrdreg $0xC0  }
0xab: {  	_ =	task [dreg:s7], $0x5FFFF  }
0xac: {  	[dreg:$0x1] =	wrdreg $0xFFFFFFFF  }
0xad: {  	[dreg:$0x0] =	wrdreg $0x60  }
0xae: {  	[dreg:$0x2] =	wrdreg s24  }
0xaf: {  	[dreg:$0x3] =	wrdreg s2  }
0xb0: {  	[dreg:$0x4] =	wrdreg $0x38700  }
0xb1: {  	[dreg:$0x5] =	wrdreg $0x42700  }
0xb2: {  	[dreg:$0x6] =	wrdreg $0x9  }
0xb3: {  	_ =	task.clear_ibuf [dreg:s7], $0x7FFFF;
	_ =	strace $0x90000052  }
0xb4: {  	s29 =	simm.s32 $0x9;
	_ =	strace $0x80000054  }
0xb5: {  	_ =	swait.ge [sflag:s29], $0x1  }
0xb6: {  	[sflag:s29] =	ssyncadd.s32 $0xFFFFFFFF  }
0xb7: {  	_ =	strace $0x90000054  }
0xb8: {  	_ =	sfence  }
0xb9: {  	s30 =	sld [smem:$0x0];
	_ =	sdelay $0x2  }
0xba: {  	s31 =	sshll.u32 s1, $0xD;
	s1 =	sshrl.u32 s1, $0x2  }
0xbb: {  	s3 =	sand.u32 $0x4000, s31;
	s1 =	sadd.s32 s1, s30  }
0xbc: {  	s0 =	sor.u32 s3, s0;
	s1 =	sshll.u32 s1, $0x11  }
0xbd: {  	s0 =	sor.u32 s1, s0  }
0xbe: {  	s0 =	sadd.s32 $0x8F2B, s0  }
0xbf: {  	[sflag:s0] =	ssyncadd.remote.s32 $0x1  }
0xc0: {  	_ =	sfence.sel $0xFFFF  }
0xc1: {  	[dreg:$0x0] =	wrdreg $0xFFFFFFFF;
	(pc) =	sbr.abs _section_cstart, $3  }
0xc2: {  	[dreg:$0x1] =	wrdreg $0xFFFFFFFF  }
0xc3: {  	_ =	task.clear_ibuf [dreg:s7], $0x2FFFF;
	_ =	strace $0x9FFFFFFF  }
0xc4: {  	(tm) =	ssettm $0x7FFFFFFF  }
0xc5: {  	_ =	shalt  }
tec
execute0_lowered:
.L_overlay_start_1:
0x0: {  	(tag) =	ssettag $0x1  }
0x1: {  	s7 =	rddreg [dreg:$0x0]  }
0x2: {  	s1 =	rddreg [dreg:$0x1];
	s0 =	stileid.u32  }
0x3: {  	s2 =	srdreg.scid;
	s3 =	rddreg [dreg:$0x2]  }
0x4: {  	s4 =	rddreg [dreg:$0x3];
	s5 =	simm.s32 $0x0;
	s6 =	smul.u32 $0x6200, s0  }
0x5: {  	s17 =	simm.s32 $0x70;
	s18 =	simm.s32 $0x0;
	s9 =	smul.u32 $0xC40, s0  }
0x6: {  	s8 =	sand.u32 $0x1, s2;
	s2 =	rddreg [dreg:$0x4];
	s11 =	smul.u32 $0xA00, s0  }
0x7: {  	[smem:$0x7FF] =	sst s5;
	s30 =	sshll.u32 s0, $0x6;
	s10 =	smul.u32 $0x620, s8  }
0x8: {  	s12 =	smul.u32 $0xA000, s8;
	_ =	strace $0x80000053;
	s13 =	ssub.s32 $0x2, s8  }
0x9: {  	s14 =	smul.u32 $0x3100, s8;
	s24 =	sadd.s32 s6, s7;
	s6 =	sadd.s32 $0x3800, s7  }
0xa: {  	s29 =	sshrl.u32 s13, $0x1;
	s15 =	sadd.s32 s11, s3;
	s16 =	sadd.s32 s11, s4  }
0xb: {  	s9 =	sadd.s32 s10, s9;
	s26 =	sadd.s32 s11, s12;
	s13 =	ssub.s32 s13, s29  }
0xc: {  	s31 =	sadd.s32 s14, s24;
	s14 =	simm.s32 $0x1;
	s25 =	sshrl.u32 s9, $0x3  }
0xd: {  	s9 =	sshrl.u32 s26, $0x3;
	s10 =	smax.u32 s13, $0x1;
	s11 =	sadd.s32 $0xE5400, s31  }
0xe: {  	s13 =	sshrl.u32 s15, $0x3;
	s15 =	sshrl.u32 s16, $0x3;
	s16 =	simm.s32 $0x1C70  }
0xf: {  	s28 =	sadd.s32 s25, s7;
	s9 =	sadd.s32 s9, s7;
	s7 =	sor.u32 $0x1C01, s30  }
0x10: {  	s8 =	sadd.s32 $0x6200, s9;
	s9 =	sadd.s32 $0x3A00, s9;
	s12 =	sadd.s32 $0xE3A00, s28  }
.LBB2_1:
0x11: {  	[spmem:s13], [sflag:s7] =	dma.local [hbm:s6], $0x140  }
0x12: {  	_ =	swait.ge [sflag:s14], $0x140  }
0x13: {  	[sflag:s14] =	ssyncset.done $0x0  }
0x14: {  	[sflag:s14] =	ssyncadd.s32 $0xFFFFFEC0  }
0x15: {  	[spmem:s15], [sflag:s7] =	dma.local [hbm:s6], $0x140  }
0x16: {  	_ =	swait.ge [sflag:s14], $0x140  }
0x17: {  	[sflag:s14] =	ssyncset.done $0x0  }
0x18: {  	[sflag:s14] =	ssyncadd.s32 $0xFFFFFEC0  }
0x19: {  	[tilespmem:s16], [sflag:$0x1] =	stream.linear.gather [hbm4b:s1+s5], $0x1C00, $0x38;
	[tilespmem:$0x4C70] =	vst v63  }
0x1a: {  	_ =	swait.ge [sflag:s14], $0x1C00  }
0x1b: {  	[sflag:s14] =	ssyncset.done $0x0  }
0x1c: {  	[sflag:s14] =	ssyncadd.s32 $0xFFFFE400  }
0x1d: {  	s19 =	sadd.s32 $0x0, s12;
	[bflag:$0x0] =	sbarrier.arrive $0xFFFF  }
0x1e: {  	[tilespmem:s5], [sflag:$0x1] =	stream.linear.gather [hbm4b:s19+s5], $0x70, $0x38;
	[tilespmem:$0x4C70] =	vst v63  }
0x1f: {  	_ =	swait.ge [sflag:s14], $0x70  }
0x20: {  	[sflag:s14] =	ssyncset.done $0x0  }
0x21: {  	[sflag:s14] =	ssyncadd.s32 $0xFFFFFF90  }
0x22: {  	[tilespmem:s17], [sflag:$0x1] =	stream.linear.gather [hbm4b:s11+s5], $0x1C00, $0x38;
	[tilespmem:$0x4C70] =	vst v63  }
0x23: {  	_ =	swait.ge [sflag:s14], $0x1C00  }
0x24: {  	[sflag:s14] =	ssyncset.done $0x0  }
0x25: {  	[sflag:s14] =	ssyncadd.s32 $0xFFFFE400  }
0x26: {  	[spmem:s3] =	stream.indirect.scatter.add.f32 [tilespmem:s17], [sflag:$0x1], $0x40, s5, s17, $0xb8;
	[tilespmem:$0x4C70] =	vst v63  }
0x27: {  	_ =	swait.ge [sflag:s14], $0x1C00  }
0x28: {  	[sflag:s14] =	ssyncset.done $0x0  }
0x29: {  	[sflag:s14] =	ssyncadd.s32 $0xFFFFE400  }
0x2a: {  	[spmem:s4] =	stream.indirect.scatter.add.f32 [tilespmem:s16], [sflag:$0x1], $0x40, s5, s17, $0xb8;
	[tilespmem:$0x4C70] =	vst v63  }
0x2b: {  	s20 =	simm.s32 $0xE;
	_ =	swait.ge [sflag:s14], $0x1C00  }
0x2c: {  	s21 =	simm.s32 $0x1C;
	s19 =	sadd.s32 $0x380, s11;
	[sflag:s14] =	ssyncset.done $0x0  }
.LBB2_2:
0x2d: {  	s22 =	sadd.s32 s20, s12  }
0x2e: {  	[sflag:s14] =	ssyncadd.s32 $0xFFFFE400;
	s20 =	smov.u32 s21;
	s23 =	sadd.s32 $0xE, s21  }
0x2f: {  	[tilespmem:s5], [sflag:$0x1] =	stream.linear.gather [hbm4b:s22+s5], $0x70, $0x38;
	[tilespmem:$0x4C70] =	vst v63  }
0x30: {  	p0 =	sne.s32 s21, $0xB6;
	_ =	swait.ge [sflag:s14], $0x70  }
0x31: {  	[sflag:s14] =	ssyncset.done $0x0  }
0x32: {  	[sflag:s14] =	ssyncadd.s32 $0xFFFFFF90  }
0x33: {  	[tilespmem:s17], [sflag:$0x1] =	stream.linear.gather [hbm4b:s19+s5], $0x1C00, $0x38;
	[tilespmem:$0x4C70] =	vst v63  }
0x34: {  	_ =	swait.ge [sflag:s14], $0x1C00  }
0x35: {  	[sflag:s14] =	ssyncset.done $0x0  }
0x36: {  	[sflag:s14] =	ssyncadd.s32 $0xFFFFE400  }
0x37: {  	[spmem:s3] =	stream.indirect.scatter.add.f32 [tilespmem:s17], [sflag:$0x1], $0x40, s5, s17, $0xb8;
	[tilespmem:$0x4C70] =	vst v63  }
0x38: {  	_ =	swait.ge [sflag:s14], $0x1C00  }
.Ltmp0:
0x39: {  	[sflag:s14] =	ssyncset.done $0x0;
	(pc) =	sbr.rel @p0 .LBB2_2-.Ltmp0, $4  }
0x3a: {  	[sflag:s14] =	ssyncadd.s32 $0xFFFFE400  }
0x3b: {  	[spmem:s4] =	stream.indirect.scatter.add.f32 [tilespmem:s16], [sflag:$0x1], $0x40, s5, s17, $0xb8;
	[tilespmem:$0x4C70] =	vst v63  }
0x3c: {  	_ =	swait.ge [sflag:s14], $0x1C00  }
0x3d: {  	s21 =	smov.u32 s23;
	s19 =	sadd.s32 $0x380, s19;
	[sflag:s14] =	ssyncset.done $0x0  }
0x3e: {  	s20 =	sadd.s32 s20, s12;
	[sflag:s14] =	ssyncadd.s32 $0xFFFFE400  }
0x3f: {  	[tilespmem:s5], [sflag:$0x1] =	stream.linear.gather [hbm4b:s20+s5], $0x70, $0x38;
	[tilespmem:$0x4C70] =	vst v63  }
0x40: {  	_ =	swait.ge [sflag:s14], $0x70  }
0x41: {  	[sflag:s14] =	ssyncset.done $0x0  }
0x42: {  	[sflag:s14] =	ssyncadd.s32 $0xFFFFFF90  }
0x43: {  	[tilespmem:s17], [sflag:$0x1] =	stream.linear.gather [hbm4b:s19+s5], $0x1C00, $0x38;
	[tilespmem:$0x4C70] =	vst v63  }
0x44: {  	_ =	swait.ge [sflag:s14], $0x1C00  }
0x45: {  	[sflag:s14] =	ssyncset.done $0x0  }
0x46: {  	[sflag:s14] =	ssyncadd.s32 $0xFFFFE400  }
0x47: {  	[spmem:s3] =	stream.indirect.scatter.add.f32 [tilespmem:s17], [sflag:$0x1], $0x40, s5, s17, $0xb8;
	[tilespmem:$0x4C70] =	vst v63  }
0x48: {  	_ =	swait.ge [sflag:s14], $0x1C00  }
0x49: {  	[sflag:s14] =	ssyncset.done $0x0  }
0x4a: {  	[sflag:s14] =	ssyncadd.s32 $0xFFFFE400  }
0x4b: {  	[spmem:s4] =	stream.indirect.scatter.add.f32 [tilespmem:s16], [sflag:$0x1], $0x40, s5, s17, $0xb8;
	[tilespmem:$0x4C70] =	vst v63  }
0x4c: {  	_ =	swait.ge [sflag:s14], $0x1C00  }
0x4d: {  	[sflag:s14] =	ssyncset.done $0x0  }
0x4e: {  	[sflag:s14] =	ssyncadd.s32 $0xFFFFE400  }
0x4f: {  	[bflag:$0x0] =	sbarrier.arrive $0xFFFF  }
0x50: {  	[hbm:s8], [sflag:s7] =	dma.local [spmem:s13], $0x140  }
0x51: {  	s18 =	sadd.s32 $0x1, s18;
	_ =	swait.ge [sflag:s14], $0x140  }
0x52: {  	p0 =	sne.s32 s18, s10;
	[sflag:s14] =	ssyncset.done $0x0  }
.Ltmp1:
0x53: {  	[sflag:s14] =	ssyncadd.s32 $0xFFFFFEC0;
	(pc) =	sbr.rel @p0 .LBB2_1-.Ltmp1, $4  }
0x54: {  	[hbm:s9], [sflag:s7] =	dma.local [spmem:s15], $0x140  }
0x55: {  	_ =	swait.ge [sflag:s14], $0x140  }
0x56: {  	[sflag:s14] =	ssyncset.done $0x0  }
0x57: {  	[sflag:s14] =	ssyncadd.s32 $0xFFFFFEC0  }
0x58: {  	_ =	sfence.sel $0x180000  }
0x59: {  	[bflag:$0x0] =	sbarrier.arrive $0xFFFF  }
0x5a: {  	p0 =	sne.s32 s0, $0x0;
	_ =	strace $0x90000053  }
0x5b: {  	s0 =	sadd.s32 @!p0 $0x100000, s2;
	[bflag:$0x2] =	sbarrier.arrive $0xFFFF  }
0x5c: {  	[sflag:s0] =	ssyncadd.tile.s32 @!p0 $0x1;
	_ =	shalt  }
.Lfunc_end2:
_tile_overlayer_lowered:
.L_overlay_start_2:
0x5d: {  	(tag) =	ssettag $0x2  }
0x5e: {  	s0 =	rddreg [dreg:$0x0];
	s2 =	stileid.u32  }
0x5f: {  	s1 =	rddreg [dreg:$0x1];
	p0 =	sne.s32 s2, $0x0  }
0x60: {  	s3 =	rddreg [dreg:$0x2];
	[bflag:$0x3] =	sbarrier.arrive $0xFFFF;
	s2 =	simm.s32 @!p0 $0x1C01  }
0x61: {  	[timem:s3], [sflag:s2] =	dma.local @!p0 [hbm:s0], s1  }
0x62: {  	s0 =	simm.s32 @!p0 $0x1  }
0x63: {  	_ =	swait.ge @!p0 [sflag:s0], s1  }
0x64: {  	s1 =	ssub.s32 @!p0 $0x0, s1;
	[sflag:s0] =	ssyncset.done @!p0 $0x0  }
0x65: {  	[sflag:s0] =	ssyncadd.s32 @!p0 s1  }
0x66: {  	[bflag:$0x3] =	sbarrier.arrive $0xFFFF  }
0x67: {  	_ =	shalt  }

</sc_bundles>
